<compile_context>
chip_gen: v7x
topology: tpu7x:2x2x1
jax: 0.10.2.dev20260603
libtpu: 0.0.44.dev20260713+nightly
codegen_flags: <defaults>
</compile_context>

<pallas_src>
import functools

import jax
import jax.numpy as jnp
from jax import lax
from jax.experimental import pallas as pl
from jax.experimental.pallas import tpu as pltpu
from jax.experimental.pallas import tpu_sc as plsc

_D = 128
_NC = 2
_NS = 16
_NW = _NC * _NS
_CHUNK = 64
_NBUF = 10
_LAG = 5


@functools.partial(jax.jit, static_argnames=("n",))
def _gather(idx3d, table, *, n):
    per_w = n // _NW
    nch = per_w // _CHUNK
    ngroups = nch // _NBUF
    mesh = plsc.VectorSubcoreMesh(core_axis_name="c", subcore_axis_name="s")

    @functools.partial(
        pl.kernel,
        out_type=jax.ShapeDtypeStruct((n, _D), jnp.float32),
        mesh=mesh,
        scratch_types=[
            pltpu.VMEM((nch, _CHUNK), jnp.int32),
            pltpu.VMEM((_NBUF, _CHUNK, _D), jnp.float32),
            pltpu.SemaphoreType.DMA((_NBUF,)),
            pltpu.SemaphoreType.DMA((_NBUF,)),
        ],
    )
    def body(idx_hbm, table_hbm, out_hbm, idx_v, rows_v, gsem, ssem):
        wid = lax.axis_index("s") * _NC + lax.axis_index("c")
        base = wid * per_w
        pltpu.sync_copy(idx_hbm.at[wid], idx_v)

        def start_gather(j, b):
            pltpu.async_copy(table_hbm.at[idx_v.at[j]], rows_v.at[b],
                             gsem.at[b])

        def wait_store(i, b):
            pltpu.make_async_copy(
                rows_v.at[b],
                out_hbm.at[pl.ds(base + i * _CHUNK, _CHUNK)],
                ssem.at[b]).wait()

        def start_store(i, b):
            pltpu.make_async_copy(table_hbm.at[idx_v.at[i]], rows_v.at[b],
                                  gsem.at[b]).wait()
            pltpu.async_copy(rows_v.at[b],
                             out_hbm.at[pl.ds(base + i * _CHUNK, _CHUNK)],
                             ssem.at[b])

        def do_group(g, first):
            for b in range(_NBUF):
                j = g * _NBUF + b
                if not first:
                    wait_store(j - _NBUF, b)
                start_gather(j, b)
                if not (first and b < _LAG):
                    start_store(j - _LAG, (b - _LAG) % _NBUF)

        do_group(0, True)

        @pl.loop(1, ngroups)
        def _(g):
            do_group(g, False)

        for i in range(nch - _LAG, nch):
            start_store(i, i % _NBUF)
        for b in range(_NBUF):
            wait_store(nch - _NBUF + b, b)

    return body(idx3d, table)


def kernel(index, table):
    b, l = index.shape
    n = b * l
    idx3d = index.reshape(_NW, n // (_NW * _CHUNK), _CHUNK)
    out = _gather(idx3d, table, n=n)
    return out.reshape(b, l, _D)

# --- scband reference (transcript-rebuilt; emitter-appended) ---
"""Pipeline reference for scband-gptlanguage-model-24318104830078 (READ-ONLY COPY).

The authoritative reference and input builder live on the scoring server;
editing this copy changes nothing except your own understanding.
"""

import jax, jax.numpy as jnp
import numpy as np

NUM_EMBEDDINGS = 128
VOCAB = 1000000
B, L = 1024, 200

def setup_inputs(seed: int = 0) -> dict:
    key = jax.random.key(seed)
    k_idx, k_tab = jax.random.split(key)
    index = jax.random.randint(k_idx, (B, L), 0, VOCAB, dtype=jnp.int64 if jax.config.jax_enable_x64 else jnp.int32)
    table = jax.random.normal(k_tab, (VOCAB, NUM_EMBEDDINGS), dtype=jnp.float32) * 0.02
    return {"index": index, "table": table}

def reference(index, table):
    # GPTLanguageModel.forward with targets=None:
    # logits = token_embedding_table(index); loss = None
    logits = jnp.take(table, index, axis=0)
    return logits

if __name__ == "__main__":
    import jax
    _d = setup_inputs()
    print(jax.jit(kernel)(*tuple(_d.values())))

</pallas_src>

<mosaic_0001>
#map = affine_map<(d0, d1) -> (0, 0, 0)>
#map1 = affine_map<(d0, d1) -> (0, 0)>
module attributes {stable_mosaic.version = 14 : i64} {
  func.func @body(%arg0: i32, %arg1: i32, %arg2: memref<32x100x64xi32, #tpu.memory_space<hbm>>, %arg3: memref<1000000x128xf32, #tpu.memory_space<hbm>>, %arg4: memref<204800x128xf32, #tpu.memory_space<hbm>>, %arg5: memref<100x64xi32, #tpu.memory_space<vmem>>, %arg6: memref<10x64x128xf32, #tpu.memory_space<vmem>>, %arg7: memref<10x!tpu.dma_semaphore, #tpu.memory_space<semaphore_mem>>, %arg8: memref<10x!tpu.dma_semaphore, #tpu.memory_space<semaphore_mem>>) attributes {dimension_semantics = [#tpu.dimension_semantics<core_parallel>, #tpu.dimension_semantics<subcore_parallel>], iteration_bounds = array<i64: 2, 16>, scalar_prefetch = 0 : i64, scratch_operands = 4 : i64, tpu.core_type = #tpu.core_type<sc_vector_subcore>, window_params = [{transform_indices = #map}, {transform_indices = #map1}, {transform_indices = #map1}]} {
    %mul3A = arith.constant 2 : i32
    %mul3A_0 = arith.muli %arg1, %mul3A : i32
    %add3A = arith.addi %mul3A_0, %arg0 : i32
    %mul3A_1 = arith.constant 6400 : i32
    %mul3A_2 = arith.muli %add3A, %mul3A_1 : i32
    "tpu.region"() ({
      %run_scoped3A = tpu.sem_alloc : memref<!tpu.dma_semaphore, #tpu.memory_space<semaphore_mem>>
      %dma_start3A_665 = arith.constant 0 : i32
      %dma_start3A_666 = arith.constant 0 : i32
      %dma_start3A_667 = tpu.memref_slice %arg2[%add3A, %dma_start3A_665, %dma_start3A_666] : memref<32x100x64xi32, #tpu.memory_space<hbm>> -> memref<1x100x64xi32, #tpu.memory_space<hbm>>
      %dma_start3A_668 = tpu.memref_squeeze %dma_start3A_667 : memref<1x100x64xi32, #tpu.memory_space<hbm>> -> memref<100x64xi32, #tpu.memory_space<hbm>>
      %dma_start3A_669 = arith.constant 0 : i32
      %dma_start3A_670 = arith.constant 0 : i32
      %dma_start3A_671 = tpu.memref_slice %arg2[%add3A, %dma_start3A_669, %dma_start3A_670] : memref<32x100x64xi32, #tpu.memory_space<hbm>> -> memref<1x100x64xi32, #tpu.memory_space<hbm>>
      %dma_start3A_672 = tpu.memref_squeeze %dma_start3A_671 : memref<1x100x64xi32, #tpu.memory_space<hbm>> -> memref<100x64xi32, #tpu.memory_space<hbm>>
      tpu.enqueue_dma source(%dma_start3A_672 : memref<100x64xi32, #tpu.memory_space<hbm>>) target(%arg5 : memref<100x64xi32, #tpu.memory_space<vmem>>) target_semaphore(%run_scoped3A : memref<!tpu.dma_semaphore, #tpu.memory_space<semaphore_mem>>)
      %dma_wait3A_673 = arith.constant 0 : i32
      %dma_wait3A_674 = arith.constant 0 : i32
      %dma_wait3A_675 = tpu.memref_slice %arg2[%add3A, %dma_wait3A_673, %dma_wait3A_674] : memref<32x100x64xi32, #tpu.memory_space<hbm>> -> memref<1x100x64xi32, #tpu.memory_space<hbm>>
      %dma_wait3A_676 = tpu.memref_squeeze %dma_wait3A_675 : memref<1x100x64xi32, #tpu.memory_space<hbm>> -> memref<100x64xi32, #tpu.memory_space<hbm>>
      %dma_wait3A_677 = arith.constant 0 : i32
      %dma_wait3A_678 = arith.constant 0 : i32
      %dma_wait3A_679 = tpu.memref_slice %arg2[%add3A, %dma_wait3A_677, %dma_wait3A_678] : memref<32x100x64xi32, #tpu.memory_space<hbm>> -> memref<1x100x64xi32, #tpu.memory_space<hbm>>
      %dma_wait3A_680 = tpu.memref_squeeze %dma_wait3A_679 : memref<1x100x64xi32, #tpu.memory_space<hbm>> -> memref<100x64xi32, #tpu.memory_space<hbm>>
      tpu.wait_dma2 semaphore(%run_scoped3A : memref<!tpu.dma_semaphore, #tpu.memory_space<semaphore_mem>>) src(%dma_wait3A_680 : memref<100x64xi32, #tpu.memory_space<hbm>>) dst(%arg5 : memref<100x64xi32, #tpu.memory_space<vmem>>)
      tpu.yield
    }) : () -> ()
    %dma_start3A = arith.constant 0 : i32
    %dma_start3A_3 = arith.constant 0 : i32
    %dma_start3A_4 = arith.constant 0 : i32
    %dma_start3A_5 = arith.constant 0 : i32
    %dma_start3A_6 = arith.constant 0 : i32
    %dma_start3A_7 = tpu.memref_slice %arg6[%dma_start3A_3, %dma_start3A_5, %dma_start3A_6] : memref<10x64x128xf32, #tpu.memory_space<vmem>> -> memref<1x64x128xf32, #tpu.memory_space<vmem>>
    %dma_start3A_8 = tpu.memref_squeeze %dma_start3A_7 : memref<1x64x128xf32, #tpu.memory_space<vmem>> -> memref<64x128xf32, #tpu.memory_space<vmem>>
    %dma_start3A_9 = arith.constant 0 : i32
    %dma_start3A_10 = tpu.memref_slice %arg5[%dma_start3A, %dma_start3A_9] : memref<100x64xi32, #tpu.memory_space<vmem>> -> memref<1x64xi32, #tpu.memory_space<vmem>>
    %dma_start3A_11 = tpu.memref_squeeze %dma_start3A_10 : memref<1x64xi32, #tpu.memory_space<vmem>> -> memref<64xi32, #tpu.memory_space<vmem>>
    %dma_start3A_12 = arith.constant 0 : i32
    %dma_start3A_13 = arith.constant 0 : i32
    %dma_start3A_14 = tpu.memref_slice %arg3[%dma_start3A_12, %dma_start3A_13] : memref<1000000x128xf32, #tpu.memory_space<hbm>> -> memref<1000000x128xf32, #tpu.memory_space<hbm>>
    %dma_start3A_15 = tpu.memref_slice %arg7[%dma_start3A_4] : memref<10x!tpu.dma_semaphore, #tpu.memory_space<semaphore_mem>> -> memref<1x!tpu.dma_semaphore, #tpu.memory_space<semaphore_mem>>
    %dma_start3A_16 = tpu.memref_squeeze %dma_start3A_15 : memref<1x!tpu.dma_semaphore, #tpu.memory_space<semaphore_mem>> -> memref<!tpu.dma_semaphore, #tpu.memory_space<semaphore_mem>>
    tpu.enqueue_indirect_dma source(%dma_start3A_14 : memref<1000000x128xf32, #tpu.memory_space<hbm>>) target(%dma_start3A_8 : memref<64x128xf32, #tpu.memory_space<vmem>>) offsets(%dma_start3A_11 : memref<64xi32, #tpu.memory_space<vmem>>) semaphore(%dma_start3A_16 : memref<!tpu.dma_semaphore, #tpu.memory_space<semaphore_mem>>)
    %dma_start3A_17 = arith.constant 1 : i32
    %dma_start3A_18 = arith.constant 1 : i32
    %dma_start3A_19 = arith.constant 1 : i32
    %dma_start3A_20 = arith.constant 0 : i32
    %dma_start3A_21 = arith.constant 0 : i32
    %dma_start3A_22 = tpu.memref_slice %arg6[%dma_start3A_18, %dma_start3A_20, %dma_start3A_21] : memref<10x64x128xf32, #tpu.memory_space<vmem>> -> memref<1x64x128xf32, #tpu.memory_space<vmem>>
    %dma_start3A_23 = tpu.memref_squeeze %dma_start3A_22 : memref<1x64x128xf32, #tpu.memory_space<vmem>> -> memref<64x128xf32, #tpu.memory_space<vmem>>
    %dma_start3A_24 = arith.constant 0 : i32
    %dma_start3A_25 = tpu.memref_slice %arg5[%dma_start3A_17, %dma_start3A_24] : memref<100x64xi32, #tpu.memory_space<vmem>> -> memref<1x64xi32, #tpu.memory_space<vmem>>
    %dma_start3A_26 = tpu.memref_squeeze %dma_start3A_25 : memref<1x64xi32, #tpu.memory_space<vmem>> -> memref<64xi32, #tpu.memory_space<vmem>>
    %dma_start3A_27 = arith.constant 0 : i32
    %dma_start3A_28 = arith.constant 0 : i32
    %dma_start3A_29 = tpu.memref_slice %arg3[%dma_start3A_27, %dma_start3A_28] : memref<1000000x128xf32, #tpu.memory_space<hbm>> -> memref<1000000x128xf32, #tpu.memory_space<hbm>>
    %dma_start3A_30 = tpu.memref_slice %arg7[%dma_start3A_19] : memref<10x!tpu.dma_semaphore, #tpu.memory_space<semaphore_mem>> -> memref<1x!tpu.dma_semaphore, #tpu.memory_space<semaphore_mem>>
    %dma_start3A_31 = tpu.memref_squeeze %dma_start3A_30 : memref<1x!tpu.dma_semaphore, #tpu.memory_space<semaphore_mem>> -> memref<!tpu.dma_semaphore, #tpu.memory_space<semaphore_mem>>
    tpu.enqueue_indirect_dma source(%dma_start3A_29 : memref<1000000x128xf32, #tpu.memory_space<hbm>>) target(%dma_start3A_23 : memref<64x128xf32, #tpu.memory_space<vmem>>) offsets(%dma_start3A_26 : memref<64xi32, #tpu.memory_space<vmem>>) semaphore(%dma_start3A_31 : memref<!tpu.dma_semaphore, #tpu.memory_space<semaphore_mem>>)
    %dma_start3A_32 = arith.constant 2 : i32
    %dma_start3A_33 = arith.constant 2 : i32
    %dma_start3A_34 = arith.constant 2 : i32
    %dma_start3A_35 = arith.constant 0 : i32
    %dma_start3A_36 = arith.constant 0 : i32
    %dma_start3A_37 = tpu.memref_slice %arg6[%dma_start3A_33, %dma_start3A_35, %dma_start3A_36] : memref<10x64x128xf32, #tpu.memory_space<vmem>> -> memref<1x64x128xf32, #tpu.memory_space<vmem>>
    %dma_start3A_38 = tpu.memref_squeeze %dma_start3A_37 : memref<1x64x128xf32, #tpu.memory_space<vmem>> -> memref<64x128xf32, #tpu.memory_space<vmem>>
    %dma_start3A_39 = arith.constant 0 : i32
    %dma_start3A_40 = tpu.memref_slice %arg5[%dma_start3A_32, %dma_start3A_39] : memref<100x64xi32, #tpu.memory_space<vmem>> -> memref<1x64xi32, #tpu.memory_space<vmem>>
    %dma_start3A_41 = tpu.memref_squeeze %dma_start3A_40 : memref<1x64xi32, #tpu.memory_space<vmem>> -> memref<64xi32, #tpu.memory_space<vmem>>
    %dma_start3A_42 = arith.constant 0 : i32
    %dma_start3A_43 = arith.constant 0 : i32
    %dma_start3A_44 = tpu.memref_slice %arg3[%dma_start3A_42, %dma_start3A_43] : memref<1000000x128xf32, #tpu.memory_space<hbm>> -> memref<1000000x128xf32, #tpu.memory_space<hbm>>
    %dma_start3A_45 = tpu.memref_slice %arg7[%dma_start3A_34] : memref<10x!tpu.dma_semaphore, #tpu.memory_space<semaphore_mem>> -> memref<1x!tpu.dma_semaphore, #tpu.memory_space<semaphore_mem>>
    %dma_start3A_46 = tpu.memref_squeeze %dma_start3A_45 : memref<1x!tpu.dma_semaphore, #tpu.memory_space<semaphore_mem>> -> memref<!tpu.dma_semaphore, #tpu.memory_space<semaphore_mem>>
    tpu.enqueue_indirect_dma source(%dma_start3A_44 : memref<1000000x128xf32, #tpu.memory_space<hbm>>) target(%dma_start3A_38 : memref<64x128xf32, #tpu.memory_space<vmem>>) offsets(%dma_start3A_41 : memref<64xi32, #tpu.memory_space<vmem>>) semaphore(%dma_start3A_46 : memref<!tpu.dma_semaphore, #tpu.memory_space<semaphore_mem>>)
    %dma_start3A_47 = arith.constant 3 : i32
    %dma_start3A_48 = arith.constant 3 : i32
    %dma_start3A_49 = arith.constant 3 : i32
    %dma_start3A_50 = arith.constant 0 : i32
    %dma_start3A_51 = arith.constant 0 : i32
    %dma_start3A_52 = tpu.memref_slice %arg6[%dma_start3A_48, %dma_start3A_50, %dma_start3A_51] : memref<10x64x128xf32, #tpu.memory_space<vmem>> -> memref<1x64x128xf32, #tpu.memory_space<vmem>>
    %dma_start3A_53 = tpu.memref_squeeze %dma_start3A_52 : memref<1x64x128xf32, #tpu.memory_space<vmem>> -> memref<64x128xf32, #tpu.memory_space<vmem>>
    %dma_start3A_54 = arith.constant 0 : i32
    %dma_start3A_55 = tpu.memref_slice %arg5[%dma_start3A_47, %dma_start3A_54] : memref<100x64xi32, #tpu.memory_space<vmem>> -> memref<1x64xi32, #tpu.memory_space<vmem>>
    %dma_start3A_56 = tpu.memref_squeeze %dma_start3A_55 : memref<1x64xi32, #tpu.memory_space<vmem>> -> memref<64xi32, #tpu.memory_space<vmem>>
    %dma_start3A_57 = arith.constant 0 : i32
    %dma_start3A_58 = arith.constant 0 : i32
    %dma_start3A_59 = tpu.memref_slice %arg3[%dma_start3A_57, %dma_start3A_58] : memref<1000000x128xf32, #tpu.memory_space<hbm>> -> memref<1000000x128xf32, #tpu.memory_space<hbm>>
    %dma_start3A_60 = tpu.memref_slice %arg7[%dma_start3A_49] : memref<10x!tpu.dma_semaphore, #tpu.memory_space<semaphore_mem>> -> memref<1x!tpu.dma_semaphore, #tpu.memory_space<semaphore_mem>>
    %dma_start3A_61 = tpu.memref_squeeze %dma_start3A_60 : memref<1x!tpu.dma_semaphore, #tpu.memory_space<semaphore_mem>> -> memref<!tpu.dma_semaphore, #tpu.memory_space<semaphore_mem>>
    tpu.enqueue_indirect_dma source(%dma_start3A_59 : memref<1000000x128xf32, #tpu.memory_space<hbm>>) target(%dma_start3A_53 : memref<64x128xf32, #tpu.memory_space<vmem>>) offsets(%dma_start3A_56 : memref<64xi32, #tpu.memory_space<vmem>>) semaphore(%dma_start3A_61 : memref<!tpu.dma_semaphore, #tpu.memory_space<semaphore_mem>>)
    %dma_start3A_62 = arith.constant 4 : i32
    %dma_start3A_63 = arith.constant 4 : i32
    %dma_start3A_64 = arith.constant 4 : i32
    %dma_start3A_65 = arith.constant 0 : i32
    %dma_start3A_66 = arith.constant 0 : i32
    %dma_start3A_67 = tpu.memref_slice %arg6[%dma_start3A_63, %dma_start3A_65, %dma_start3A_66] : memref<10x64x128xf32, #tpu.memory_space<vmem>> -> memref<1x64x128xf32, #tpu.memory_space<vmem>>
    %dma_start3A_68 = tpu.memref_squeeze %dma_start3A_67 : memref<1x64x128xf32, #tpu.memory_space<vmem>> -> memref<64x128xf32, #tpu.memory_space<vmem>>
    %dma_start3A_69 = arith.constant 0 : i32
    %dma_start3A_70 = tpu.memref_slice %arg5[%dma_start3A_62, %dma_start3A_69] : memref<100x64xi32, #tpu.memory_space<vmem>> -> memref<1x64xi32, #tpu.memory_space<vmem>>
    %dma_start3A_71 = tpu.memref_squeeze %dma_start3A_70 : memref<1x64xi32, #tpu.memory_space<vmem>> -> memref<64xi32, #tpu.memory_space<vmem>>
    %dma_start3A_72 = arith.constant 0 : i32
    %dma_start3A_73 = arith.constant 0 : i32
    %dma_start3A_74 = tpu.memref_slice %arg3[%dma_start3A_72, %dma_start3A_73] : memref<1000000x128xf32, #tpu.memory_space<hbm>> -> memref<1000000x128xf32, #tpu.memory_space<hbm>>
    %dma_start3A_75 = tpu.memref_slice %arg7[%dma_start3A_64] : memref<10x!tpu.dma_semaphore, #tpu.memory_space<semaphore_mem>> -> memref<1x!tpu.dma_semaphore, #tpu.memory_space<semaphore_mem>>
    %dma_start3A_76 = tpu.memref_squeeze %dma_start3A_75 : memref<1x!tpu.dma_semaphore, #tpu.memory_space<semaphore_mem>> -> memref<!tpu.dma_semaphore, #tpu.memory_space<semaphore_mem>>
    tpu.enqueue_indirect_dma source(%dma_start3A_74 : memref<1000000x128xf32, #tpu.memory_space<hbm>>) target(%dma_start3A_68 : memref<64x128xf32, #tpu.memory_space<vmem>>) offsets(%dma_start3A_71 : memref<64xi32, #tpu.memory_space<vmem>>) semaphore(%dma_start3A_76 : memref<!tpu.dma_semaphore, #tpu.memory_space<semaphore_mem>>)
    %dma_start3A_77 = arith.constant 5 : i32
    %dma_start3A_78 = arith.constant 5 : i32
    %dma_start3A_79 = arith.constant 5 : i32
    %dma_start3A_80 = arith.constant 0 : i32
    %dma_start3A_81 = arith.constant 0 : i32
    %dma_start3A_82 = tpu.memref_slice %arg6[%dma_start3A_78, %dma_start3A_80, %dma_start3A_81] : memref<10x64x128xf32, #tpu.memory_space<vmem>> -> memref<1x64x128xf32, #tpu.memory_space<vmem>>
    %dma_start3A_83 = tpu.memref_squeeze %dma_start3A_82 : memref<1x64x128xf32, #tpu.memory_space<vmem>> -> memref<64x128xf32, #tpu.memory_space<vmem>>
    %dma_start3A_84 = arith.constant 0 : i32
    %dma_start3A_85 = tpu.memref_slice %arg5[%dma_start3A_77, %dma_start3A_84] : memref<100x64xi32, #tpu.memory_space<vmem>> -> memref<1x64xi32, #tpu.memory_space<vmem>>
    %dma_start3A_86 = tpu.memref_squeeze %dma_start3A_85 : memref<1x64xi32, #tpu.memory_space<vmem>> -> memref<64xi32, #tpu.memory_space<vmem>>
    %dma_start3A_87 = arith.constant 0 : i32
    %dma_start3A_88 = arith.constant 0 : i32
    %dma_start3A_89 = tpu.memref_slice %arg3[%dma_start3A_87, %dma_start3A_88] : memref<1000000x128xf32, #tpu.memory_space<hbm>> -> memref<1000000x128xf32, #tpu.memory_space<hbm>>
    %dma_start3A_90 = tpu.memref_slice %arg7[%dma_start3A_79] : memref<10x!tpu.dma_semaphore, #tpu.memory_space<semaphore_mem>> -> memref<1x!tpu.dma_semaphore, #tpu.memory_space<semaphore_mem>>
    %dma_start3A_91 = tpu.memref_squeeze %dma_start3A_90 : memref<1x!tpu.dma_semaphore, #tpu.memory_space<semaphore_mem>> -> memref<!tpu.dma_semaphore, #tpu.memory_space<semaphore_mem>>
    tpu.enqueue_indirect_dma source(%dma_start3A_89 : memref<1000000x128xf32, #tpu.memory_space<hbm>>) target(%dma_start3A_83 : memref<64x128xf32, #tpu.memory_space<vmem>>) offsets(%dma_start3A_86 : memref<64xi32, #tpu.memory_space<vmem>>) semaphore(%dma_start3A_91 : memref<!tpu.dma_semaphore, #tpu.memory_space<semaphore_mem>>)
    %dma_wait3A = arith.constant 0 : i32
    %dma_wait3A_92 = arith.constant 0 : i32
    %dma_wait3A_93 = arith.constant 0 : i32
    %dma_wait3A_94 = arith.constant 0 : i32
    %dma_wait3A_95 = arith.constant 0 : i32
    %dma_wait3A_96 = tpu.memref_slice %arg6[%dma_wait3A_92, %dma_wait3A_94, %dma_wait3A_95] : memref<10x64x128xf32, #tpu.memory_space<vmem>> -> memref<1x64x128xf32, #tpu.memory_space<vmem>>
    %dma_wait3A_97 = tpu.memref_squeeze %dma_wait3A_96 : memref<1x64x128xf32, #tpu.memory_space<vmem>> -> memref<64x128xf32, #tpu.memory_space<vmem>>
    %dma_wait3A_98 = arith.constant 0 : i32
    %dma_wait3A_99 = tpu.memref_slice %arg5[%dma_wait3A, %dma_wait3A_98] : memref<100x64xi32, #tpu.memory_space<vmem>> -> memref<1x64xi32, #tpu.memory_space<vmem>>
    %dma_wait3A_100 = tpu.memref_squeeze %dma_wait3A_99 : memref<1x64xi32, #tpu.memory_space<vmem>> -> memref<64xi32, #tpu.memory_space<vmem>>
    %dma_wait3A_101 = arith.constant 0 : i32
    %dma_wait3A_102 = arith.constant 0 : i32
    %dma_wait3A_103 = tpu.memref_slice %arg3[%dma_wait3A_101, %dma_wait3A_102] : memref<1000000x128xf32, #tpu.memory_space<hbm>> -> memref<1000000x128xf32, #tpu.memory_space<hbm>>
    %dma_wait3A_104 = tpu.memref_slice %arg7[%dma_wait3A_93] : memref<10x!tpu.dma_semaphore, #tpu.memory_space<semaphore_mem>> -> memref<1x!tpu.dma_semaphore, #tpu.memory_space<semaphore_mem>>
    %dma_wait3A_105 = tpu.memref_squeeze %dma_wait3A_104 : memref<1x!tpu.dma_semaphore, #tpu.memory_space<semaphore_mem>> -> memref<!tpu.dma_semaphore, #tpu.memory_space<semaphore_mem>>
    tpu.wait_indirect_dma semaphore(%dma_wait3A_105 : memref<!tpu.dma_semaphore, #tpu.memory_space<semaphore_mem>>) src(%dma_wait3A_103 : memref<1000000x128xf32, #tpu.memory_space<hbm>>) dst(%dma_wait3A_97 : memref<64x128xf32, #tpu.memory_space<vmem>>)
    %add3A_106 = arith.constant 0 : i32
    %add3A_107 = arith.addi %mul3A_2, %add3A_106 : i32
    %dma_start3A_108 = arith.constant 0 : i32
    %dma_start3A_109 = arith.constant 0 : i32
    %dma_start3A_110 = arith.constant 0 : i32
    %dma_start3A_111 = arith.constant 0 : i32
    %dma_start3A_112 = tpu.memref_slice %arg6[%dma_start3A_108, %dma_start3A_110, %dma_start3A_111] : memref<10x64x128xf32, #tpu.memory_space<vmem>> -> memref<1x64x128xf32, #tpu.memory_space<vmem>>
    %dma_start3A_113 = tpu.memref_squeeze %dma_start3A_112 : memref<1x64x128xf32, #tpu.memory_space<vmem>> -> memref<64x128xf32, #tpu.memory_space<vmem>>
    %dma_start3A_114 = arith.constant 0 : i32
    %dma_start3A_115 = tpu.memref_slice %arg4[%add3A_107, %dma_start3A_114] : memref<204800x128xf32, #tpu.memory_space<hbm>> -> memref<64x128xf32, #tpu.memory_space<hbm>>
    %dma_start3A_116 = tpu.memref_slice %arg8[%dma_start3A_109] : memref<10x!tpu.dma_semaphore, #tpu.memory_space<semaphore_mem>> -> memref<1x!tpu.dma_semaphore, #tpu.memory_space<semaphore_mem>>
    %dma_start3A_117 = tpu.memref_squeeze %dma_start3A_116 : memref<1x!tpu.dma_semaphore, #tpu.memory_space<semaphore_mem>> -> memref<!tpu.dma_semaphore, #tpu.memory_space<semaphore_mem>>
    %dma_start3A_118 = arith.constant 0 : i32
    %dma_start3A_119 = tpu.memref_slice %arg4[%add3A_107, %dma_start3A_118] : memref<204800x128xf32, #tpu.memory_space<hbm>> -> memref<64x128xf32, #tpu.memory_space<hbm>>
    %dma_start3A_120 = arith.constant 0 : i32
    %dma_start3A_121 = arith.constant 0 : i32
    %dma_start3A_122 = tpu.memref_slice %arg6[%dma_start3A_108, %dma_start3A_120, %dma_start3A_121] : memref<10x64x128xf32, #tpu.memory_space<vmem>> -> memref<1x64x128xf32, #tpu.memory_space<vmem>>
    %dma_start3A_123 = tpu.memref_squeeze %dma_start3A_122 : memref<1x64x128xf32, #tpu.memory_space<vmem>> -> memref<64x128xf32, #tpu.memory_space<vmem>>
    tpu.enqueue_dma source(%dma_start3A_123 : memref<64x128xf32, #tpu.memory_space<vmem>>) target(%dma_start3A_119 : memref<64x128xf32, #tpu.memory_space<hbm>>) target_semaphore(%dma_start3A_117 : memref<!tpu.dma_semaphore, #tpu.memory_space<semaphore_mem>>)
    %dma_start3A_124 = arith.constant 6 : i32
    %dma_start3A_125 = arith.constant 6 : i32
    %dma_start3A_126 = arith.constant 6 : i32
    %dma_start3A_127 = arith.constant 0 : i32
    %dma_start3A_128 = arith.constant 0 : i32
    %dma_start3A_129 = tpu.memref_slice %arg6[%dma_start3A_125, %dma_start3A_127, %dma_start3A_128] : memref<10x64x128xf32, #tpu.memory_space<vmem>> -> memref<1x64x128xf32, #tpu.memory_space<vmem>>
    %dma_start3A_130 = tpu.memref_squeeze %dma_start3A_129 : memref<1x64x128xf32, #tpu.memory_space<vmem>> -> memref<64x128xf32, #tpu.memory_space<vmem>>
    %dma_start3A_131 = arith.constant 0 : i32
    %dma_start3A_132 = tpu.memref_slice %arg5[%dma_start3A_124, %dma_start3A_131] : memref<100x64xi32, #tpu.memory_space<vmem>> -> memref<1x64xi32, #tpu.memory_space<vmem>>
    %dma_start3A_133 = tpu.memref_squeeze %dma_start3A_132 : memref<1x64xi32, #tpu.memory_space<vmem>> -> memref<64xi32, #tpu.memory_space<vmem>>
    %dma_start3A_134 = arith.constant 0 : i32
    %dma_start3A_135 = arith.constant 0 : i32
    %dma_start3A_136 = tpu.memref_slice %arg3[%dma_start3A_134, %dma_start3A_135] : memref<1000000x128xf32, #tpu.memory_space<hbm>> -> memref<1000000x128xf32, #tpu.memory_space<hbm>>
    %dma_start3A_137 = tpu.memref_slice %arg7[%dma_start3A_126] : memref<10x!tpu.dma_semaphore, #tpu.memory_space<semaphore_mem>> -> memref<1x!tpu.dma_semaphore, #tpu.memory_space<semaphore_mem>>
    %dma_start3A_138 = tpu.memref_squeeze %dma_start3A_137 : memref<1x!tpu.dma_semaphore, #tpu.memory_space<semaphore_mem>> -> memref<!tpu.dma_semaphore, #tpu.memory_space<semaphore_mem>>
    tpu.enqueue_indirect_dma source(%dma_start3A_136 : memref<1000000x128xf32, #tpu.memory_space<hbm>>) target(%dma_start3A_130 : memref<64x128xf32, #tpu.memory_space<vmem>>) offsets(%dma_start3A_133 : memref<64xi32, #tpu.memory_space<vmem>>) semaphore(%dma_start3A_138 : memref<!tpu.dma_semaphore, #tpu.memory_space<semaphore_mem>>)
    %dma_wait3A_139 = arith.constant 1 : i32
    %dma_wait3A_140 = arith.constant 1 : i32
    %dma_wait3A_141 = arith.constant 1 : i32
    %dma_wait3A_142 = arith.constant 0 : i32
    %dma_wait3A_143 = arith.constant 0 : i32
    %dma_wait3A_144 = tpu.memref_slice %arg6[%dma_wait3A_140, %dma_wait3A_142, %dma_wait3A_143] : memref<10x64x128xf32, #tpu.memory_space<vmem>> -> memref<1x64x128xf32, #tpu.memory_space<vmem>>
    %dma_wait3A_145 = tpu.memref_squeeze %dma_wait3A_144 : memref<1x64x128xf32, #tpu.memory_space<vmem>> -> memref<64x128xf32, #tpu.memory_space<vmem>>
    %dma_wait3A_146 = arith.constant 0 : i32
    %dma_wait3A_147 = tpu.memref_slice %arg5[%dma_wait3A_139, %dma_wait3A_146] : memref<100x64xi32, #tpu.memory_space<vmem>> -> memref<1x64xi32, #tpu.memory_space<vmem>>
    %dma_wait3A_148 = tpu.memref_squeeze %dma_wait3A_147 : memref<1x64xi32, #tpu.memory_space<vmem>> -> memref<64xi32, #tpu.memory_space<vmem>>
    %dma_wait3A_149 = arith.constant 0 : i32
    %dma_wait3A_150 = arith.constant 0 : i32
    %dma_wait3A_151 = tpu.memref_slice %arg3[%dma_wait3A_149, %dma_wait3A_150] : memref<1000000x128xf32, #tpu.memory_space<hbm>> -> memref<1000000x128xf32, #tpu.memory_space<hbm>>
    %dma_wait3A_152 = tpu.memref_slice %arg7[%dma_wait3A_141] : memref<10x!tpu.dma_semaphore, #tpu.memory_space<semaphore_mem>> -> memref<1x!tpu.dma_semaphore, #tpu.memory_space<semaphore_mem>>
    %dma_wait3A_153 = tpu.memref_squeeze %dma_wait3A_152 : memref<1x!tpu.dma_semaphore, #tpu.memory_space<semaphore_mem>> -> memref<!tpu.dma_semaphore, #tpu.memory_space<semaphore_mem>>
    tpu.wait_indirect_dma semaphore(%dma_wait3A_153 : memref<!tpu.dma_semaphore, #tpu.memory_space<semaphore_mem>>) src(%dma_wait3A_151 : memref<1000000x128xf32, #tpu.memory_space<hbm>>) dst(%dma_wait3A_145 : memref<64x128xf32, #tpu.memory_space<vmem>>)
    %add3A_154 = arith.constant 64 : i32
    %add3A_155 = arith.addi %mul3A_2, %add3A_154 : i32
    %dma_start3A_156 = arith.constant 1 : i32
    %dma_start3A_157 = arith.constant 1 : i32
    %dma_start3A_158 = arith.constant 0 : i32
    %dma_start3A_159 = arith.constant 0 : i32
    %dma_start3A_160 = tpu.memref_slice %arg6[%dma_start3A_156, %dma_start3A_158, %dma_start3A_159] : memref<10x64x128xf32, #tpu.memory_space<vmem>> -> memref<1x64x128xf32, #tpu.memory_space<vmem>>
    %dma_start3A_161 = tpu.memref_squeeze %dma_start3A_160 : memref<1x64x128xf32, #tpu.memory_space<vmem>> -> memref<64x128xf32, #tpu.memory_space<vmem>>
    %dma_start3A_162 = arith.constant 0 : i32
    %dma_start3A_163 = tpu.memref_slice %arg4[%add3A_155, %dma_start3A_162] : memref<204800x128xf32, #tpu.memory_space<hbm>> -> memref<64x128xf32, #tpu.memory_space<hbm>>
    %dma_start3A_164 = tpu.memref_slice %arg8[%dma_start3A_157] : memref<10x!tpu.dma_semaphore, #tpu.memory_space<semaphore_mem>> -> memref<1x!tpu.dma_semaphore, #tpu.memory_space<semaphore_mem>>
    %dma_start3A_165 = tpu.memref_squeeze %dma_start3A_164 : memref<1x!tpu.dma_semaphore, #tpu.memory_space<semaphore_mem>> -> memref<!tpu.dma_semaphore, #tpu.memory_space<semaphore_mem>>
    %dma_start3A_166 = arith.constant 0 : i32
    %dma_start3A_167 = tpu.memref_slice %arg4[%add3A_155, %dma_start3A_166] : memref<204800x128xf32, #tpu.memory_space<hbm>> -> memref<64x128xf32, #tpu.memory_space<hbm>>
    %dma_start3A_168 = arith.constant 0 : i32
    %dma_start3A_169 = arith.constant 0 : i32
    %dma_start3A_170 = tpu.memref_slice %arg6[%dma_start3A_156, %dma_start3A_168, %dma_start3A_169] : memref<10x64x128xf32, #tpu.memory_space<vmem>> -> memref<1x64x128xf32, #tpu.memory_space<vmem>>
    %dma_start3A_171 = tpu.memref_squeeze %dma_start3A_170 : memref<1x64x128xf32, #tpu.memory_space<vmem>> -> memref<64x128xf32, #tpu.memory_space<vmem>>
    tpu.enqueue_dma source(%dma_start3A_171 : memref<64x128xf32, #tpu.memory_space<vmem>>) target(%dma_start3A_167 : memref<64x128xf32, #tpu.memory_space<hbm>>) target_semaphore(%dma_start3A_165 : memref<!tpu.dma_semaphore, #tpu.memory_space<semaphore_mem>>)
    %dma_start3A_172 = arith.constant 7 : i32
    %dma_start3A_173 = arith.constant 7 : i32
    %dma_start3A_174 = arith.constant 7 : i32
    %dma_start3A_175 = arith.constant 0 : i32
    %dma_start3A_176 = arith.constant 0 : i32
    %dma_start3A_177 = tpu.memref_slice %arg6[%dma_start3A_173, %dma_start3A_175, %dma_start3A_176] : memref<10x64x128xf32, #tpu.memory_space<vmem>> -> memref<1x64x128xf32, #tpu.memory_space<vmem>>
    %dma_start3A_178 = tpu.memref_squeeze %dma_start3A_177 : memref<1x64x128xf32, #tpu.memory_space<vmem>> -> memref<64x128xf32, #tpu.memory_space<vmem>>
    %dma_start3A_179 = arith.constant 0 : i32
    %dma_start3A_180 = tpu.memref_slice %arg5[%dma_start3A_172, %dma_start3A_179] : memref<100x64xi32, #tpu.memory_space<vmem>> -> memref<1x64xi32, #tpu.memory_space<vmem>>
    %dma_start3A_181 = tpu.memref_squeeze %dma_start3A_180 : memref<1x64xi32, #tpu.memory_space<vmem>> -> memref<64xi32, #tpu.memory_space<vmem>>
    %dma_start3A_182 = arith.constant 0 : i32
    %dma_start3A_183 = arith.constant 0 : i32
    %dma_start3A_184 = tpu.memref_slice %arg3[%dma_start3A_182, %dma_start3A_183] : memref<1000000x128xf32, #tpu.memory_space<hbm>> -> memref<1000000x128xf32, #tpu.memory_space<hbm>>
    %dma_start3A_185 = tpu.memref_slice %arg7[%dma_start3A_174] : memref<10x!tpu.dma_semaphore, #tpu.memory_space<semaphore_mem>> -> memref<1x!tpu.dma_semaphore, #tpu.memory_space<semaphore_mem>>
    %dma_start3A_186 = tpu.memref_squeeze %dma_start3A_185 : memref<1x!tpu.dma_semaphore, #tpu.memory_space<semaphore_mem>> -> memref<!tpu.dma_semaphore, #tpu.memory_space<semaphore_mem>>
    tpu.enqueue_indirect_dma source(%dma_start3A_184 : memref<1000000x128xf32, #tpu.memory_space<hbm>>) target(%dma_start3A_178 : memref<64x128xf32, #tpu.memory_space<vmem>>) offsets(%dma_start3A_181 : memref<64xi32, #tpu.memory_space<vmem>>) semaphore(%dma_start3A_186 : memref<!tpu.dma_semaphore, #tpu.memory_space<semaphore_mem>>)
    %dma_wait3A_187 = arith.constant 2 : i32
    %dma_wait3A_188 = arith.constant 2 : i32
    %dma_wait3A_189 = arith.constant 2 : i32
    %dma_wait3A_190 = arith.constant 0 : i32
    %dma_wait3A_191 = arith.constant 0 : i32
    %dma_wait3A_192 = tpu.memref_slice %arg6[%dma_wait3A_188, %dma_wait3A_190, %dma_wait3A_191] : memref<10x64x128xf32, #tpu.memory_space<vmem>> -> memref<1x64x128xf32, #tpu.memory_space<vmem>>
    %dma_wait3A_193 = tpu.memref_squeeze %dma_wait3A_192 : memref<1x64x128xf32, #tpu.memory_space<vmem>> -> memref<64x128xf32, #tpu.memory_space<vmem>>
    %dma_wait3A_194 = arith.constant 0 : i32
    %dma_wait3A_195 = tpu.memref_slice %arg5[%dma_wait3A_187, %dma_wait3A_194] : memref<100x64xi32, #tpu.memory_space<vmem>> -> memref<1x64xi32, #tpu.memory_space<vmem>>
    %dma_wait3A_196 = tpu.memref_squeeze %dma_wait3A_195 : memref<1x64xi32, #tpu.memory_space<vmem>> -> memref<64xi32, #tpu.memory_space<vmem>>
    %dma_wait3A_197 = arith.constant 0 : i32
    %dma_wait3A_198 = arith.constant 0 : i32
    %dma_wait3A_199 = tpu.memref_slice %arg3[%dma_wait3A_197, %dma_wait3A_198] : memref<1000000x128xf32, #tpu.memory_space<hbm>> -> memref<1000000x128xf32, #tpu.memory_space<hbm>>
    %dma_wait3A_200 = tpu.memref_slice %arg7[%dma_wait3A_189] : memref<10x!tpu.dma_semaphore, #tpu.memory_space<semaphore_mem>> -> memref<1x!tpu.dma_semaphore, #tpu.memory_space<semaphore_mem>>
    %dma_wait3A_201 = tpu.memref_squeeze %dma_wait3A_200 : memref<1x!tpu.dma_semaphore, #tpu.memory_space<semaphore_mem>> -> memref<!tpu.dma_semaphore, #tpu.memory_space<semaphore_mem>>
    tpu.wait_indirect_dma semaphore(%dma_wait3A_201 : memref<!tpu.dma_semaphore, #tpu.memory_space<semaphore_mem>>) src(%dma_wait3A_199 : memref<1000000x128xf32, #tpu.memory_space<hbm>>) dst(%dma_wait3A_193 : memref<64x128xf32, #tpu.memory_space<vmem>>)
    %add3A_202 = arith.constant 128 : i32
    %add3A_203 = arith.addi %mul3A_2, %add3A_202 : i32
    %dma_start3A_204 = arith.constant 2 : i32
    %dma_start3A_205 = arith.constant 2 : i32
    %dma_start3A_206 = arith.constant 0 : i32
    %dma_start3A_207 = arith.constant 0 : i32
    %dma_start3A_208 = tpu.memref_slice %arg6[%dma_start3A_204, %dma_start3A_206, %dma_start3A_207] : memref<10x64x128xf32, #tpu.memory_space<vmem>> -> memref<1x64x128xf32, #tpu.memory_space<vmem>>
    %dma_start3A_209 = tpu.memref_squeeze %dma_start3A_208 : memref<1x64x128xf32, #tpu.memory_space<vmem>> -> memref<64x128xf32, #tpu.memory_space<vmem>>
    %dma_start3A_210 = arith.constant 0 : i32
    %dma_start3A_211 = tpu.memref_slice %arg4[%add3A_203, %dma_start3A_210] : memref<204800x128xf32, #tpu.memory_space<hbm>> -> memref<64x128xf32, #tpu.memory_space<hbm>>
    %dma_start3A_212 = tpu.memref_slice %arg8[%dma_start3A_205] : memref<10x!tpu.dma_semaphore, #tpu.memory_space<semaphore_mem>> -> memref<1x!tpu.dma_semaphore, #tpu.memory_space<semaphore_mem>>
    %dma_start3A_213 = tpu.memref_squeeze %dma_start3A_212 : memref<1x!tpu.dma_semaphore, #tpu.memory_space<semaphore_mem>> -> memref<!tpu.dma_semaphore, #tpu.memory_space<semaphore_mem>>
    %dma_start3A_214 = arith.constant 0 : i32
    %dma_start3A_215 = tpu.memref_slice %arg4[%add3A_203, %dma_start3A_214] : memref<204800x128xf32, #tpu.memory_space<hbm>> -> memref<64x128xf32, #tpu.memory_space<hbm>>
    %dma_start3A_216 = arith.constant 0 : i32
    %dma_start3A_217 = arith.constant 0 : i32
    %dma_start3A_218 = tpu.memref_slice %arg6[%dma_start3A_204, %dma_start3A_216, %dma_start3A_217] : memref<10x64x128xf32, #tpu.memory_space<vmem>> -> memref<1x64x128xf32, #tpu.memory_space<vmem>>
    %dma_start3A_219 = tpu.memref_squeeze %dma_start3A_218 : memref<1x64x128xf32, #tpu.memory_space<vmem>> -> memref<64x128xf32, #tpu.memory_space<vmem>>
    tpu.enqueue_dma source(%dma_start3A_219 : memref<64x128xf32, #tpu.memory_space<vmem>>) target(%dma_start3A_215 : memref<64x128xf32, #tpu.memory_space<hbm>>) target_semaphore(%dma_start3A_213 : memref<!tpu.dma_semaphore, #tpu.memory_space<semaphore_mem>>)
    %dma_start3A_220 = arith.constant 8 : i32
    %dma_start3A_221 = arith.constant 8 : i32
    %dma_start3A_222 = arith.constant 8 : i32
    %dma_start3A_223 = arith.constant 0 : i32
    %dma_start3A_224 = arith.constant 0 : i32
    %dma_start3A_225 = tpu.memref_slice %arg6[%dma_start3A_221, %dma_start3A_223, %dma_start3A_224] : memref<10x64x128xf32, #tpu.memory_space<vmem>> -> memref<1x64x128xf32, #tpu.memory_space<vmem>>
    %dma_start3A_226 = tpu.memref_squeeze %dma_start3A_225 : memref<1x64x128xf32, #tpu.memory_space<vmem>> -> memref<64x128xf32, #tpu.memory_space<vmem>>
    %dma_start3A_227 = arith.constant 0 : i32
    %dma_start3A_228 = tpu.memref_slice %arg5[%dma_start3A_220, %dma_start3A_227] : memref<100x64xi32, #tpu.memory_space<vmem>> -> memref<1x64xi32, #tpu.memory_space<vmem>>
    %dma_start3A_229 = tpu.memref_squeeze %dma_start3A_228 : memref<1x64xi32, #tpu.memory_space<vmem>> -> memref<64xi32, #tpu.memory_space<vmem>>
    %dma_start3A_230 = arith.constant 0 : i32
    %dma_start3A_231 = arith.constant 0 : i32
    %dma_start3A_232 = tpu.memref_slice %arg3[%dma_start3A_230, %dma_start3A_231] : memref<1000000x128xf32, #tpu.memory_space<hbm>> -> memref<1000000x128xf32, #tpu.memory_space<hbm>>
    %dma_start3A_233 = tpu.memref_slice %arg7[%dma_start3A_222] : memref<10x!tpu.dma_semaphore, #tpu.memory_space<semaphore_mem>> -> memref<1x!tpu.dma_semaphore, #tpu.memory_space<semaphore_mem>>
    %dma_start3A_234 = tpu.memref_squeeze %dma_start3A_233 : memref<1x!tpu.dma_semaphore, #tpu.memory_space<semaphore_mem>> -> memref<!tpu.dma_semaphore, #tpu.memory_space<semaphore_mem>>
    tpu.enqueue_indirect_dma source(%dma_start3A_232 : memref<1000000x128xf32, #tpu.memory_space<hbm>>) target(%dma_start3A_226 : memref<64x128xf32, #tpu.memory_space<vmem>>) offsets(%dma_start3A_229 : memref<64xi32, #tpu.memory_space<vmem>>) semaphore(%dma_start3A_234 : memref<!tpu.dma_semaphore, #tpu.memory_space<semaphore_mem>>)
    %dma_wait3A_235 = arith.constant 3 : i32
    %dma_wait3A_236 = arith.constant 3 : i32
    %dma_wait3A_237 = arith.constant 3 : i32
    %dma_wait3A_238 = arith.constant 0 : i32
    %dma_wait3A_239 = arith.constant 0 : i32
    %dma_wait3A_240 = tpu.memref_slice %arg6[%dma_wait3A_236, %dma_wait3A_238, %dma_wait3A_239] : memref<10x64x128xf32, #tpu.memory_space<vmem>> -> memref<1x64x128xf32, #tpu.memory_space<vmem>>
    %dma_wait3A_241 = tpu.memref_squeeze %dma_wait3A_240 : memref<1x64x128xf32, #tpu.memory_space<vmem>> -> memref<64x128xf32, #tpu.memory_space<vmem>>
    %dma_wait3A_242 = arith.constant 0 : i32
    %dma_wait3A_243 = tpu.memref_slice %arg5[%dma_wait3A_235, %dma_wait3A_242] : memref<100x64xi32, #tpu.memory_space<vmem>> -> memref<1x64xi32, #tpu.memory_space<vmem>>
    %dma_wait3A_244 = tpu.memref_squeeze %dma_wait3A_243 : memref<1x64xi32, #tpu.memory_space<vmem>> -> memref<64xi32, #tpu.memory_space<vmem>>
    %dma_wait3A_245 = arith.constant 0 : i32
    %dma_wait3A_246 = arith.constant 0 : i32
    %dma_wait3A_247 = tpu.memref_slice %arg3[%dma_wait3A_245, %dma_wait3A_246] : memref<1000000x128xf32, #tpu.memory_space<hbm>> -> memref<1000000x128xf32, #tpu.memory_space<hbm>>
    %dma_wait3A_248 = tpu.memref_slice %arg7[%dma_wait3A_237] : memref<10x!tpu.dma_semaphore, #tpu.memory_space<semaphore_mem>> -> memref<1x!tpu.dma_semaphore, #tpu.memory_space<semaphore_mem>>
    %dma_wait3A_249 = tpu.memref_squeeze %dma_wait3A_248 : memref<1x!tpu.dma_semaphore, #tpu.memory_space<semaphore_mem>> -> memref<!tpu.dma_semaphore, #tpu.memory_space<semaphore_mem>>
    tpu.wait_indirect_dma semaphore(%dma_wait3A_249 : memref<!tpu.dma_semaphore, #tpu.memory_space<semaphore_mem>>) src(%dma_wait3A_247 : memref<1000000x128xf32, #tpu.memory_space<hbm>>) dst(%dma_wait3A_241 : memref<64x128xf32, #tpu.memory_space<vmem>>)
    %add3A_250 = arith.constant 192 : i32
    %add3A_251 = arith.addi %mul3A_2, %add3A_250 : i32
    %dma_start3A_252 = arith.constant 3 : i32
    %dma_start3A_253 = arith.constant 3 : i32
    %dma_start3A_254 = arith.constant 0 : i32
    %dma_start3A_255 = arith.constant 0 : i32
    %dma_start3A_256 = tpu.memref_slice %arg6[%dma_start3A_252, %dma_start3A_254, %dma_start3A_255] : memref<10x64x128xf32, #tpu.memory_space<vmem>> -> memref<1x64x128xf32, #tpu.memory_space<vmem>>
    %dma_start3A_257 = tpu.memref_squeeze %dma_start3A_256 : memref<1x64x128xf32, #tpu.memory_space<vmem>> -> memref<64x128xf32, #tpu.memory_space<vmem>>
    %dma_start3A_258 = arith.constant 0 : i32
    %dma_start3A_259 = tpu.memref_slice %arg4[%add3A_251, %dma_start3A_258] : memref<204800x128xf32, #tpu.memory_space<hbm>> -> memref<64x128xf32, #tpu.memory_space<hbm>>
    %dma_start3A_260 = tpu.memref_slice %arg8[%dma_start3A_253] : memref<10x!tpu.dma_semaphore, #tpu.memory_space<semaphore_mem>> -> memref<1x!tpu.dma_semaphore, #tpu.memory_space<semaphore_mem>>
    %dma_start3A_261 = tpu.memref_squeeze %dma_start3A_260 : memref<1x!tpu.dma_semaphore, #tpu.memory_space<semaphore_mem>> -> memref<!tpu.dma_semaphore, #tpu.memory_space<semaphore_mem>>
    %dma_start3A_262 = arith.constant 0 : i32
    %dma_start3A_263 = tpu.memref_slice %arg4[%add3A_251, %dma_start3A_262] : memref<204800x128xf32, #tpu.memory_space<hbm>> -> memref<64x128xf32, #tpu.memory_space<hbm>>
    %dma_start3A_264 = arith.constant 0 : i32
    %dma_start3A_265 = arith.constant 0 : i32
    %dma_start3A_266 = tpu.memref_slice %arg6[%dma_start3A_252, %dma_start3A_264, %dma_start3A_265] : memref<10x64x128xf32, #tpu.memory_space<vmem>> -> memref<1x64x128xf32, #tpu.memory_space<vmem>>
    %dma_start3A_267 = tpu.memref_squeeze %dma_start3A_266 : memref<1x64x128xf32, #tpu.memory_space<vmem>> -> memref<64x128xf32, #tpu.memory_space<vmem>>
    tpu.enqueue_dma source(%dma_start3A_267 : memref<64x128xf32, #tpu.memory_space<vmem>>) target(%dma_start3A_263 : memref<64x128xf32, #tpu.memory_space<hbm>>) target_semaphore(%dma_start3A_261 : memref<!tpu.dma_semaphore, #tpu.memory_space<semaphore_mem>>)
    %dma_start3A_268 = arith.constant 9 : i32
    %dma_start3A_269 = arith.constant 9 : i32
    %dma_start3A_270 = arith.constant 9 : i32
    %dma_start3A_271 = arith.constant 0 : i32
    %dma_start3A_272 = arith.constant 0 : i32
    %dma_start3A_273 = tpu.memref_slice %arg6[%dma_start3A_269, %dma_start3A_271, %dma_start3A_272] : memref<10x64x128xf32, #tpu.memory_space<vmem>> -> memref<1x64x128xf32, #tpu.memory_space<vmem>>
    %dma_start3A_274 = tpu.memref_squeeze %dma_start3A_273 : memref<1x64x128xf32, #tpu.memory_space<vmem>> -> memref<64x128xf32, #tpu.memory_space<vmem>>
    %dma_start3A_275 = arith.constant 0 : i32
    %dma_start3A_276 = tpu.memref_slice %arg5[%dma_start3A_268, %dma_start3A_275] : memref<100x64xi32, #tpu.memory_space<vmem>> -> memref<1x64xi32, #tpu.memory_space<vmem>>
    %dma_start3A_277 = tpu.memref_squeeze %dma_start3A_276 : memref<1x64xi32, #tpu.memory_space<vmem>> -> memref<64xi32, #tpu.memory_space<vmem>>
    %dma_start3A_278 = arith.constant 0 : i32
    %dma_start3A_279 = arith.constant 0 : i32
    %dma_start3A_280 = tpu.memref_slice %arg3[%dma_start3A_278, %dma_start3A_279] : memref<1000000x128xf32, #tpu.memory_space<hbm>> -> memref<1000000x128xf32, #tpu.memory_space<hbm>>
    %dma_start3A_281 = tpu.memref_slice %arg7[%dma_start3A_270] : memref<10x!tpu.dma_semaphore, #tpu.memory_space<semaphore_mem>> -> memref<1x!tpu.dma_semaphore, #tpu.memory_space<semaphore_mem>>
    %dma_start3A_282 = tpu.memref_squeeze %dma_start3A_281 : memref<1x!tpu.dma_semaphore, #tpu.memory_space<semaphore_mem>> -> memref<!tpu.dma_semaphore, #tpu.memory_space<semaphore_mem>>
    tpu.enqueue_indirect_dma source(%dma_start3A_280 : memref<1000000x128xf32, #tpu.memory_space<hbm>>) target(%dma_start3A_274 : memref<64x128xf32, #tpu.memory_space<vmem>>) offsets(%dma_start3A_277 : memref<64xi32, #tpu.memory_space<vmem>>) semaphore(%dma_start3A_282 : memref<!tpu.dma_semaphore, #tpu.memory_space<semaphore_mem>>)
    %dma_wait3A_283 = arith.constant 4 : i32
    %dma_wait3A_284 = arith.constant 4 : i32
    %dma_wait3A_285 = arith.constant 4 : i32
    %dma_wait3A_286 = arith.constant 0 : i32
    %dma_wait3A_287 = arith.constant 0 : i32
    %dma_wait3A_288 = tpu.memref_slice %arg6[%dma_wait3A_284, %dma_wait3A_286, %dma_wait3A_287] : memref<10x64x128xf32, #tpu.memory_space<vmem>> -> memref<1x64x128xf32, #tpu.memory_space<vmem>>
    %dma_wait3A_289 = tpu.memref_squeeze %dma_wait3A_288 : memref<1x64x128xf32, #tpu.memory_space<vmem>> -> memref<64x128xf32, #tpu.memory_space<vmem>>
    %dma_wait3A_290 = arith.constant 0 : i32
    %dma_wait3A_291 = tpu.memref_slice %arg5[%dma_wait3A_283, %dma_wait3A_290] : memref<100x64xi32, #tpu.memory_space<vmem>> -> memref<1x64xi32, #tpu.memory_space<vmem>>
    %dma_wait3A_292 = tpu.memref_squeeze %dma_wait3A_291 : memref<1x64xi32, #tpu.memory_space<vmem>> -> memref<64xi32, #tpu.memory_space<vmem>>
    %dma_wait3A_293 = arith.constant 0 : i32
    %dma_wait3A_294 = arith.constant 0 : i32
    %dma_wait3A_295 = tpu.memref_slice %arg3[%dma_wait3A_293, %dma_wait3A_294] : memref<1000000x128xf32, #tpu.memory_space<hbm>> -> memref<1000000x128xf32, #tpu.memory_space<hbm>>
    %dma_wait3A_296 = tpu.memref_slice %arg7[%dma_wait3A_285] : memref<10x!tpu.dma_semaphore, #tpu.memory_space<semaphore_mem>> -> memref<1x!tpu.dma_semaphore, #tpu.memory_space<semaphore_mem>>
    %dma_wait3A_297 = tpu.memref_squeeze %dma_wait3A_296 : memref<1x!tpu.dma_semaphore, #tpu.memory_space<semaphore_mem>> -> memref<!tpu.dma_semaphore, #tpu.memory_space<semaphore_mem>>
    tpu.wait_indirect_dma semaphore(%dma_wait3A_297 : memref<!tpu.dma_semaphore, #tpu.memory_space<semaphore_mem>>) src(%dma_wait3A_295 : memref<1000000x128xf32, #tpu.memory_space<hbm>>) dst(%dma_wait3A_289 : memref<64x128xf32, #tpu.memory_space<vmem>>)
    %add3A_298 = arith.constant 256 : i32
    %add3A_299 = arith.addi %mul3A_2, %add3A_298 : i32
    %dma_start3A_300 = arith.constant 4 : i32
    %dma_start3A_301 = arith.constant 4 : i32
    %dma_start3A_302 = arith.constant 0 : i32
    %dma_start3A_303 = arith.constant 0 : i32
    %dma_start3A_304 = tpu.memref_slice %arg6[%dma_start3A_300, %dma_start3A_302, %dma_start3A_303] : memref<10x64x128xf32, #tpu.memory_space<vmem>> -> memref<1x64x128xf32, #tpu.memory_space<vmem>>
    %dma_start3A_305 = tpu.memref_squeeze %dma_start3A_304 : memref<1x64x128xf32, #tpu.memory_space<vmem>> -> memref<64x128xf32, #tpu.memory_space<vmem>>
    %dma_start3A_306 = arith.constant 0 : i32
    %dma_start3A_307 = tpu.memref_slice %arg4[%add3A_299, %dma_start3A_306] : memref<204800x128xf32, #tpu.memory_space<hbm>> -> memref<64x128xf32, #tpu.memory_space<hbm>>
    %dma_start3A_308 = tpu.memref_slice %arg8[%dma_start3A_301] : memref<10x!tpu.dma_semaphore, #tpu.memory_space<semaphore_mem>> -> memref<1x!tpu.dma_semaphore, #tpu.memory_space<semaphore_mem>>
    %dma_start3A_309 = tpu.memref_squeeze %dma_start3A_308 : memref<1x!tpu.dma_semaphore, #tpu.memory_space<semaphore_mem>> -> memref<!tpu.dma_semaphore, #tpu.memory_space<semaphore_mem>>
    %dma_start3A_310 = arith.constant 0 : i32
    %dma_start3A_311 = tpu.memref_slice %arg4[%add3A_299, %dma_start3A_310] : memref<204800x128xf32, #tpu.memory_space<hbm>> -> memref<64x128xf32, #tpu.memory_space<hbm>>
    %dma_start3A_312 = arith.constant 0 : i32
    %dma_start3A_313 = arith.constant 0 : i32
    %dma_start3A_314 = tpu.memref_slice %arg6[%dma_start3A_300, %dma_start3A_312, %dma_start3A_313] : memref<10x64x128xf32, #tpu.memory_space<vmem>> -> memref<1x64x128xf32, #tpu.memory_space<vmem>>
    %dma_start3A_315 = tpu.memref_squeeze %dma_start3A_314 : memref<1x64x128xf32, #tpu.memory_space<vmem>> -> memref<64x128xf32, #tpu.memory_space<vmem>>
    tpu.enqueue_dma source(%dma_start3A_315 : memref<64x128xf32, #tpu.memory_space<vmem>>) target(%dma_start3A_311 : memref<64x128xf32, #tpu.memory_space<hbm>>) target_semaphore(%dma_start3A_309 : memref<!tpu.dma_semaphore, #tpu.memory_space<semaphore_mem>>)
    %scan3A = arith.constant 0 : i32
    %scan3A_316 = arith.constant 9 : i32
    %scan3A_317 = arith.addi %scan3A, %scan3A_316 : i32
    %scan3A_318 = arith.constant 1 : i32
    scf.for %scan3A_665 = %scan3A to %scan3A_317 step %scan3A_318  : i32 {
      %mul3A_666 = arith.constant 1 : i32
      %mul3A_667 = arith.muli %scan3A_665, %mul3A_666 : i32
      %add3A_668 = arith.constant 1 : i32
      %add3A_669 = arith.addi %add3A_668, %mul3A_667 : i32
      %mul3A_670 = arith.constant 10 : i32
      %mul3A_671 = arith.muli %add3A_669, %mul3A_670 : i32
      %add3A_672 = arith.constant 0 : i32
      %add3A_673 = arith.addi %mul3A_671, %add3A_672 : i32
      %sub3A = arith.constant 10 : i32
      %sub3A_674 = arith.subi %add3A_673, %sub3A : i32
      %mul3A_675 = arith.constant 64 : i32
      %mul3A_676 = arith.muli %sub3A_674, %mul3A_675 : i32
      %add3A_677 = arith.addi %mul3A_2, %mul3A_676 : i32
      %dma_wait3A_678 = arith.constant 0 : i32
      %dma_wait3A_679 = arith.constant 0 : i32
      %dma_wait3A_680 = arith.constant 0 : i32
      %dma_wait3A_681 = arith.constant 0 : i32
      %dma_wait3A_682 = tpu.memref_slice %arg6[%dma_wait3A_678, %dma_wait3A_680, %dma_wait3A_681] : memref<10x64x128xf32, #tpu.memory_space<vmem>> -> memref<1x64x128xf32, #tpu.memory_space<vmem>>
      %dma_wait3A_683 = tpu.memref_squeeze %dma_wait3A_682 : memref<1x64x128xf32, #tpu.memory_space<vmem>> -> memref<64x128xf32, #tpu.memory_space<vmem>>
      %dma_wait3A_684 = arith.constant 0 : i32
      %dma_wait3A_685 = tpu.memref_slice %arg4[%add3A_677, %dma_wait3A_684] : memref<204800x128xf32, #tpu.memory_space<hbm>> -> memref<64x128xf32, #tpu.memory_space<hbm>>
      %dma_wait3A_686 = tpu.memref_slice %arg8[%dma_wait3A_679] : memref<10x!tpu.dma_semaphore, #tpu.memory_space<semaphore_mem>> -> memref<1x!tpu.dma_semaphore, #tpu.memory_space<semaphore_mem>>
      %dma_wait3A_687 = tpu.memref_squeeze %dma_wait3A_686 : memref<1x!tpu.dma_semaphore, #tpu.memory_space<semaphore_mem>> -> memref<!tpu.dma_semaphore, #tpu.memory_space<semaphore_mem>>
      %dma_wait3A_688 = arith.constant 0 : i32
      %dma_wait3A_689 = tpu.memref_slice %arg4[%add3A_677, %dma_wait3A_688] : memref<204800x128xf32, #tpu.memory_space<hbm>> -> memref<64x128xf32, #tpu.memory_space<hbm>>
      %dma_wait3A_690 = arith.constant 0 : i32
      %dma_wait3A_691 = arith.constant 0 : i32
      %dma_wait3A_692 = tpu.memref_slice %arg6[%dma_wait3A_678, %dma_wait3A_690, %dma_wait3A_691] : memref<10x64x128xf32, #tpu.memory_space<vmem>> -> memref<1x64x128xf32, #tpu.memory_space<vmem>>
      %dma_wait3A_693 = tpu.memref_squeeze %dma_wait3A_692 : memref<1x64x128xf32, #tpu.memory_space<vmem>> -> memref<64x128xf32, #tpu.memory_space<vmem>>
      tpu.wait_dma2 semaphore(%dma_wait3A_687 : memref<!tpu.dma_semaphore, #tpu.memory_space<semaphore_mem>>) src(%dma_wait3A_693 : memref<64x128xf32, #tpu.memory_space<vmem>>) dst(%dma_wait3A_689 : memref<64x128xf32, #tpu.memory_space<hbm>>)
      %dma_start3A_694 = arith.constant 0 : i32
      %dma_start3A_695 = arith.constant 0 : i32
      %dma_start3A_696 = arith.constant 0 : i32
      %dma_start3A_697 = arith.constant 0 : i32
      %dma_start3A_698 = tpu.memref_slice %arg6[%dma_start3A_694, %dma_start3A_696, %dma_start3A_697] : memref<10x64x128xf32, #tpu.memory_space<vmem>> -> memref<1x64x128xf32, #tpu.memory_space<vmem>>
      %dma_start3A_699 = tpu.memref_squeeze %dma_start3A_698 : memref<1x64x128xf32, #tpu.memory_space<vmem>> -> memref<64x128xf32, #tpu.memory_space<vmem>>
      %dma_start3A_700 = arith.constant 0 : i32
      %dma_start3A_701 = tpu.memref_slice %arg5[%add3A_673, %dma_start3A_700] : memref<100x64xi32, #tpu.memory_space<vmem>> -> memref<1x64xi32, #tpu.memory_space<vmem>>
      %dma_start3A_702 = tpu.memref_squeeze %dma_start3A_701 : memref<1x64xi32, #tpu.memory_space<vmem>> -> memref<64xi32, #tpu.memory_space<vmem>>
      %dma_start3A_703 = arith.constant 0 : i32
      %dma_start3A_704 = arith.constant 0 : i32
      %dma_start3A_705 = tpu.memref_slice %arg3[%dma_start3A_703, %dma_start3A_704] : memref<1000000x128xf32, #tpu.memory_space<hbm>> -> memref<1000000x128xf32, #tpu.memory_space<hbm>>
      %dma_start3A_706 = tpu.memref_slice %arg7[%dma_start3A_695] : memref<10x!tpu.dma_semaphore, #tpu.memory_space<semaphore_mem>> -> memref<1x!tpu.dma_semaphore, #tpu.memory_space<semaphore_mem>>
      %dma_start3A_707 = tpu.memref_squeeze %dma_start3A_706 : memref<1x!tpu.dma_semaphore, #tpu.memory_space<semaphore_mem>> -> memref<!tpu.dma_semaphore, #tpu.memory_space<semaphore_mem>>
      tpu.enqueue_indirect_dma source(%dma_start3A_705 : memref<1000000x128xf32, #tpu.memory_space<hbm>>) target(%dma_start3A_699 : memref<64x128xf32, #tpu.memory_space<vmem>>) offsets(%dma_start3A_702 : memref<64xi32, #tpu.memory_space<vmem>>) semaphore(%dma_start3A_707 : memref<!tpu.dma_semaphore, #tpu.memory_space<semaphore_mem>>)
      %sub3A_708 = arith.constant 5 : i32
      %sub3A_709 = arith.subi %add3A_673, %sub3A_708 : i32
      %dma_wait3A_710 = arith.constant 5 : i32
      %dma_wait3A_711 = arith.constant 5 : i32
      %dma_wait3A_712 = arith.constant 0 : i32
      %dma_wait3A_713 = arith.constant 0 : i32
      %dma_wait3A_714 = tpu.memref_slice %arg6[%dma_wait3A_710, %dma_wait3A_712, %dma_wait3A_713] : memref<10x64x128xf32, #tpu.memory_space<vmem>> -> memref<1x64x128xf32, #tpu.memory_space<vmem>>
      %dma_wait3A_715 = tpu.memref_squeeze %dma_wait3A_714 : memref<1x64x128xf32, #tpu.memory_space<vmem>> -> memref<64x128xf32, #tpu.memory_space<vmem>>
      %dma_wait3A_716 = arith.constant 0 : i32
      %dma_wait3A_717 = tpu.memref_slice %arg5[%sub3A_709, %dma_wait3A_716] : memref<100x64xi32, #tpu.memory_space<vmem>> -> memref<1x64xi32, #tpu.memory_space<vmem>>
      %dma_wait3A_718 = tpu.memref_squeeze %dma_wait3A_717 : memref<1x64xi32, #tpu.memory_space<vmem>> -> memref<64xi32, #tpu.memory_space<vmem>>
      %dma_wait3A_719 = arith.constant 0 : i32
      %dma_wait3A_720 = arith.constant 0 : i32
      %dma_wait3A_721 = tpu.memref_slice %arg3[%dma_wait3A_719, %dma_wait3A_720] : memref<1000000x128xf32, #tpu.memory_space<hbm>> -> memref<1000000x128xf32, #tpu.memory_space<hbm>>
      %dma_wait3A_722 = tpu.memref_slice %arg7[%dma_wait3A_711] : memref<10x!tpu.dma_semaphore, #tpu.memory_space<semaphore_mem>> -> memref<1x!tpu.dma_semaphore, #tpu.memory_space<semaphore_mem>>
      %dma_wait3A_723 = tpu.memref_squeeze %dma_wait3A_722 : memref<1x!tpu.dma_semaphore, #tpu.memory_space<semaphore_mem>> -> memref<!tpu.dma_semaphore, #tpu.memory_space<semaphore_mem>>
      tpu.wait_indirect_dma semaphore(%dma_wait3A_723 : memref<!tpu.dma_semaphore, #tpu.memory_space<semaphore_mem>>) src(%dma_wait3A_721 : memref<1000000x128xf32, #tpu.memory_space<hbm>>) dst(%dma_wait3A_715 : memref<64x128xf32, #tpu.memory_space<vmem>>)
      %mul3A_724 = arith.constant 64 : i32
      %mul3A_725 = arith.muli %sub3A_709, %mul3A_724 : i32
      %add3A_726 = arith.addi %mul3A_2, %mul3A_725 : i32
      %dma_start3A_727 = arith.constant 5 : i32
      %dma_start3A_728 = arith.constant 5 : i32
      %dma_start3A_729 = arith.constant 0 : i32
      %dma_start3A_730 = arith.constant 0 : i32
      %dma_start3A_731 = tpu.memref_slice %arg6[%dma_start3A_727, %dma_start3A_729, %dma_start3A_730] : memref<10x64x128xf32, #tpu.memory_space<vmem>> -> memref<1x64x128xf32, #tpu.memory_space<vmem>>
      %dma_start3A_732 = tpu.memref_squeeze %dma_start3A_731 : memref<1x64x128xf32, #tpu.memory_space<vmem>> -> memref<64x128xf32, #tpu.memory_space<vmem>>
      %dma_start3A_733 = arith.constant 0 : i32
      %dma_start3A_734 = tpu.memref_slice %arg4[%add3A_726, %dma_start3A_733] : memref<204800x128xf32, #tpu.memory_space<hbm>> -> memref<64x128xf32, #tpu.memory_space<hbm>>
      %dma_start3A_735 = tpu.memref_slice %arg8[%dma_start3A_728] : memref<10x!tpu.dma_semaphore, #tpu.memory_space<semaphore_mem>> -> memref<1x!tpu.dma_semaphore, #tpu.memory_space<semaphore_mem>>
      %dma_start3A_736 = tpu.memref_squeeze %dma_start3A_735 : memref<1x!tpu.dma_semaphore, #tpu.memory_space<semaphore_mem>> -> memref<!tpu.dma_semaphore, #tpu.memory_space<semaphore_mem>>
      %dma_start3A_737 = arith.constant 0 : i32
      %dma_start3A_738 = tpu.memref_slice %arg4[%add3A_726, %dma_start3A_737] : memref<204800x128xf32, #tpu.memory_space<hbm>> -> memref<64x128xf32, #tpu.memory_space<hbm>>
      %dma_start3A_739 = arith.constant 0 : i32
      %dma_start3A_740 = arith.constant 0 : i32
      %dma_start3A_741 = tpu.memref_slice %arg6[%dma_start3A_727, %dma_start3A_739, %dma_start3A_740] : memref<10x64x128xf32, #tpu.memory_space<vmem>> -> memref<1x64x128xf32, #tpu.memory_space<vmem>>
      %dma_start3A_742 = tpu.memref_squeeze %dma_start3A_741 : memref<1x64x128xf32, #tpu.memory_space<vmem>> -> memref<64x128xf32, #tpu.memory_space<vmem>>
      tpu.enqueue_dma source(%dma_start3A_742 : memref<64x128xf32, #tpu.memory_space<vmem>>) target(%dma_start3A_738 : memref<64x128xf32, #tpu.memory_space<hbm>>) target_semaphore(%dma_start3A_736 : memref<!tpu.dma_semaphore, #tpu.memory_space<semaphore_mem>>)
      %mul3A_743 = arith.constant 10 : i32
      %mul3A_744 = arith.muli %add3A_669, %mul3A_743 : i32
      %add3A_745 = arith.constant 1 : i32
      %add3A_746 = arith.addi %mul3A_744, %add3A_745 : i32
      %sub3A_747 = arith.constant 10 : i32
      %sub3A_748 = arith.subi %add3A_746, %sub3A_747 : i32
      %mul3A_749 = arith.constant 64 : i32
      %mul3A_750 = arith.muli %sub3A_748, %mul3A_749 : i32
      %add3A_751 = arith.addi %mul3A_2, %mul3A_750 : i32
      %dma_wait3A_752 = arith.constant 1 : i32
      %dma_wait3A_753 = arith.constant 1 : i32
      %dma_wait3A_754 = arith.constant 0 : i32
      %dma_wait3A_755 = arith.constant 0 : i32
      %dma_wait3A_756 = tpu.memref_slice %arg6[%dma_wait3A_752, %dma_wait3A_754, %dma_wait3A_755] : memref<10x64x128xf32, #tpu.memory_space<vmem>> -> memref<1x64x128xf32, #tpu.memory_space<vmem>>
      %dma_wait3A_757 = tpu.memref_squeeze %dma_wait3A_756 : memref<1x64x128xf32, #tpu.memory_space<vmem>> -> memref<64x128xf32, #tpu.memory_space<vmem>>
      %dma_wait3A_758 = arith.constant 0 : i32
      %dma_wait3A_759 = tpu.memref_slice %arg4[%add3A_751, %dma_wait3A_758] : memref<204800x128xf32, #tpu.memory_space<hbm>> -> memref<64x128xf32, #tpu.memory_space<hbm>>
      %dma_wait3A_760 = tpu.memref_slice %arg8[%dma_wait3A_753] : memref<10x!tpu.dma_semaphore, #tpu.memory_space<semaphore_mem>> -> memref<1x!tpu.dma_semaphore, #tpu.memory_space<semaphore_mem>>
      %dma_wait3A_761 = tpu.memref_squeeze %dma_wait3A_760 : memref<1x!tpu.dma_semaphore, #tpu.memory_space<semaphore_mem>> -> memref<!tpu.dma_semaphore, #tpu.memory_space<semaphore_mem>>
      %dma_wait3A_762 = arith.constant 0 : i32
      %dma_wait3A_763 = tpu.memref_slice %arg4[%add3A_751, %dma_wait3A_762] : memref<204800x128xf32, #tpu.memory_space<hbm>> -> memref<64x128xf32, #tpu.memory_space<hbm>>
      %dma_wait3A_764 = arith.constant 0 : i32
      %dma_wait3A_765 = arith.constant 0 : i32
      %dma_wait3A_766 = tpu.memref_slice %arg6[%dma_wait3A_752, %dma_wait3A_764, %dma_wait3A_765] : memref<10x64x128xf32, #tpu.memory_space<vmem>> -> memref<1x64x128xf32, #tpu.memory_space<vmem>>
      %dma_wait3A_767 = tpu.memref_squeeze %dma_wait3A_766 : memref<1x64x128xf32, #tpu.memory_space<vmem>> -> memref<64x128xf32, #tpu.memory_space<vmem>>
      tpu.wait_dma2 semaphore(%dma_wait3A_761 : memref<!tpu.dma_semaphore, #tpu.memory_space<semaphore_mem>>) src(%dma_wait3A_767 : memref<64x128xf32, #tpu.memory_space<vmem>>) dst(%dma_wait3A_763 : memref<64x128xf32, #tpu.memory_space<hbm>>)
      %dma_start3A_768 = arith.constant 1 : i32
      %dma_start3A_769 = arith.constant 1 : i32
      %dma_start3A_770 = arith.constant 0 : i32
      %dma_start3A_771 = arith.constant 0 : i32
      %dma_start3A_772 = tpu.memref_slice %arg6[%dma_start3A_768, %dma_start3A_770, %dma_start3A_771] : memref<10x64x128xf32, #tpu.memory_space<vmem>> -> memref<1x64x128xf32, #tpu.memory_space<vmem>>
      %dma_start3A_773 = tpu.memref_squeeze %dma_start3A_772 : memref<1x64x128xf32, #tpu.memory_space<vmem>> -> memref<64x128xf32, #tpu.memory_space<vmem>>
      %dma_start3A_774 = arith.constant 0 : i32
      %dma_start3A_775 = tpu.memref_slice %arg5[%add3A_746, %dma_start3A_774] : memref<100x64xi32, #tpu.memory_space<vmem>> -> memref<1x64xi32, #tpu.memory_space<vmem>>
      %dma_start3A_776 = tpu.memref_squeeze %dma_start3A_775 : memref<1x64xi32, #tpu.memory_space<vmem>> -> memref<64xi32, #tpu.memory_space<vmem>>
      %dma_start3A_777 = arith.constant 0 : i32
      %dma_start3A_778 = arith.constant 0 : i32
      %dma_start3A_779 = tpu.memref_slice %arg3[%dma_start3A_777, %dma_start3A_778] : memref<1000000x128xf32, #tpu.memory_space<hbm>> -> memref<1000000x128xf32, #tpu.memory_space<hbm>>
      %dma_start3A_780 = tpu.memref_slice %arg7[%dma_start3A_769] : memref<10x!tpu.dma_semaphore, #tpu.memory_space<semaphore_mem>> -> memref<1x!tpu.dma_semaphore, #tpu.memory_space<semaphore_mem>>
      %dma_start3A_781 = tpu.memref_squeeze %dma_start3A_780 : memref<1x!tpu.dma_semaphore, #tpu.memory_space<semaphore_mem>> -> memref<!tpu.dma_semaphore, #tpu.memory_space<semaphore_mem>>
      tpu.enqueue_indirect_dma source(%dma_start3A_779 : memref<1000000x128xf32, #tpu.memory_space<hbm>>) target(%dma_start3A_773 : memref<64x128xf32, #tpu.memory_space<vmem>>) offsets(%dma_start3A_776 : memref<64xi32, #tpu.memory_space<vmem>>) semaphore(%dma_start3A_781 : memref<!tpu.dma_semaphore, #tpu.memory_space<semaphore_mem>>)
      %sub3A_782 = arith.constant 5 : i32
      %sub3A_783 = arith.subi %add3A_746, %sub3A_782 : i32
      %dma_wait3A_784 = arith.constant 6 : i32
      %dma_wait3A_785 = arith.constant 6 : i32
      %dma_wait3A_786 = arith.constant 0 : i32
      %dma_wait3A_787 = arith.constant 0 : i32
      %dma_wait3A_788 = tpu.memref_slice %arg6[%dma_wait3A_784, %dma_wait3A_786, %dma_wait3A_787] : memref<10x64x128xf32, #tpu.memory_space<vmem>> -> memref<1x64x128xf32, #tpu.memory_space<vmem>>
      %dma_wait3A_789 = tpu.memref_squeeze %dma_wait3A_788 : memref<1x64x128xf32, #tpu.memory_space<vmem>> -> memref<64x128xf32, #tpu.memory_space<vmem>>
      %dma_wait3A_790 = arith.constant 0 : i32
      %dma_wait3A_791 = tpu.memref_slice %arg5[%sub3A_783, %dma_wait3A_790] : memref<100x64xi32, #tpu.memory_space<vmem>> -> memref<1x64xi32, #tpu.memory_space<vmem>>
      %dma_wait3A_792 = tpu.memref_squeeze %dma_wait3A_791 : memref<1x64xi32, #tpu.memory_space<vmem>> -> memref<64xi32, #tpu.memory_space<vmem>>
      %dma_wait3A_793 = arith.constant 0 : i32
      %dma_wait3A_794 = arith.constant 0 : i32
      %dma_wait3A_795 = tpu.memref_slice %arg3[%dma_wait3A_793, %dma_wait3A_794] : memref<1000000x128xf32, #tpu.memory_space<hbm>> -> memref<1000000x128xf32, #tpu.memory_space<hbm>>
      %dma_wait3A_796 = tpu.memref_slice %arg7[%dma_wait3A_785] : memref<10x!tpu.dma_semaphore, #tpu.memory_space<semaphore_mem>> -> memref<1x!tpu.dma_semaphore, #tpu.memory_space<semaphore_mem>>
      %dma_wait3A_797 = tpu.memref_squeeze %dma_wait3A_796 : memref<1x!tpu.dma_semaphore, #tpu.memory_space<semaphore_mem>> -> memref<!tpu.dma_semaphore, #tpu.memory_space<semaphore_mem>>
      tpu.wait_indirect_dma semaphore(%dma_wait3A_797 : memref<!tpu.dma_semaphore, #tpu.memory_space<semaphore_mem>>) src(%dma_wait3A_795 : memref<1000000x128xf32, #tpu.memory_space<hbm>>) dst(%dma_wait3A_789 : memref<64x128xf32, #tpu.memory_space<vmem>>)
      %mul3A_798 = arith.constant 64 : i32
      %mul3A_799 = arith.muli %sub3A_783, %mul3A_798 : i32
      %add3A_800 = arith.addi %mul3A_2, %mul3A_799 : i32
      %dma_start3A_801 = arith.constant 6 : i32
      %dma_start3A_802 = arith.constant 6 : i32
      %dma_start3A_803 = arith.constant 0 : i32
      %dma_start3A_804 = arith.constant 0 : i32
      %dma_start3A_805 = tpu.memref_slice %arg6[%dma_start3A_801, %dma_start3A_803, %dma_start3A_804] : memref<10x64x128xf32, #tpu.memory_space<vmem>> -> memref<1x64x128xf32, #tpu.memory_space<vmem>>
      %dma_start3A_806 = tpu.memref_squeeze %dma_start3A_805 : memref<1x64x128xf32, #tpu.memory_space<vmem>> -> memref<64x128xf32, #tpu.memory_space<vmem>>
      %dma_start3A_807 = arith.constant 0 : i32
      %dma_start3A_808 = tpu.memref_slice %arg4[%add3A_800, %dma_start3A_807] : memref<204800x128xf32, #tpu.memory_space<hbm>> -> memref<64x128xf32, #tpu.memory_space<hbm>>
      %dma_start3A_809 = tpu.memref_slice %arg8[%dma_start3A_802] : memref<10x!tpu.dma_semaphore, #tpu.memory_space<semaphore_mem>> -> memref<1x!tpu.dma_semaphore, #tpu.memory_space<semaphore_mem>>
      %dma_start3A_810 = tpu.memref_squeeze %dma_start3A_809 : memref<1x!tpu.dma_semaphore, #tpu.memory_space<semaphore_mem>> -> memref<!tpu.dma_semaphore, #tpu.memory_space<semaphore_mem>>
      %dma_start3A_811 = arith.constant 0 : i32
      %dma_start3A_812 = tpu.memref_slice %arg4[%add3A_800, %dma_start3A_811] : memref<204800x128xf32, #tpu.memory_space<hbm>> -> memref<64x128xf32, #tpu.memory_space<hbm>>
      %dma_start3A_813 = arith.constant 0 : i32
      %dma_start3A_814 = arith.constant 0 : i32
      %dma_start3A_815 = tpu.memref_slice %arg6[%dma_start3A_801, %dma_start3A_813, %dma_start3A_814] : memref<10x64x128xf32, #tpu.memory_space<vmem>> -> memref<1x64x128xf32, #tpu.memory_space<vmem>>
      %dma_start3A_816 = tpu.memref_squeeze %dma_start3A_815 : memref<1x64x128xf32, #tpu.memory_space<vmem>> -> memref<64x128xf32, #tpu.memory_space<vmem>>
      tpu.enqueue_dma source(%dma_start3A_816 : memref<64x128xf32, #tpu.memory_space<vmem>>) target(%dma_start3A_812 : memref<64x128xf32, #tpu.memory_space<hbm>>) target_semaphore(%dma_start3A_810 : memref<!tpu.dma_semaphore, #tpu.memory_space<semaphore_mem>>)
      %mul3A_817 = arith.constant 10 : i32
      %mul3A_818 = arith.muli %add3A_669, %mul3A_817 : i32
      %add3A_819 = arith.constant 2 : i32
      %add3A_820 = arith.addi %mul3A_818, %add3A_819 : i32
      %sub3A_821 = arith.constant 10 : i32
      %sub3A_822 = arith.subi %add3A_820, %sub3A_821 : i32
      %mul3A_823 = arith.constant 64 : i32
      %mul3A_824 = arith.muli %sub3A_822, %mul3A_823 : i32
      %add3A_825 = arith.addi %mul3A_2, %mul3A_824 : i32
      %dma_wait3A_826 = arith.constant 2 : i32
      %dma_wait3A_827 = arith.constant 2 : i32
      %dma_wait3A_828 = arith.constant 0 : i32
      %dma_wait3A_829 = arith.constant 0 : i32
      %dma_wait3A_830 = tpu.memref_slice %arg6[%dma_wait3A_826, %dma_wait3A_828, %dma_wait3A_829] : memref<10x64x128xf32, #tpu.memory_space<vmem>> -> memref<1x64x128xf32, #tpu.memory_space<vmem>>
      %dma_wait3A_831 = tpu.memref_squeeze %dma_wait3A_830 : memref<1x64x128xf32, #tpu.memory_space<vmem>> -> memref<64x128xf32, #tpu.memory_space<vmem>>
      %dma_wait3A_832 = arith.constant 0 : i32
      %dma_wait3A_833 = tpu.memref_slice %arg4[%add3A_825, %dma_wait3A_832] : memref<204800x128xf32, #tpu.memory_space<hbm>> -> memref<64x128xf32, #tpu.memory_space<hbm>>
      %dma_wait3A_834 = tpu.memref_slice %arg8[%dma_wait3A_827] : memref<10x!tpu.dma_semaphore, #tpu.memory_space<semaphore_mem>> -> memref<1x!tpu.dma_semaphore, #tpu.memory_space<semaphore_mem>>
      %dma_wait3A_835 = tpu.memref_squeeze %dma_wait3A_834 : memref<1x!tpu.dma_semaphore, #tpu.memory_space<semaphore_mem>> -> memref<!tpu.dma_semaphore, #tpu.memory_space<semaphore_mem>>
      %dma_wait3A_836 = arith.constant 0 : i32
      %dma_wait3A_837 = tpu.memref_slice %arg4[%add3A_825, %dma_wait3A_836] : memref<204800x128xf32, #tpu.memory_space<hbm>> -> memref<64x128xf32, #tpu.memory_space<hbm>>
      %dma_wait3A_838 = arith.constant 0 : i32
      %dma_wait3A_839 = arith.constant 0 : i32
      %dma_wait3A_840 = tpu.memref_slice %arg6[%dma_wait3A_826, %dma_wait3A_838, %dma_wait3A_839] : memref<10x64x128xf32, #tpu.memory_space<vmem>> -> memref<1x64x128xf32, #tpu.memory_space<vmem>>
      %dma_wait3A_841 = tpu.memref_squeeze %dma_wait3A_840 : memref<1x64x128xf32, #tpu.memory_space<vmem>> -> memref<64x128xf32, #tpu.memory_space<vmem>>
      tpu.wait_dma2 semaphore(%dma_wait3A_835 : memref<!tpu.dma_semaphore, #tpu.memory_space<semaphore_mem>>) src(%dma_wait3A_841 : memref<64x128xf32, #tpu.memory_space<vmem>>) dst(%dma_wait3A_837 : memref<64x128xf32, #tpu.memory_space<hbm>>)
      %dma_start3A_842 = arith.constant 2 : i32
      %dma_start3A_843 = arith.constant 2 : i32
      %dma_start3A_844 = arith.constant 0 : i32
      %dma_start3A_845 = arith.constant 0 : i32
      %dma_start3A_846 = tpu.memref_slice %arg6[%dma_start3A_842, %dma_start3A_844, %dma_start3A_845] : memref<10x64x128xf32, #tpu.memory_space<vmem>> -> memref<1x64x128xf32, #tpu.memory_space<vmem>>
      %dma_start3A_847 = tpu.memref_squeeze %dma_start3A_846 : memref<1x64x128xf32, #tpu.memory_space<vmem>> -> memref<64x128xf32, #tpu.memory_space<vmem>>
      %dma_start3A_848 = arith.constant 0 : i32
      %dma_start3A_849 = tpu.memref_slice %arg5[%add3A_820, %dma_start3A_848] : memref<100x64xi32, #tpu.memory_space<vmem>> -> memref<1x64xi32, #tpu.memory_space<vmem>>
      %dma_start3A_850 = tpu.memref_squeeze %dma_start3A_849 : memref<1x64xi32, #tpu.memory_space<vmem>> -> memref<64xi32, #tpu.memory_space<vmem>>
      %dma_start3A_851 = arith.constant 0 : i32
      %dma_start3A_852 = arith.constant 0 : i32
      %dma_start3A_853 = tpu.memref_slice %arg3[%dma_start3A_851, %dma_start3A_852] : memref<1000000x128xf32, #tpu.memory_space<hbm>> -> memref<1000000x128xf32, #tpu.memory_space<hbm>>
      %dma_start3A_854 = tpu.memref_slice %arg7[%dma_start3A_843] : memref<10x!tpu.dma_semaphore, #tpu.memory_space<semaphore_mem>> -> memref<1x!tpu.dma_semaphore, #tpu.memory_space<semaphore_mem>>
      %dma_start3A_855 = tpu.memref_squeeze %dma_start3A_854 : memref<1x!tpu.dma_semaphore, #tpu.memory_space<semaphore_mem>> -> memref<!tpu.dma_semaphore, #tpu.memory_space<semaphore_mem>>
      tpu.enqueue_indirect_dma source(%dma_start3A_853 : memref<1000000x128xf32, #tpu.memory_space<hbm>>) target(%dma_start3A_847 : memref<64x128xf32, #tpu.memory_space<vmem>>) offsets(%dma_start3A_850 : memref<64xi32, #tpu.memory_space<vmem>>) semaphore(%dma_start3A_855 : memref<!tpu.dma_semaphore, #tpu.memory_space<semaphore_mem>>)
      %sub3A_856 = arith.constant 5 : i32
      %sub3A_857 = arith.subi %add3A_820, %sub3A_856 : i32
      %dma_wait3A_858 = arith.constant 7 : i32
      %dma_wait3A_859 = arith.constant 7 : i32
      %dma_wait3A_860 = arith.constant 0 : i32
      %dma_wait3A_861 = arith.constant 0 : i32
      %dma_wait3A_862 = tpu.memref_slice %arg6[%dma_wait3A_858, %dma_wait3A_860, %dma_wait3A_861] : memref<10x64x128xf32, #tpu.memory_space<vmem>> -> memref<1x64x128xf32, #tpu.memory_space<vmem>>
      %dma_wait3A_863 = tpu.memref_squeeze %dma_wait3A_862 : memref<1x64x128xf32, #tpu.memory_space<vmem>> -> memref<64x128xf32, #tpu.memory_space<vmem>>
      %dma_wait3A_864 = arith.constant 0 : i32
      %dma_wait3A_865 = tpu.memref_slice %arg5[%sub3A_857, %dma_wait3A_864] : memref<100x64xi32, #tpu.memory_space<vmem>> -> memref<1x64xi32, #tpu.memory_space<vmem>>
      %dma_wait3A_866 = tpu.memref_squeeze %dma_wait3A_865 : memref<1x64xi32, #tpu.memory_space<vmem>> -> memref<64xi32, #tpu.memory_space<vmem>>
      %dma_wait3A_867 = arith.constant 0 : i32
      %dma_wait3A_868 = arith.constant 0 : i32
      %dma_wait3A_869 = tpu.memref_slice %arg3[%dma_wait3A_867, %dma_wait3A_868] : memref<1000000x128xf32, #tpu.memory_space<hbm>> -> memref<1000000x128xf32, #tpu.memory_space<hbm>>
      %dma_wait3A_870 = tpu.memref_slice %arg7[%dma_wait3A_859] : memref<10x!tpu.dma_semaphore, #tpu.memory_space<semaphore_mem>> -> memref<1x!tpu.dma_semaphore, #tpu.memory_space<semaphore_mem>>
      %dma_wait3A_871 = tpu.memref_squeeze %dma_wait3A_870 : memref<1x!tpu.dma_semaphore, #tpu.memory_space<semaphore_mem>> -> memref<!tpu.dma_semaphore, #tpu.memory_space<semaphore_mem>>
      tpu.wait_indirect_dma semaphore(%dma_wait3A_871 : memref<!tpu.dma_semaphore, #tpu.memory_space<semaphore_mem>>) src(%dma_wait3A_869 : memref<1000000x128xf32, #tpu.memory_space<hbm>>) dst(%dma_wait3A_863 : memref<64x128xf32, #tpu.memory_space<vmem>>)
      %mul3A_872 = arith.constant 64 : i32
      %mul3A_873 = arith.muli %sub3A_857, %mul3A_872 : i32
      %add3A_874 = arith.addi %mul3A_2, %mul3A_873 : i32
      %dma_start3A_875 = arith.constant 7 : i32
      %dma_start3A_876 = arith.constant 7 : i32
      %dma_start3A_877 = arith.constant 0 : i32
      %dma_start3A_878 = arith.constant 0 : i32
      %dma_start3A_879 = tpu.memref_slice %arg6[%dma_start3A_875, %dma_start3A_877, %dma_start3A_878] : memref<10x64x128xf32, #tpu.memory_space<vmem>> -> memref<1x64x128xf32, #tpu.memory_space<vmem>>
      %dma_start3A_880 = tpu.memref_squeeze %dma_start3A_879 : memref<1x64x128xf32, #tpu.memory_space<vmem>> -> memref<64x128xf32, #tpu.memory_space<vmem>>
      %dma_start3A_881 = arith.constant 0 : i32
      %dma_start3A_882 = tpu.memref_slice %arg4[%add3A_874, %dma_start3A_881] : memref<204800x128xf32, #tpu.memory_space<hbm>> -> memref<64x128xf32, #tpu.memory_space<hbm>>
      %dma_start3A_883 = tpu.memref_slice %arg8[%dma_start3A_876] : memref<10x!tpu.dma_semaphore, #tpu.memory_space<semaphore_mem>> -> memref<1x!tpu.dma_semaphore, #tpu.memory_space<semaphore_mem>>
      %dma_start3A_884 = tpu.memref_squeeze %dma_start3A_883 : memref<1x!tpu.dma_semaphore, #tpu.memory_space<semaphore_mem>> -> memref<!tpu.dma_semaphore, #tpu.memory_space<semaphore_mem>>
      %dma_start3A_885 = arith.constant 0 : i32
      %dma_start3A_886 = tpu.memref_slice %arg4[%add3A_874, %dma_start3A_885] : memref<204800x128xf32, #tpu.memory_space<hbm>> -> memref<64x128xf32, #tpu.memory_space<hbm>>
      %dma_start3A_887 = arith.constant 0 : i32
      %dma_start3A_888 = arith.constant 0 : i32
      %dma_start3A_889 = tpu.memref_slice %arg6[%dma_start3A_875, %dma_start3A_887, %dma_start3A_888] : memref<10x64x128xf32, #tpu.memory_space<vmem>> -> memref<1x64x128xf32, #tpu.memory_space<vmem>>
      %dma_start3A_890 = tpu.memref_squeeze %dma_start3A_889 : memref<1x64x128xf32, #tpu.memory_space<vmem>> -> memref<64x128xf32, #tpu.memory_space<vmem>>
      tpu.enqueue_dma source(%dma_start3A_890 : memref<64x128xf32, #tpu.memory_space<vmem>>) target(%dma_start3A_886 : memref<64x128xf32, #tpu.memory_space<hbm>>) target_semaphore(%dma_start3A_884 : memref<!tpu.dma_semaphore, #tpu.memory_space<semaphore_mem>>)
      %mul3A_891 = arith.constant 10 : i32
      %mul3A_892 = arith.muli %add3A_669, %mul3A_891 : i32
      %add3A_893 = arith.constant 3 : i32
      %add3A_894 = arith.addi %mul3A_892, %add3A_893 : i32
      %sub3A_895 = arith.constant 10 : i32
      %sub3A_896 = arith.subi %add3A_894, %sub3A_895 : i32
      %mul3A_897 = arith.constant 64 : i32
      %mul3A_898 = arith.muli %sub3A_896, %mul3A_897 : i32
      %add3A_899 = arith.addi %mul3A_2, %mul3A_898 : i32
      %dma_wait3A_900 = arith.constant 3 : i32
      %dma_wait3A_901 = arith.constant 3 : i32
      %dma_wait3A_902 = arith.constant 0 : i32
      %dma_wait3A_903 = arith.constant 0 : i32
      %dma_wait3A_904 = tpu.memref_slice %arg6[%dma_wait3A_900, %dma_wait3A_902, %dma_wait3A_903] : memref<10x64x128xf32, #tpu.memory_space<vmem>> -> memref<1x64x128xf32, #tpu.memory_space<vmem>>
      %dma_wait3A_905 = tpu.memref_squeeze %dma_wait3A_904 : memref<1x64x128xf32, #tpu.memory_space<vmem>> -> memref<64x128xf32, #tpu.memory_space<vmem>>
      %dma_wait3A_906 = arith.constant 0 : i32
      %dma_wait3A_907 = tpu.memref_slice %arg4[%add3A_899, %dma_wait3A_906] : memref<204800x128xf32, #tpu.memory_space<hbm>> -> memref<64x128xf32, #tpu.memory_space<hbm>>
      %dma_wait3A_908 = tpu.memref_slice %arg8[%dma_wait3A_901] : memref<10x!tpu.dma_semaphore, #tpu.memory_space<semaphore_mem>> -> memref<1x!tpu.dma_semaphore, #tpu.memory_space<semaphore_mem>>
      %dma_wait3A_909 = tpu.memref_squeeze %dma_wait3A_908 : memref<1x!tpu.dma_semaphore, #tpu.memory_space<semaphore_mem>> -> memref<!tpu.dma_semaphore, #tpu.memory_space<semaphore_mem>>
      %dma_wait3A_910 = arith.constant 0 : i32
      %dma_wait3A_911 = tpu.memref_slice %arg4[%add3A_899, %dma_wait3A_910] : memref<204800x128xf32, #tpu.memory_space<hbm>> -> memref<64x128xf32, #tpu.memory_space<hbm>>
      %dma_wait3A_912 = arith.constant 0 : i32
      %dma_wait3A_913 = arith.constant 0 : i32
      %dma_wait3A_914 = tpu.memref_slice %arg6[%dma_wait3A_900, %dma_wait3A_912, %dma_wait3A_913] : memref<10x64x128xf32, #tpu.memory_space<vmem>> -> memref<1x64x128xf32, #tpu.memory_space<vmem>>
      %dma_wait3A_915 = tpu.memref_squeeze %dma_wait3A_914 : memref<1x64x128xf32, #tpu.memory_space<vmem>> -> memref<64x128xf32, #tpu.memory_space<vmem>>
      tpu.wait_dma2 semaphore(%dma_wait3A_909 : memref<!tpu.dma_semaphore, #tpu.memory_space<semaphore_mem>>) src(%dma_wait3A_915 : memref<64x128xf32, #tpu.memory_space<vmem>>) dst(%dma_wait3A_911 : memref<64x128xf32, #tpu.memory_space<hbm>>)
      %dma_start3A_916 = arith.constant 3 : i32
      %dma_start3A_917 = arith.constant 3 : i32
      %dma_start3A_918 = arith.constant 0 : i32
      %dma_start3A_919 = arith.constant 0 : i32
      %dma_start3A_920 = tpu.memref_slice %arg6[%dma_start3A_916, %dma_start3A_918, %dma_start3A_919] : memref<10x64x128xf32, #tpu.memory_space<vmem>> -> memref<1x64x128xf32, #tpu.memory_space<vmem>>
      %dma_start3A_921 = tpu.memref_squeeze %dma_start3A_920 : memref<1x64x128xf32, #tpu.memory_space<vmem>> -> memref<64x128xf32, #tpu.memory_space<vmem>>
      %dma_start3A_922 = arith.constant 0 : i32
      %dma_start3A_923 = tpu.memref_slice %arg5[%add3A_894, %dma_start3A_922] : memref<100x64xi32, #tpu.memory_space<vmem>> -> memref<1x64xi32, #tpu.memory_space<vmem>>
      %dma_start3A_924 = tpu.memref_squeeze %dma_start3A_923 : memref<1x64xi32, #tpu.memory_space<vmem>> -> memref<64xi32, #tpu.memory_space<vmem>>
      %dma_start3A_925 = arith.constant 0 : i32
      %dma_start3A_926 = arith.constant 0 : i32
      %dma_start3A_927 = tpu.memref_slice %arg3[%dma_start3A_925, %dma_start3A_926] : memref<1000000x128xf32, #tpu.memory_space<hbm>> -> memref<1000000x128xf32, #tpu.memory_space<hbm>>
      %dma_start3A_928 = tpu.memref_slice %arg7[%dma_start3A_917] : memref<10x!tpu.dma_semaphore, #tpu.memory_space<semaphore_mem>> -> memref<1x!tpu.dma_semaphore, #tpu.memory_space<semaphore_mem>>
      %dma_start3A_929 = tpu.memref_squeeze %dma_start3A_928 : memref<1x!tpu.dma_semaphore, #tpu.memory_space<semaphore_mem>> -> memref<!tpu.dma_semaphore, #tpu.memory_space<semaphore_mem>>
      tpu.enqueue_indirect_dma source(%dma_start3A_927 : memref<1000000x128xf32, #tpu.memory_space<hbm>>) target(%dma_start3A_921 : memref<64x128xf32, #tpu.memory_space<vmem>>) offsets(%dma_start3A_924 : memref<64xi32, #tpu.memory_space<vmem>>) semaphore(%dma_start3A_929 : memref<!tpu.dma_semaphore, #tpu.memory_space<semaphore_mem>>)
      %sub3A_930 = arith.constant 5 : i32
      %sub3A_931 = arith.subi %add3A_894, %sub3A_930 : i32
      %dma_wait3A_932 = arith.constant 8 : i32
      %dma_wait3A_933 = arith.constant 8 : i32
      %dma_wait3A_934 = arith.constant 0 : i32
      %dma_wait3A_935 = arith.constant 0 : i32
      %dma_wait3A_936 = tpu.memref_slice %arg6[%dma_wait3A_932, %dma_wait3A_934, %dma_wait3A_935] : memref<10x64x128xf32, #tpu.memory_space<vmem>> -> memref<1x64x128xf32, #tpu.memory_space<vmem>>
      %dma_wait3A_937 = tpu.memref_squeeze %dma_wait3A_936 : memref<1x64x128xf32, #tpu.memory_space<vmem>> -> memref<64x128xf32, #tpu.memory_space<vmem>>
      %dma_wait3A_938 = arith.constant 0 : i32
      %dma_wait3A_939 = tpu.memref_slice %arg5[%sub3A_931, %dma_wait3A_938] : memref<100x64xi32, #tpu.memory_space<vmem>> -> memref<1x64xi32, #tpu.memory_space<vmem>>
      %dma_wait3A_940 = tpu.memref_squeeze %dma_wait3A_939 : memref<1x64xi32, #tpu.memory_space<vmem>> -> memref<64xi32, #tpu.memory_space<vmem>>
      %dma_wait3A_941 = arith.constant 0 : i32
      %dma_wait3A_942 = arith.constant 0 : i32
      %dma_wait3A_943 = tpu.memref_slice %arg3[%dma_wait3A_941, %dma_wait3A_942] : memref<1000000x128xf32, #tpu.memory_space<hbm>> -> memref<1000000x128xf32, #tpu.memory_space<hbm>>
      %dma_wait3A_944 = tpu.memref_slice %arg7[%dma_wait3A_933] : memref<10x!tpu.dma_semaphore, #tpu.memory_space<semaphore_mem>> -> memref<1x!tpu.dma_semaphore, #tpu.memory_space<semaphore_mem>>
      %dma_wait3A_945 = tpu.memref_squeeze %dma_wait3A_944 : memref<1x!tpu.dma_semaphore, #tpu.memory_space<semaphore_mem>> -> memref<!tpu.dma_semaphore, #tpu.memory_space<semaphore_mem>>
      tpu.wait_indirect_dma semaphore(%dma_wait3A_945 : memref<!tpu.dma_semaphore, #tpu.memory_space<semaphore_mem>>) src(%dma_wait3A_943 : memref<1000000x128xf32, #tpu.memory_space<hbm>>) dst(%dma_wait3A_937 : memref<64x128xf32, #tpu.memory_space<vmem>>)
      %mul3A_946 = arith.constant 64 : i32
      %mul3A_947 = arith.muli %sub3A_931, %mul3A_946 : i32
      %add3A_948 = arith.addi %mul3A_2, %mul3A_947 : i32
      %dma_start3A_949 = arith.constant 8 : i32
      %dma_start3A_950 = arith.constant 8 : i32
      %dma_start3A_951 = arith.constant 0 : i32
      %dma_start3A_952 = arith.constant 0 : i32
      %dma_start3A_953 = tpu.memref_slice %arg6[%dma_start3A_949, %dma_start3A_951, %dma_start3A_952] : memref<10x64x128xf32, #tpu.memory_space<vmem>> -> memref<1x64x128xf32, #tpu.memory_space<vmem>>
      %dma_start3A_954 = tpu.memref_squeeze %dma_start3A_953 : memref<1x64x128xf32, #tpu.memory_space<vmem>> -> memref<64x128xf32, #tpu.memory_space<vmem>>
      %dma_start3A_955 = arith.constant 0 : i32
      %dma_start3A_956 = tpu.memref_slice %arg4[%add3A_948, %dma_start3A_955] : memref<204800x128xf32, #tpu.memory_space<hbm>> -> memref<64x128xf32, #tpu.memory_space<hbm>>
      %dma_start3A_957 = tpu.memref_slice %arg8[%dma_start3A_950] : memref<10x!tpu.dma_semaphore, #tpu.memory_space<semaphore_mem>> -> memref<1x!tpu.dma_semaphore, #tpu.memory_space<semaphore_mem>>
      %dma_start3A_958 = tpu.memref_squeeze %dma_start3A_957 : memref<1x!tpu.dma_semaphore, #tpu.memory_space<semaphore_mem>> -> memref<!tpu.dma_semaphore, #tpu.memory_space<semaphore_mem>>
      %dma_start3A_959 = arith.constant 0 : i32
      %dma_start3A_960 = tpu.memref_slice %arg4[%add3A_948, %dma_start3A_959] : memref<204800x128xf32, #tpu.memory_space<hbm>> -> memref<64x128xf32, #tpu.memory_space<hbm>>
      %dma_start3A_961 = arith.constant 0 : i32
      %dma_start3A_962 = arith.constant 0 : i32
      %dma_start3A_963 = tpu.memref_slice %arg6[%dma_start3A_949, %dma_start3A_961, %dma_start3A_962] : memref<10x64x128xf32, #tpu.memory_space<vmem>> -> memref<1x64x128xf32, #tpu.memory_space<vmem>>
      %dma_start3A_964 = tpu.memref_squeeze %dma_start3A_963 : memref<1x64x128xf32, #tpu.memory_space<vmem>> -> memref<64x128xf32, #tpu.memory_space<vmem>>
      tpu.enqueue_dma source(%dma_start3A_964 : memref<64x128xf32, #tpu.memory_space<vmem>>) target(%dma_start3A_960 : memref<64x128xf32, #tpu.memory_space<hbm>>) target_semaphore(%dma_start3A_958 : memref<!tpu.dma_semaphore, #tpu.memory_space<semaphore_mem>>)
      %mul3A_965 = arith.constant 10 : i32
      %mul3A_966 = arith.muli %add3A_669, %mul3A_965 : i32
      %add3A_967 = arith.constant 4 : i32
      %add3A_968 = arith.addi %mul3A_966, %add3A_967 : i32
      %sub3A_969 = arith.constant 10 : i32
      %sub3A_970 = arith.subi %add3A_968, %sub3A_969 : i32
      %mul3A_971 = arith.constant 64 : i32
      %mul3A_972 = arith.muli %sub3A_970, %mul3A_971 : i32
      %add3A_973 = arith.addi %mul3A_2, %mul3A_972 : i32
      %dma_wait3A_974 = arith.constant 4 : i32
      %dma_wait3A_975 = arith.constant 4 : i32
      %dma_wait3A_976 = arith.constant 0 : i32
      %dma_wait3A_977 = arith.constant 0 : i32
      %dma_wait3A_978 = tpu.memref_slice %arg6[%dma_wait3A_974, %dma_wait3A_976, %dma_wait3A_977] : memref<10x64x128xf32, #tpu.memory_space<vmem>> -> memref<1x64x128xf32, #tpu.memory_space<vmem>>
      %dma_wait3A_979 = tpu.memref_squeeze %dma_wait3A_978 : memref<1x64x128xf32, #tpu.memory_space<vmem>> -> memref<64x128xf32, #tpu.memory_space<vmem>>
      %dma_wait3A_980 = arith.constant 0 : i32
      %dma_wait3A_981 = tpu.memref_slice %arg4[%add3A_973, %dma_wait3A_980] : memref<204800x128xf32, #tpu.memory_space<hbm>> -> memref<64x128xf32, #tpu.memory_space<hbm>>
      %dma_wait3A_982 = tpu.memref_slice %arg8[%dma_wait3A_975] : memref<10x!tpu.dma_semaphore, #tpu.memory_space<semaphore_mem>> -> memref<1x!tpu.dma_semaphore, #tpu.memory_space<semaphore_mem>>
      %dma_wait3A_983 = tpu.memref_squeeze %dma_wait3A_982 : memref<1x!tpu.dma_semaphore, #tpu.memory_space<semaphore_mem>> -> memref<!tpu.dma_semaphore, #tpu.memory_space<semaphore_mem>>
      %dma_wait3A_984 = arith.constant 0 : i32
      %dma_wait3A_985 = tpu.memref_slice %arg4[%add3A_973, %dma_wait3A_984] : memref<204800x128xf32, #tpu.memory_space<hbm>> -> memref<64x128xf32, #tpu.memory_space<hbm>>
      %dma_wait3A_986 = arith.constant 0 : i32
      %dma_wait3A_987 = arith.constant 0 : i32
      %dma_wait3A_988 = tpu.memref_slice %arg6[%dma_wait3A_974, %dma_wait3A_986, %dma_wait3A_987] : memref<10x64x128xf32, #tpu.memory_space<vmem>> -> memref<1x64x128xf32, #tpu.memory_space<vmem>>
      %dma_wait3A_989 = tpu.memref_squeeze %dma_wait3A_988 : memref<1x64x128xf32, #tpu.memory_space<vmem>> -> memref<64x128xf32, #tpu.memory_space<vmem>>
      tpu.wait_dma2 semaphore(%dma_wait3A_983 : memref<!tpu.dma_semaphore, #tpu.memory_space<semaphore_mem>>) src(%dma_wait3A_989 : memref<64x128xf32, #tpu.memory_space<vmem>>) dst(%dma_wait3A_985 : memref<64x128xf32, #tpu.memory_space<hbm>>)
      %dma_start3A_990 = arith.constant 4 : i32
      %dma_start3A_991 = arith.constant 4 : i32
      %dma_start3A_992 = arith.constant 0 : i32
      %dma_start3A_993 = arith.constant 0 : i32
      %dma_start3A_994 = tpu.memref_slice %arg6[%dma_start3A_990, %dma_start3A_992, %dma_start3A_993] : memref<10x64x128xf32, #tpu.memory_space<vmem>> -> memref<1x64x128xf32, #tpu.memory_space<vmem>>
      %dma_start3A_995 = tpu.memref_squeeze %dma_start3A_994 : memref<1x64x128xf32, #tpu.memory_space<vmem>> -> memref<64x128xf32, #tpu.memory_space<vmem>>
      %dma_start3A_996 = arith.constant 0 : i32
      %dma_start3A_997 = tpu.memref_slice %arg5[%add3A_968, %dma_start3A_996] : memref<100x64xi32, #tpu.memory_space<vmem>> -> memref<1x64xi32, #tpu.memory_space<vmem>>
      %dma_start3A_998 = tpu.memref_squeeze %dma_start3A_997 : memref<1x64xi32, #tpu.memory_space<vmem>> -> memref<64xi32, #tpu.memory_space<vmem>>
      %dma_start3A_999 = arith.constant 0 : i32
      %dma_start3A_1000 = arith.constant 0 : i32
      %dma_start3A_1001 = tpu.memref_slice %arg3[%dma_start3A_999, %dma_start3A_1000] : memref<1000000x128xf32, #tpu.memory_space<hbm>> -> memref<1000000x128xf32, #tpu.memory_space<hbm>>
      %dma_start3A_1002 = tpu.memref_slice %arg7[%dma_start3A_991] : memref<10x!tpu.dma_semaphore, #tpu.memory_space<semaphore_mem>> -> memref<1x!tpu.dma_semaphore, #tpu.memory_space<semaphore_mem>>
      %dma_start3A_1003 = tpu.memref_squeeze %dma_start3A_1002 : memref<1x!tpu.dma_semaphore, #tpu.memory_space<semaphore_mem>> -> memref<!tpu.dma_semaphore, #tpu.memory_space<semaphore_mem>>
      tpu.enqueue_indirect_dma source(%dma_start3A_1001 : memref<1000000x128xf32, #tpu.memory_space<hbm>>) target(%dma_start3A_995 : memref<64x128xf32, #tpu.memory_space<vmem>>) offsets(%dma_start3A_998 : memref<64xi32, #tpu.memory_space<vmem>>) semaphore(%dma_start3A_1003 : memref<!tpu.dma_semaphore, #tpu.memory_space<semaphore_mem>>)
      %sub3A_1004 = arith.constant 5 : i32
      %sub3A_1005 = arith.subi %add3A_968, %sub3A_1004 : i32
      %dma_wait3A_1006 = arith.constant 9 : i32
      %dma_wait3A_1007 = arith.constant 9 : i32
      %dma_wait3A_1008 = arith.constant 0 : i32
      %dma_wait3A_1009 = arith.constant 0 : i32
      %dma_wait3A_1010 = tpu.memref_slice %arg6[%dma_wait3A_1006, %dma_wait3A_1008, %dma_wait3A_1009] : memref<10x64x128xf32, #tpu.memory_space<vmem>> -> memref<1x64x128xf32, #tpu.memory_space<vmem>>
      %dma_wait3A_1011 = tpu.memref_squeeze %dma_wait3A_1010 : memref<1x64x128xf32, #tpu.memory_space<vmem>> -> memref<64x128xf32, #tpu.memory_space<vmem>>
      %dma_wait3A_1012 = arith.constant 0 : i32
      %dma_wait3A_1013 = tpu.memref_slice %arg5[%sub3A_1005, %dma_wait3A_1012] : memref<100x64xi32, #tpu.memory_space<vmem>> -> memref<1x64xi32, #tpu.memory_space<vmem>>
      %dma_wait3A_1014 = tpu.memref_squeeze %dma_wait3A_1013 : memref<1x64xi32, #tpu.memory_space<vmem>> -> memref<64xi32, #tpu.memory_space<vmem>>
      %dma_wait3A_1015 = arith.constant 0 : i32
      %dma_wait3A_1016 = arith.constant 0 : i32
      %dma_wait3A_1017 = tpu.memref_slice %arg3[%dma_wait3A_1015, %dma_wait3A_1016] : memref<1000000x128xf32, #tpu.memory_space<hbm>> -> memref<1000000x128xf32, #tpu.memory_space<hbm>>
      %dma_wait3A_1018 = tpu.memref_slice %arg7[%dma_wait3A_1007] : memref<10x!tpu.dma_semaphore, #tpu.memory_space<semaphore_mem>> -> memref<1x!tpu.dma_semaphore, #tpu.memory_space<semaphore_mem>>
      %dma_wait3A_1019 = tpu.memref_squeeze %dma_wait3A_1018 : memref<1x!tpu.dma_semaphore, #tpu.memory_space<semaphore_mem>> -> memref<!tpu.dma_semaphore, #tpu.memory_space<semaphore_mem>>
      tpu.wait_indirect_dma semaphore(%dma_wait3A_1019 : memref<!tpu.dma_semaphore, #tpu.memory_space<semaphore_mem>>) src(%dma_wait3A_1017 : memref<1000000x128xf32, #tpu.memory_space<hbm>>) dst(%dma_wait3A_1011 : memref<64x128xf32, #tpu.memory_space<vmem>>)
      %mul3A_1020 = arith.constant 64 : i32
      %mul3A_1021 = arith.muli %sub3A_1005, %mul3A_1020 : i32
      %add3A_1022 = arith.addi %mul3A_2, %mul3A_1021 : i32
      %dma_start3A_1023 = arith.constant 9 : i32
      %dma_start3A_1024 = arith.constant 9 : i32
      %dma_start3A_1025 = arith.constant 0 : i32
      %dma_start3A_1026 = arith.constant 0 : i32
      %dma_start3A_1027 = tpu.memref_slice %arg6[%dma_start3A_1023, %dma_start3A_1025, %dma_start3A_1026] : memref<10x64x128xf32, #tpu.memory_space<vmem>> -> memref<1x64x128xf32, #tpu.memory_space<vmem>>
      %dma_start3A_1028 = tpu.memref_squeeze %dma_start3A_1027 : memref<1x64x128xf32, #tpu.memory_space<vmem>> -> memref<64x128xf32, #tpu.memory_space<vmem>>
      %dma_start3A_1029 = arith.constant 0 : i32
      %dma_start3A_1030 = tpu.memref_slice %arg4[%add3A_1022, %dma_start3A_1029] : memref<204800x128xf32, #tpu.memory_space<hbm>> -> memref<64x128xf32, #tpu.memory_space<hbm>>
      %dma_start3A_1031 = tpu.memref_slice %arg8[%dma_start3A_1024] : memref<10x!tpu.dma_semaphore, #tpu.memory_space<semaphore_mem>> -> memref<1x!tpu.dma_semaphore, #tpu.memory_space<semaphore_mem>>
      %dma_start3A_1032 = tpu.memref_squeeze %dma_start3A_1031 : memref<1x!tpu.dma_semaphore, #tpu.memory_space<semaphore_mem>> -> memref<!tpu.dma_semaphore, #tpu.memory_space<semaphore_mem>>
      %dma_start3A_1033 = arith.constant 0 : i32
      %dma_start3A_1034 = tpu.memref_slice %arg4[%add3A_1022, %dma_start3A_1033] : memref<204800x128xf32, #tpu.memory_space<hbm>> -> memref<64x128xf32, #tpu.memory_space<hbm>>
      %dma_start3A_1035 = arith.constant 0 : i32
      %dma_start3A_1036 = arith.constant 0 : i32
      %dma_start3A_1037 = tpu.memref_slice %arg6[%dma_start3A_1023, %dma_start3A_1035, %dma_start3A_1036] : memref<10x64x128xf32, #tpu.memory_space<vmem>> -> memref<1x64x128xf32, #tpu.memory_space<vmem>>
      %dma_start3A_1038 = tpu.memref_squeeze %dma_start3A_1037 : memref<1x64x128xf32, #tpu.memory_space<vmem>> -> memref<64x128xf32, #tpu.memory_space<vmem>>
      tpu.enqueue_dma source(%dma_start3A_1038 : memref<64x128xf32, #tpu.memory_space<vmem>>) target(%dma_start3A_1034 : memref<64x128xf32, #tpu.memory_space<hbm>>) target_semaphore(%dma_start3A_1032 : memref<!tpu.dma_semaphore, #tpu.memory_space<semaphore_mem>>)
      %mul3A_1039 = arith.constant 10 : i32
      %mul3A_1040 = arith.muli %add3A_669, %mul3A_1039 : i32
      %add3A_1041 = arith.constant 5 : i32
      %add3A_1042 = arith.addi %mul3A_1040, %add3A_1041 : i32
      %sub3A_1043 = arith.constant 10 : i32
      %sub3A_1044 = arith.subi %add3A_1042, %sub3A_1043 : i32
      %mul3A_1045 = arith.constant 64 : i32
      %mul3A_1046 = arith.muli %sub3A_1044, %mul3A_1045 : i32
      %add3A_1047 = arith.addi %mul3A_2, %mul3A_1046 : i32
      %dma_wait3A_1048 = arith.constant 5 : i32
      %dma_wait3A_1049 = arith.constant 5 : i32
      %dma_wait3A_1050 = arith.constant 0 : i32
      %dma_wait3A_1051 = arith.constant 0 : i32
      %dma_wait3A_1052 = tpu.memref_slice %arg6[%dma_wait3A_1048, %dma_wait3A_1050, %dma_wait3A_1051] : memref<10x64x128xf32, #tpu.memory_space<vmem>> -> memref<1x64x128xf32, #tpu.memory_space<vmem>>
      %dma_wait3A_1053 = tpu.memref_squeeze %dma_wait3A_1052 : memref<1x64x128xf32, #tpu.memory_space<vmem>> -> memref<64x128xf32, #tpu.memory_space<vmem>>
      %dma_wait3A_1054 = arith.constant 0 : i32
      %dma_wait3A_1055 = tpu.memref_slice %arg4[%add3A_1047, %dma_wait3A_1054] : memref<204800x128xf32, #tpu.memory_space<hbm>> -> memref<64x128xf32, #tpu.memory_space<hbm>>
      %dma_wait3A_1056 = tpu.memref_slice %arg8[%dma_wait3A_1049] : memref<10x!tpu.dma_semaphore, #tpu.memory_space<semaphore_mem>> -> memref<1x!tpu.dma_semaphore, #tpu.memory_space<semaphore_mem>>
      %dma_wait3A_1057 = tpu.memref_squeeze %dma_wait3A_1056 : memref<1x!tpu.dma_semaphore, #tpu.memory_space<semaphore_mem>> -> memref<!tpu.dma_semaphore, #tpu.memory_space<semaphore_mem>>
      %dma_wait3A_1058 = arith.constant 0 : i32
      %dma_wait3A_1059 = tpu.memref_slice %arg4[%add3A_1047, %dma_wait3A_1058] : memref<204800x128xf32, #tpu.memory_space<hbm>> -> memref<64x128xf32, #tpu.memory_space<hbm>>
      %dma_wait3A_1060 = arith.constant 0 : i32
      %dma_wait3A_1061 = arith.constant 0 : i32
      %dma_wait3A_1062 = tpu.memref_slice %arg6[%dma_wait3A_1048, %dma_wait3A_1060, %dma_wait3A_1061] : memref<10x64x128xf32, #tpu.memory_space<vmem>> -> memref<1x64x128xf32, #tpu.memory_space<vmem>>
      %dma_wait3A_1063 = tpu.memref_squeeze %dma_wait3A_1062 : memref<1x64x128xf32, #tpu.memory_space<vmem>> -> memref<64x128xf32, #tpu.memory_space<vmem>>
      tpu.wait_dma2 semaphore(%dma_wait3A_1057 : memref<!tpu.dma_semaphore, #tpu.memory_space<semaphore_mem>>) src(%dma_wait3A_1063 : memref<64x128xf32, #tpu.memory_space<vmem>>) dst(%dma_wait3A_1059 : memref<64x128xf32, #tpu.memory_space<hbm>>)
      %dma_start3A_1064 = arith.constant 5 : i32
      %dma_start3A_1065 = arith.constant 5 : i32
      %dma_start3A_1066 = arith.constant 0 : i32
      %dma_start3A_1067 = arith.constant 0 : i32
      %dma_start3A_1068 = tpu.memref_slice %arg6[%dma_start3A_1064, %dma_start3A_1066, %dma_start3A_1067] : memref<10x64x128xf32, #tpu.memory_space<vmem>> -> memref<1x64x128xf32, #tpu.memory_space<vmem>>
      %dma_start3A_1069 = tpu.memref_squeeze %dma_start3A_1068 : memref<1x64x128xf32, #tpu.memory_space<vmem>> -> memref<64x128xf32, #tpu.memory_space<vmem>>
      %dma_start3A_1070 = arith.constant 0 : i32
      %dma_start3A_1071 = tpu.memref_slice %arg5[%add3A_1042, %dma_start3A_1070] : memref<100x64xi32, #tpu.memory_space<vmem>> -> memref<1x64xi32, #tpu.memory_space<vmem>>
      %dma_start3A_1072 = tpu.memref_squeeze %dma_start3A_1071 : memref<1x64xi32, #tpu.memory_space<vmem>> -> memref<64xi32, #tpu.memory_space<vmem>>
      %dma_start3A_1073 = arith.constant 0 : i32
      %dma_start3A_1074 = arith.constant 0 : i32
      %dma_start3A_1075 = tpu.memref_slice %arg3[%dma_start3A_1073, %dma_start3A_1074] : memref<1000000x128xf32, #tpu.memory_space<hbm>> -> memref<1000000x128xf32, #tpu.memory_space<hbm>>
      %dma_start3A_1076 = tpu.memref_slice %arg7[%dma_start3A_1065] : memref<10x!tpu.dma_semaphore, #tpu.memory_space<semaphore_mem>> -> memref<1x!tpu.dma_semaphore, #tpu.memory_space<semaphore_mem>>
      %dma_start3A_1077 = tpu.memref_squeeze %dma_start3A_1076 : memref<1x!tpu.dma_semaphore, #tpu.memory_space<semaphore_mem>> -> memref<!tpu.dma_semaphore, #tpu.memory_space<semaphore_mem>>
      tpu.enqueue_indirect_dma source(%dma_start3A_1075 : memref<1000000x128xf32, #tpu.memory_space<hbm>>) target(%dma_start3A_1069 : memref<64x128xf32, #tpu.memory_space<vmem>>) offsets(%dma_start3A_1072 : memref<64xi32, #tpu.memory_space<vmem>>) semaphore(%dma_start3A_1077 : memref<!tpu.dma_semaphore, #tpu.memory_space<semaphore_mem>>)
      %sub3A_1078 = arith.constant 5 : i32
      %sub3A_1079 = arith.subi %add3A_1042, %sub3A_1078 : i32
      %dma_wait3A_1080 = arith.constant 0 : i32
      %dma_wait3A_1081 = arith.constant 0 : i32
      %dma_wait3A_1082 = arith.constant 0 : i32
      %dma_wait3A_1083 = arith.constant 0 : i32
      %dma_wait3A_1084 = tpu.memref_slice %arg6[%dma_wait3A_1080, %dma_wait3A_1082, %dma_wait3A_1083] : memref<10x64x128xf32, #tpu.memory_space<vmem>> -> memref<1x64x128xf32, #tpu.memory_space<vmem>>
      %dma_wait3A_1085 = tpu.memref_squeeze %dma_wait3A_1084 : memref<1x64x128xf32, #tpu.memory_space<vmem>> -> memref<64x128xf32, #tpu.memory_space<vmem>>
      %dma_wait3A_1086 = arith.constant 0 : i32
      %dma_wait3A_1087 = tpu.memref_slice %arg5[%sub3A_1079, %dma_wait3A_1086] : memref<100x64xi32, #tpu.memory_space<vmem>> -> memref<1x64xi32, #tpu.memory_space<vmem>>
      %dma_wait3A_1088 = tpu.memref_squeeze %dma_wait3A_1087 : memref<1x64xi32, #tpu.memory_space<vmem>> -> memref<64xi32, #tpu.memory_space<vmem>>
      %dma_wait3A_1089 = arith.constant 0 : i32
      %dma_wait3A_1090 = arith.constant 0 : i32
      %dma_wait3A_1091 = tpu.memref_slice %arg3[%dma_wait3A_1089, %dma_wait3A_1090] : memref<1000000x128xf32, #tpu.memory_space<hbm>> -> memref<1000000x128xf32, #tpu.memory_space<hbm>>
      %dma_wait3A_1092 = tpu.memref_slice %arg7[%dma_wait3A_1081] : memref<10x!tpu.dma_semaphore, #tpu.memory_space<semaphore_mem>> -> memref<1x!tpu.dma_semaphore, #tpu.memory_space<semaphore_mem>>
      %dma_wait3A_1093 = tpu.memref_squeeze %dma_wait3A_1092 : memref<1x!tpu.dma_semaphore, #tpu.memory_space<semaphore_mem>> -> memref<!tpu.dma_semaphore, #tpu.memory_space<semaphore_mem>>
      tpu.wait_indirect_dma semaphore(%dma_wait3A_1093 : memref<!tpu.dma_semaphore, #tpu.memory_space<semaphore_mem>>) src(%dma_wait3A_1091 : memref<1000000x128xf32, #tpu.memory_space<hbm>>) dst(%dma_wait3A_1085 : memref<64x128xf32, #tpu.memory_space<vmem>>)
      %mul3A_1094 = arith.constant 64 : i32
      %mul3A_1095 = arith.muli %sub3A_1079, %mul3A_1094 : i32
      %add3A_1096 = arith.addi %mul3A_2, %mul3A_1095 : i32
      %dma_start3A_1097 = arith.constant 0 : i32
      %dma_start3A_1098 = arith.constant 0 : i32
      %dma_start3A_1099 = arith.constant 0 : i32
      %dma_start3A_1100 = arith.constant 0 : i32
      %dma_start3A_1101 = tpu.memref_slice %arg6[%dma_start3A_1097, %dma_start3A_1099, %dma_start3A_1100] : memref<10x64x128xf32, #tpu.memory_space<vmem>> -> memref<1x64x128xf32, #tpu.memory_space<vmem>>
      %dma_start3A_1102 = tpu.memref_squeeze %dma_start3A_1101 : memref<1x64x128xf32, #tpu.memory_space<vmem>> -> memref<64x128xf32, #tpu.memory_space<vmem>>
      %dma_start3A_1103 = arith.constant 0 : i32
      %dma_start3A_1104 = tpu.memref_slice %arg4[%add3A_1096, %dma_start3A_1103] : memref<204800x128xf32, #tpu.memory_space<hbm>> -> memref<64x128xf32, #tpu.memory_space<hbm>>
      %dma_start3A_1105 = tpu.memref_slice %arg8[%dma_start3A_1098] : memref<10x!tpu.dma_semaphore, #tpu.memory_space<semaphore_mem>> -> memref<1x!tpu.dma_semaphore, #tpu.memory_space<semaphore_mem>>
      %dma_start3A_1106 = tpu.memref_squeeze %dma_start3A_1105 : memref<1x!tpu.dma_semaphore, #tpu.memory_space<semaphore_mem>> -> memref<!tpu.dma_semaphore, #tpu.memory_space<semaphore_mem>>
      %dma_start3A_1107 = arith.constant 0 : i32
      %dma_start3A_1108 = tpu.memref_slice %arg4[%add3A_1096, %dma_start3A_1107] : memref<204800x128xf32, #tpu.memory_space<hbm>> -> memref<64x128xf32, #tpu.memory_space<hbm>>
      %dma_start3A_1109 = arith.constant 0 : i32
      %dma_start3A_1110 = arith.constant 0 : i32
      %dma_start3A_1111 = tpu.memref_slice %arg6[%dma_start3A_1097, %dma_start3A_1109, %dma_start3A_1110] : memref<10x64x128xf32, #tpu.memory_space<vmem>> -> memref<1x64x128xf32, #tpu.memory_space<vmem>>
      %dma_start3A_1112 = tpu.memref_squeeze %dma_start3A_1111 : memref<1x64x128xf32, #tpu.memory_space<vmem>> -> memref<64x128xf32, #tpu.memory_space<vmem>>
      tpu.enqueue_dma source(%dma_start3A_1112 : memref<64x128xf32, #tpu.memory_space<vmem>>) target(%dma_start3A_1108 : memref<64x128xf32, #tpu.memory_space<hbm>>) target_semaphore(%dma_start3A_1106 : memref<!tpu.dma_semaphore, #tpu.memory_space<semaphore_mem>>)
      %mul3A_1113 = arith.constant 10 : i32
      %mul3A_1114 = arith.muli %add3A_669, %mul3A_1113 : i32
      %add3A_1115 = arith.constant 6 : i32
      %add3A_1116 = arith.addi %mul3A_1114, %add3A_1115 : i32
      %sub3A_1117 = arith.constant 10 : i32
      %sub3A_1118 = arith.subi %add3A_1116, %sub3A_1117 : i32
      %mul3A_1119 = arith.constant 64 : i32
      %mul3A_1120 = arith.muli %sub3A_1118, %mul3A_1119 : i32
      %add3A_1121 = arith.addi %mul3A_2, %mul3A_1120 : i32
      %dma_wait3A_1122 = arith.constant 6 : i32
      %dma_wait3A_1123 = arith.constant 6 : i32
      %dma_wait3A_1124 = arith.constant 0 : i32
      %dma_wait3A_1125 = arith.constant 0 : i32
      %dma_wait3A_1126 = tpu.memref_slice %arg6[%dma_wait3A_1122, %dma_wait3A_1124, %dma_wait3A_1125] : memref<10x64x128xf32, #tpu.memory_space<vmem>> -> memref<1x64x128xf32, #tpu.memory_space<vmem>>
      %dma_wait3A_1127 = tpu.memref_squeeze %dma_wait3A_1126 : memref<1x64x128xf32, #tpu.memory_space<vmem>> -> memref<64x128xf32, #tpu.memory_space<vmem>>
      %dma_wait3A_1128 = arith.constant 0 : i32
      %dma_wait3A_1129 = tpu.memref_slice %arg4[%add3A_1121, %dma_wait3A_1128] : memref<204800x128xf32, #tpu.memory_space<hbm>> -> memref<64x128xf32, #tpu.memory_space<hbm>>
      %dma_wait3A_1130 = tpu.memref_slice %arg8[%dma_wait3A_1123] : memref<10x!tpu.dma_semaphore, #tpu.memory_space<semaphore_mem>> -> memref<1x!tpu.dma_semaphore, #tpu.memory_space<semaphore_mem>>
      %dma_wait3A_1131 = tpu.memref_squeeze %dma_wait3A_1130 : memref<1x!tpu.dma_semaphore, #tpu.memory_space<semaphore_mem>> -> memref<!tpu.dma_semaphore, #tpu.memory_space<semaphore_mem>>
      %dma_wait3A_1132 = arith.constant 0 : i32
      %dma_wait3A_1133 = tpu.memref_slice %arg4[%add3A_1121, %dma_wait3A_1132] : memref<204800x128xf32, #tpu.memory_space<hbm>> -> memref<64x128xf32, #tpu.memory_space<hbm>>
      %dma_wait3A_1134 = arith.constant 0 : i32
      %dma_wait3A_1135 = arith.constant 0 : i32
      %dma_wait3A_1136 = tpu.memref_slice %arg6[%dma_wait3A_1122, %dma_wait3A_1134, %dma_wait3A_1135] : memref<10x64x128xf32, #tpu.memory_space<vmem>> -> memref<1x64x128xf32, #tpu.memory_space<vmem>>
      %dma_wait3A_1137 = tpu.memref_squeeze %dma_wait3A_1136 : memref<1x64x128xf32, #tpu.memory_space<vmem>> -> memref<64x128xf32, #tpu.memory_space<vmem>>
      tpu.wait_dma2 semaphore(%dma_wait3A_1131 : memref<!tpu.dma_semaphore, #tpu.memory_space<semaphore_mem>>) src(%dma_wait3A_1137 : memref<64x128xf32, #tpu.memory_space<vmem>>) dst(%dma_wait3A_1133 : memref<64x128xf32, #tpu.memory_space<hbm>>)
      %dma_start3A_1138 = arith.constant 6 : i32
      %dma_start3A_1139 = arith.constant 6 : i32
      %dma_start3A_1140 = arith.constant 0 : i32
      %dma_start3A_1141 = arith.constant 0 : i32
      %dma_start3A_1142 = tpu.memref_slice %arg6[%dma_start3A_1138, %dma_start3A_1140, %dma_start3A_1141] : memref<10x64x128xf32, #tpu.memory_space<vmem>> -> memref<1x64x128xf32, #tpu.memory_space<vmem>>
      %dma_start3A_1143 = tpu.memref_squeeze %dma_start3A_1142 : memref<1x64x128xf32, #tpu.memory_space<vmem>> -> memref<64x128xf32, #tpu.memory_space<vmem>>
      %dma_start3A_1144 = arith.constant 0 : i32
      %dma_start3A_1145 = tpu.memref_slice %arg5[%add3A_1116, %dma_start3A_1144] : memref<100x64xi32, #tpu.memory_space<vmem>> -> memref<1x64xi32, #tpu.memory_space<vmem>>
      %dma_start3A_1146 = tpu.memref_squeeze %dma_start3A_1145 : memref<1x64xi32, #tpu.memory_space<vmem>> -> memref<64xi32, #tpu.memory_space<vmem>>
      %dma_start3A_1147 = arith.constant 0 : i32
      %dma_start3A_1148 = arith.constant 0 : i32
      %dma_start3A_1149 = tpu.memref_slice %arg3[%dma_start3A_1147, %dma_start3A_1148] : memref<1000000x128xf32, #tpu.memory_space<hbm>> -> memref<1000000x128xf32, #tpu.memory_space<hbm>>
      %dma_start3A_1150 = tpu.memref_slice %arg7[%dma_start3A_1139] : memref<10x!tpu.dma_semaphore, #tpu.memory_space<semaphore_mem>> -> memref<1x!tpu.dma_semaphore, #tpu.memory_space<semaphore_mem>>
      %dma_start3A_1151 = tpu.memref_squeeze %dma_start3A_1150 : memref<1x!tpu.dma_semaphore, #tpu.memory_space<semaphore_mem>> -> memref<!tpu.dma_semaphore, #tpu.memory_space<semaphore_mem>>
      tpu.enqueue_indirect_dma source(%dma_start3A_1149 : memref<1000000x128xf32, #tpu.memory_space<hbm>>) target(%dma_start3A_1143 : memref<64x128xf32, #tpu.memory_space<vmem>>) offsets(%dma_start3A_1146 : memref<64xi32, #tpu.memory_space<vmem>>) semaphore(%dma_start3A_1151 : memref<!tpu.dma_semaphore, #tpu.memory_space<semaphore_mem>>)
      %sub3A_1152 = arith.constant 5 : i32
      %sub3A_1153 = arith.subi %add3A_1116, %sub3A_1152 : i32
      %dma_wait3A_1154 = arith.constant 1 : i32
      %dma_wait3A_1155 = arith.constant 1 : i32
      %dma_wait3A_1156 = arith.constant 0 : i32
      %dma_wait3A_1157 = arith.constant 0 : i32
      %dma_wait3A_1158 = tpu.memref_slice %arg6[%dma_wait3A_1154, %dma_wait3A_1156, %dma_wait3A_1157] : memref<10x64x128xf32, #tpu.memory_space<vmem>> -> memref<1x64x128xf32, #tpu.memory_space<vmem>>
      %dma_wait3A_1159 = tpu.memref_squeeze %dma_wait3A_1158 : memref<1x64x128xf32, #tpu.memory_space<vmem>> -> memref<64x128xf32, #tpu.memory_space<vmem>>
      %dma_wait3A_1160 = arith.constant 0 : i32
      %dma_wait3A_1161 = tpu.memref_slice %arg5[%sub3A_1153, %dma_wait3A_1160] : memref<100x64xi32, #tpu.memory_space<vmem>> -> memref<1x64xi32, #tpu.memory_space<vmem>>
      %dma_wait3A_1162 = tpu.memref_squeeze %dma_wait3A_1161 : memref<1x64xi32, #tpu.memory_space<vmem>> -> memref<64xi32, #tpu.memory_space<vmem>>
      %dma_wait3A_1163 = arith.constant 0 : i32
      %dma_wait3A_1164 = arith.constant 0 : i32
      %dma_wait3A_1165 = tpu.memref_slice %arg3[%dma_wait3A_1163, %dma_wait3A_1164] : memref<1000000x128xf32, #tpu.memory_space<hbm>> -> memref<1000000x128xf32, #tpu.memory_space<hbm>>
      %dma_wait3A_1166 = tpu.memref_slice %arg7[%dma_wait3A_1155] : memref<10x!tpu.dma_semaphore, #tpu.memory_space<semaphore_mem>> -> memref<1x!tpu.dma_semaphore, #tpu.memory_space<semaphore_mem>>
      %dma_wait3A_1167 = tpu.memref_squeeze %dma_wait3A_1166 : memref<1x!tpu.dma_semaphore, #tpu.memory_space<semaphore_mem>> -> memref<!tpu.dma_semaphore, #tpu.memory_space<semaphore_mem>>
      tpu.wait_indirect_dma semaphore(%dma_wait3A_1167 : memref<!tpu.dma_semaphore, #tpu.memory_space<semaphore_mem>>) src(%dma_wait3A_1165 : memref<1000000x128xf32, #tpu.memory_space<hbm>>) dst(%dma_wait3A_1159 : memref<64x128xf32, #tpu.memory_space<vmem>>)
      %mul3A_1168 = arith.constant 64 : i32
      %mul3A_1169 = arith.muli %sub3A_1153, %mul3A_1168 : i32
      %add3A_1170 = arith.addi %mul3A_2, %mul3A_1169 : i32
      %dma_start3A_1171 = arith.constant 1 : i32
      %dma_start3A_1172 = arith.constant 1 : i32
      %dma_start3A_1173 = arith.constant 0 : i32
      %dma_start3A_1174 = arith.constant 0 : i32
      %dma_start3A_1175 = tpu.memref_slice %arg6[%dma_start3A_1171, %dma_start3A_1173, %dma_start3A_1174] : memref<10x64x128xf32, #tpu.memory_space<vmem>> -> memref<1x64x128xf32, #tpu.memory_space<vmem>>
      %dma_start3A_1176 = tpu.memref_squeeze %dma_start3A_1175 : memref<1x64x128xf32, #tpu.memory_space<vmem>> -> memref<64x128xf32, #tpu.memory_space<vmem>>
      %dma_start3A_1177 = arith.constant 0 : i32
      %dma_start3A_1178 = tpu.memref_slice %arg4[%add3A_1170, %dma_start3A_1177] : memref<204800x128xf32, #tpu.memory_space<hbm>> -> memref<64x128xf32, #tpu.memory_space<hbm>>
      %dma_start3A_1179 = tpu.memref_slice %arg8[%dma_start3A_1172] : memref<10x!tpu.dma_semaphore, #tpu.memory_space<semaphore_mem>> -> memref<1x!tpu.dma_semaphore, #tpu.memory_space<semaphore_mem>>
      %dma_start3A_1180 = tpu.memref_squeeze %dma_start3A_1179 : memref<1x!tpu.dma_semaphore, #tpu.memory_space<semaphore_mem>> -> memref<!tpu.dma_semaphore, #tpu.memory_space<semaphore_mem>>
      %dma_start3A_1181 = arith.constant 0 : i32
      %dma_start3A_1182 = tpu.memref_slice %arg4[%add3A_1170, %dma_start3A_1181] : memref<204800x128xf32, #tpu.memory_space<hbm>> -> memref<64x128xf32, #tpu.memory_space<hbm>>
      %dma_start3A_1183 = arith.constant 0 : i32
      %dma_start3A_1184 = arith.constant 0 : i32
      %dma_start3A_1185 = tpu.memref_slice %arg6[%dma_start3A_1171, %dma_start3A_1183, %dma_start3A_1184] : memref<10x64x128xf32, #tpu.memory_space<vmem>> -> memref<1x64x128xf32, #tpu.memory_space<vmem>>
      %dma_start3A_1186 = tpu.memref_squeeze %dma_start3A_1185 : memref<1x64x128xf32, #tpu.memory_space<vmem>> -> memref<64x128xf32, #tpu.memory_space<vmem>>
      tpu.enqueue_dma source(%dma_start3A_1186 : memref<64x128xf32, #tpu.memory_space<vmem>>) target(%dma_start3A_1182 : memref<64x128xf32, #tpu.memory_space<hbm>>) target_semaphore(%dma_start3A_1180 : memref<!tpu.dma_semaphore, #tpu.memory_space<semaphore_mem>>)
      %mul3A_1187 = arith.constant 10 : i32
      %mul3A_1188 = arith.muli %add3A_669, %mul3A_1187 : i32
      %add3A_1189 = arith.constant 7 : i32
      %add3A_1190 = arith.addi %mul3A_1188, %add3A_1189 : i32
      %sub3A_1191 = arith.constant 10 : i32
      %sub3A_1192 = arith.subi %add3A_1190, %sub3A_1191 : i32
      %mul3A_1193 = arith.constant 64 : i32
      %mul3A_1194 = arith.muli %sub3A_1192, %mul3A_1193 : i32
      %add3A_1195 = arith.addi %mul3A_2, %mul3A_1194 : i32
      %dma_wait3A_1196 = arith.constant 7 : i32
      %dma_wait3A_1197 = arith.constant 7 : i32
      %dma_wait3A_1198 = arith.constant 0 : i32
      %dma_wait3A_1199 = arith.constant 0 : i32
      %dma_wait3A_1200 = tpu.memref_slice %arg6[%dma_wait3A_1196, %dma_wait3A_1198, %dma_wait3A_1199] : memref<10x64x128xf32, #tpu.memory_space<vmem>> -> memref<1x64x128xf32, #tpu.memory_space<vmem>>
      %dma_wait3A_1201 = tpu.memref_squeeze %dma_wait3A_1200 : memref<1x64x128xf32, #tpu.memory_space<vmem>> -> memref<64x128xf32, #tpu.memory_space<vmem>>
      %dma_wait3A_1202 = arith.constant 0 : i32
      %dma_wait3A_1203 = tpu.memref_slice %arg4[%add3A_1195, %dma_wait3A_1202] : memref<204800x128xf32, #tpu.memory_space<hbm>> -> memref<64x128xf32, #tpu.memory_space<hbm>>
      %dma_wait3A_1204 = tpu.memref_slice %arg8[%dma_wait3A_1197] : memref<10x!tpu.dma_semaphore, #tpu.memory_space<semaphore_mem>> -> memref<1x!tpu.dma_semaphore, #tpu.memory_space<semaphore_mem>>
      %dma_wait3A_1205 = tpu.memref_squeeze %dma_wait3A_1204 : memref<1x!tpu.dma_semaphore, #tpu.memory_space<semaphore_mem>> -> memref<!tpu.dma_semaphore, #tpu.memory_space<semaphore_mem>>
      %dma_wait3A_1206 = arith.constant 0 : i32
      %dma_wait3A_1207 = tpu.memref_slice %arg4[%add3A_1195, %dma_wait3A_1206] : memref<204800x128xf32, #tpu.memory_space<hbm>> -> memref<64x128xf32, #tpu.memory_space<hbm>>
      %dma_wait3A_1208 = arith.constant 0 : i32
      %dma_wait3A_1209 = arith.constant 0 : i32
      %dma_wait3A_1210 = tpu.memref_slice %arg6[%dma_wait3A_1196, %dma_wait3A_1208, %dma_wait3A_1209] : memref<10x64x128xf32, #tpu.memory_space<vmem>> -> memref<1x64x128xf32, #tpu.memory_space<vmem>>
      %dma_wait3A_1211 = tpu.memref_squeeze %dma_wait3A_1210 : memref<1x64x128xf32, #tpu.memory_space<vmem>> -> memref<64x128xf32, #tpu.memory_space<vmem>>
      tpu.wait_dma2 semaphore(%dma_wait3A_1205 : memref<!tpu.dma_semaphore, #tpu.memory_space<semaphore_mem>>) src(%dma_wait3A_1211 : memref<64x128xf32, #tpu.memory_space<vmem>>) dst(%dma_wait3A_1207 : memref<64x128xf32, #tpu.memory_space<hbm>>)
      %dma_start3A_1212 = arith.constant 7 : i32
      %dma_start3A_1213 = arith.constant 7 : i32
      %dma_start3A_1214 = arith.constant 0 : i32
      %dma_start3A_1215 = arith.constant 0 : i32
      %dma_start3A_1216 = tpu.memref_slice %arg6[%dma_start3A_1212, %dma_start3A_1214, %dma_start3A_1215] : memref<10x64x128xf32, #tpu.memory_space<vmem>> -> memref<1x64x128xf32, #tpu.memory_space<vmem>>
      %dma_start3A_1217 = tpu.memref_squeeze %dma_start3A_1216 : memref<1x64x128xf32, #tpu.memory_space<vmem>> -> memref<64x128xf32, #tpu.memory_space<vmem>>
      %dma_start3A_1218 = arith.constant 0 : i32
      %dma_start3A_1219 = tpu.memref_slice %arg5[%add3A_1190, %dma_start3A_1218] : memref<100x64xi32, #tpu.memory_space<vmem>> -> memref<1x64xi32, #tpu.memory_space<vmem>>
      %dma_start3A_1220 = tpu.memref_squeeze %dma_start3A_1219 : memref<1x64xi32, #tpu.memory_space<vmem>> -> memref<64xi32, #tpu.memory_space<vmem>>
      %dma_start3A_1221 = arith.constant 0 : i32
      %dma_start3A_1222 = arith.constant 0 : i32
      %dma_start3A_1223 = tpu.memref_slice %arg3[%dma_start3A_1221, %dma_start3A_1222] : memref<1000000x128xf32, #tpu.memory_space<hbm>> -> memref<1000000x128xf32, #tpu.memory_space<hbm>>
      %dma_start3A_1224 = tpu.memref_slice %arg7[%dma_start3A_1213] : memref<10x!tpu.dma_semaphore, #tpu.memory_space<semaphore_mem>> -> memref<1x!tpu.dma_semaphore, #tpu.memory_space<semaphore_mem>>
      %dma_start3A_1225 = tpu.memref_squeeze %dma_start3A_1224 : memref<1x!tpu.dma_semaphore, #tpu.memory_space<semaphore_mem>> -> memref<!tpu.dma_semaphore, #tpu.memory_space<semaphore_mem>>
      tpu.enqueue_indirect_dma source(%dma_start3A_1223 : memref<1000000x128xf32, #tpu.memory_space<hbm>>) target(%dma_start3A_1217 : memref<64x128xf32, #tpu.memory_space<vmem>>) offsets(%dma_start3A_1220 : memref<64xi32, #tpu.memory_space<vmem>>) semaphore(%dma_start3A_1225 : memref<!tpu.dma_semaphore, #tpu.memory_space<semaphore_mem>>)
      %sub3A_1226 = arith.constant 5 : i32
      %sub3A_1227 = arith.subi %add3A_1190, %sub3A_1226 : i32
      %dma_wait3A_1228 = arith.constant 2 : i32
      %dma_wait3A_1229 = arith.constant 2 : i32
      %dma_wait3A_1230 = arith.constant 0 : i32
      %dma_wait3A_1231 = arith.constant 0 : i32
      %dma_wait3A_1232 = tpu.memref_slice %arg6[%dma_wait3A_1228, %dma_wait3A_1230, %dma_wait3A_1231] : memref<10x64x128xf32, #tpu.memory_space<vmem>> -> memref<1x64x128xf32, #tpu.memory_space<vmem>>
      %dma_wait3A_1233 = tpu.memref_squeeze %dma_wait3A_1232 : memref<1x64x128xf32, #tpu.memory_space<vmem>> -> memref<64x128xf32, #tpu.memory_space<vmem>>
      %dma_wait3A_1234 = arith.constant 0 : i32
      %dma_wait3A_1235 = tpu.memref_slice %arg5[%sub3A_1227, %dma_wait3A_1234] : memref<100x64xi32, #tpu.memory_space<vmem>> -> memref<1x64xi32, #tpu.memory_space<vmem>>
      %dma_wait3A_1236 = tpu.memref_squeeze %dma_wait3A_1235 : memref<1x64xi32, #tpu.memory_space<vmem>> -> memref<64xi32, #tpu.memory_space<vmem>>
      %dma_wait3A_1237 = arith.constant 0 : i32
      %dma_wait3A_1238 = arith.constant 0 : i32
      %dma_wait3A_1239 = tpu.memref_slice %arg3[%dma_wait3A_1237, %dma_wait3A_1238] : memref<1000000x128xf32, #tpu.memory_space<hbm>> -> memref<1000000x128xf32, #tpu.memory_space<hbm>>
      %dma_wait3A_1240 = tpu.memref_slice %arg7[%dma_wait3A_1229] : memref<10x!tpu.dma_semaphore, #tpu.memory_space<semaphore_mem>> -> memref<1x!tpu.dma_semaphore, #tpu.memory_space<semaphore_mem>>
      %dma_wait3A_1241 = tpu.memref_squeeze %dma_wait3A_1240 : memref<1x!tpu.dma_semaphore, #tpu.memory_space<semaphore_mem>> -> memref<!tpu.dma_semaphore, #tpu.memory_space<semaphore_mem>>
      tpu.wait_indirect_dma semaphore(%dma_wait3A_1241 : memref<!tpu.dma_semaphore, #tpu.memory_space<semaphore_mem>>) src(%dma_wait3A_1239 : memref<1000000x128xf32, #tpu.memory_space<hbm>>) dst(%dma_wait3A_1233 : memref<64x128xf32, #tpu.memory_space<vmem>>)
      %mul3A_1242 = arith.constant 64 : i32
      %mul3A_1243 = arith.muli %sub3A_1227, %mul3A_1242 : i32
      %add3A_1244 = arith.addi %mul3A_2, %mul3A_1243 : i32
      %dma_start3A_1245 = arith.constant 2 : i32
      %dma_start3A_1246 = arith.constant 2 : i32
      %dma_start3A_1247 = arith.constant 0 : i32
      %dma_start3A_1248 = arith.constant 0 : i32
      %dma_start3A_1249 = tpu.memref_slice %arg6[%dma_start3A_1245, %dma_start3A_1247, %dma_start3A_1248] : memref<10x64x128xf32, #tpu.memory_space<vmem>> -> memref<1x64x128xf32, #tpu.memory_space<vmem>>
      %dma_start3A_1250 = tpu.memref_squeeze %dma_start3A_1249 : memref<1x64x128xf32, #tpu.memory_space<vmem>> -> memref<64x128xf32, #tpu.memory_space<vmem>>
      %dma_start3A_1251 = arith.constant 0 : i32
      %dma_start3A_1252 = tpu.memref_slice %arg4[%add3A_1244, %dma_start3A_1251] : memref<204800x128xf32, #tpu.memory_space<hbm>> -> memref<64x128xf32, #tpu.memory_space<hbm>>
      %dma_start3A_1253 = tpu.memref_slice %arg8[%dma_start3A_1246] : memref<10x!tpu.dma_semaphore, #tpu.memory_space<semaphore_mem>> -> memref<1x!tpu.dma_semaphore, #tpu.memory_space<semaphore_mem>>
      %dma_start3A_1254 = tpu.memref_squeeze %dma_start3A_1253 : memref<1x!tpu.dma_semaphore, #tpu.memory_space<semaphore_mem>> -> memref<!tpu.dma_semaphore, #tpu.memory_space<semaphore_mem>>
      %dma_start3A_1255 = arith.constant 0 : i32
      %dma_start3A_1256 = tpu.memref_slice %arg4[%add3A_1244, %dma_start3A_1255] : memref<204800x128xf32, #tpu.memory_space<hbm>> -> memref<64x128xf32, #tpu.memory_space<hbm>>
      %dma_start3A_1257 = arith.constant 0 : i32
      %dma_start3A_1258 = arith.constant 0 : i32
      %dma_start3A_1259 = tpu.memref_slice %arg6[%dma_start3A_1245, %dma_start3A_1257, %dma_start3A_1258] : memref<10x64x128xf32, #tpu.memory_space<vmem>> -> memref<1x64x128xf32, #tpu.memory_space<vmem>>
      %dma_start3A_1260 = tpu.memref_squeeze %dma_start3A_1259 : memref<1x64x128xf32, #tpu.memory_space<vmem>> -> memref<64x128xf32, #tpu.memory_space<vmem>>
      tpu.enqueue_dma source(%dma_start3A_1260 : memref<64x128xf32, #tpu.memory_space<vmem>>) target(%dma_start3A_1256 : memref<64x128xf32, #tpu.memory_space<hbm>>) target_semaphore(%dma_start3A_1254 : memref<!tpu.dma_semaphore, #tpu.memory_space<semaphore_mem>>)
      %mul3A_1261 = arith.constant 10 : i32
      %mul3A_1262 = arith.muli %add3A_669, %mul3A_1261 : i32
      %add3A_1263 = arith.constant 8 : i32
      %add3A_1264 = arith.addi %mul3A_1262, %add3A_1263 : i32
      %sub3A_1265 = arith.constant 10 : i32
      %sub3A_1266 = arith.subi %add3A_1264, %sub3A_1265 : i32
      %mul3A_1267 = arith.constant 64 : i32
      %mul3A_1268 = arith.muli %sub3A_1266, %mul3A_1267 : i32
      %add3A_1269 = arith.addi %mul3A_2, %mul3A_1268 : i32
      %dma_wait3A_1270 = arith.constant 8 : i32
      %dma_wait3A_1271 = arith.constant 8 : i32
      %dma_wait3A_1272 = arith.constant 0 : i32
      %dma_wait3A_1273 = arith.constant 0 : i32
      %dma_wait3A_1274 = tpu.memref_slice %arg6[%dma_wait3A_1270, %dma_wait3A_1272, %dma_wait3A_1273] : memref<10x64x128xf32, #tpu.memory_space<vmem>> -> memref<1x64x128xf32, #tpu.memory_space<vmem>>
      %dma_wait3A_1275 = tpu.memref_squeeze %dma_wait3A_1274 : memref<1x64x128xf32, #tpu.memory_space<vmem>> -> memref<64x128xf32, #tpu.memory_space<vmem>>
      %dma_wait3A_1276 = arith.constant 0 : i32
      %dma_wait3A_1277 = tpu.memref_slice %arg4[%add3A_1269, %dma_wait3A_1276] : memref<204800x128xf32, #tpu.memory_space<hbm>> -> memref<64x128xf32, #tpu.memory_space<hbm>>
      %dma_wait3A_1278 = tpu.memref_slice %arg8[%dma_wait3A_1271] : memref<10x!tpu.dma_semaphore, #tpu.memory_space<semaphore_mem>> -> memref<1x!tpu.dma_semaphore, #tpu.memory_space<semaphore_mem>>
      %dma_wait3A_1279 = tpu.memref_squeeze %dma_wait3A_1278 : memref<1x!tpu.dma_semaphore, #tpu.memory_space<semaphore_mem>> -> memref<!tpu.dma_semaphore, #tpu.memory_space<semaphore_mem>>
      %dma_wait3A_1280 = arith.constant 0 : i32
      %dma_wait3A_1281 = tpu.memref_slice %arg4[%add3A_1269, %dma_wait3A_1280] : memref<204800x128xf32, #tpu.memory_space<hbm>> -> memref<64x128xf32, #tpu.memory_space<hbm>>
      %dma_wait3A_1282 = arith.constant 0 : i32
      %dma_wait3A_1283 = arith.constant 0 : i32
      %dma_wait3A_1284 = tpu.memref_slice %arg6[%dma_wait3A_1270, %dma_wait3A_1282, %dma_wait3A_1283] : memref<10x64x128xf32, #tpu.memory_space<vmem>> -> memref<1x64x128xf32, #tpu.memory_space<vmem>>
      %dma_wait3A_1285 = tpu.memref_squeeze %dma_wait3A_1284 : memref<1x64x128xf32, #tpu.memory_space<vmem>> -> memref<64x128xf32, #tpu.memory_space<vmem>>
      tpu.wait_dma2 semaphore(%dma_wait3A_1279 : memref<!tpu.dma_semaphore, #tpu.memory_space<semaphore_mem>>) src(%dma_wait3A_1285 : memref<64x128xf32, #tpu.memory_space<vmem>>) dst(%dma_wait3A_1281 : memref<64x128xf32, #tpu.memory_space<hbm>>)
      %dma_start3A_1286 = arith.constant 8 : i32
      %dma_start3A_1287 = arith.constant 8 : i32
      %dma_start3A_1288 = arith.constant 0 : i32
      %dma_start3A_1289 = arith.constant 0 : i32
      %dma_start3A_1290 = tpu.memref_slice %arg6[%dma_start3A_1286, %dma_start3A_1288, %dma_start3A_1289] : memref<10x64x128xf32, #tpu.memory_space<vmem>> -> memref<1x64x128xf32, #tpu.memory_space<vmem>>
      %dma_start3A_1291 = tpu.memref_squeeze %dma_start3A_1290 : memref<1x64x128xf32, #tpu.memory_space<vmem>> -> memref<64x128xf32, #tpu.memory_space<vmem>>
      %dma_start3A_1292 = arith.constant 0 : i32
      %dma_start3A_1293 = tpu.memref_slice %arg5[%add3A_1264, %dma_start3A_1292] : memref<100x64xi32, #tpu.memory_space<vmem>> -> memref<1x64xi32, #tpu.memory_space<vmem>>
      %dma_start3A_1294 = tpu.memref_squeeze %dma_start3A_1293 : memref<1x64xi32, #tpu.memory_space<vmem>> -> memref<64xi32, #tpu.memory_space<vmem>>
      %dma_start3A_1295 = arith.constant 0 : i32
      %dma_start3A_1296 = arith.constant 0 : i32
      %dma_start3A_1297 = tpu.memref_slice %arg3[%dma_start3A_1295, %dma_start3A_1296] : memref<1000000x128xf32, #tpu.memory_space<hbm>> -> memref<1000000x128xf32, #tpu.memory_space<hbm>>
      %dma_start3A_1298 = tpu.memref_slice %arg7[%dma_start3A_1287] : memref<10x!tpu.dma_semaphore, #tpu.memory_space<semaphore_mem>> -> memref<1x!tpu.dma_semaphore, #tpu.memory_space<semaphore_mem>>
      %dma_start3A_1299 = tpu.memref_squeeze %dma_start3A_1298 : memref<1x!tpu.dma_semaphore, #tpu.memory_space<semaphore_mem>> -> memref<!tpu.dma_semaphore, #tpu.memory_space<semaphore_mem>>
      tpu.enqueue_indirect_dma source(%dma_start3A_1297 : memref<1000000x128xf32, #tpu.memory_space<hbm>>) target(%dma_start3A_1291 : memref<64x128xf32, #tpu.memory_space<vmem>>) offsets(%dma_start3A_1294 : memref<64xi32, #tpu.memory_space<vmem>>) semaphore(%dma_start3A_1299 : memref<!tpu.dma_semaphore, #tpu.memory_space<semaphore_mem>>)
      %sub3A_1300 = arith.constant 5 : i32
      %sub3A_1301 = arith.subi %add3A_1264, %sub3A_1300 : i32
      %dma_wait3A_1302 = arith.constant 3 : i32
      %dma_wait3A_1303 = arith.constant 3 : i32
      %dma_wait3A_1304 = arith.constant 0 : i32
      %dma_wait3A_1305 = arith.constant 0 : i32
      %dma_wait3A_1306 = tpu.memref_slice %arg6[%dma_wait3A_1302, %dma_wait3A_1304, %dma_wait3A_1305] : memref<10x64x128xf32, #tpu.memory_space<vmem>> -> memref<1x64x128xf32, #tpu.memory_space<vmem>>
      %dma_wait3A_1307 = tpu.memref_squeeze %dma_wait3A_1306 : memref<1x64x128xf32, #tpu.memory_space<vmem>> -> memref<64x128xf32, #tpu.memory_space<vmem>>
      %dma_wait3A_1308 = arith.constant 0 : i32
      %dma_wait3A_1309 = tpu.memref_slice %arg5[%sub3A_1301, %dma_wait3A_1308] : memref<100x64xi32, #tpu.memory_space<vmem>> -> memref<1x64xi32, #tpu.memory_space<vmem>>
      %dma_wait3A_1310 = tpu.memref_squeeze %dma_wait3A_1309 : memref<1x64xi32, #tpu.memory_space<vmem>> -> memref<64xi32, #tpu.memory_space<vmem>>
      %dma_wait3A_1311 = arith.constant 0 : i32
      %dma_wait3A_1312 = arith.constant 0 : i32
      %dma_wait3A_1313 = tpu.memref_slice %arg3[%dma_wait3A_1311, %dma_wait3A_1312] : memref<1000000x128xf32, #tpu.memory_space<hbm>> -> memref<1000000x128xf32, #tpu.memory_space<hbm>>
      %dma_wait3A_1314 = tpu.memref_slice %arg7[%dma_wait3A_1303] : memref<10x!tpu.dma_semaphore, #tpu.memory_space<semaphore_mem>> -> memref<1x!tpu.dma_semaphore, #tpu.memory_space<semaphore_mem>>
      %dma_wait3A_1315 = tpu.memref_squeeze %dma_wait3A_1314 : memref<1x!tpu.dma_semaphore, #tpu.memory_space<semaphore_mem>> -> memref<!tpu.dma_semaphore, #tpu.memory_space<semaphore_mem>>
      tpu.wait_indirect_dma semaphore(%dma_wait3A_1315 : memref<!tpu.dma_semaphore, #tpu.memory_space<semaphore_mem>>) src(%dma_wait3A_1313 : memref<1000000x128xf32, #tpu.memory_space<hbm>>) dst(%dma_wait3A_1307 : memref<64x128xf32, #tpu.memory_space<vmem>>)
      %mul3A_1316 = arith.constant 64 : i32
      %mul3A_1317 = arith.muli %sub3A_1301, %mul3A_1316 : i32
      %add3A_1318 = arith.addi %mul3A_2, %mul3A_1317 : i32
      %dma_start3A_1319 = arith.constant 3 : i32
      %dma_start3A_1320 = arith.constant 3 : i32
      %dma_start3A_1321 = arith.constant 0 : i32
      %dma_start3A_1322 = arith.constant 0 : i32
      %dma_start3A_1323 = tpu.memref_slice %arg6[%dma_start3A_1319, %dma_start3A_1321, %dma_start3A_1322] : memref<10x64x128xf32, #tpu.memory_space<vmem>> -> memref<1x64x128xf32, #tpu.memory_space<vmem>>
      %dma_start3A_1324 = tpu.memref_squeeze %dma_start3A_1323 : memref<1x64x128xf32, #tpu.memory_space<vmem>> -> memref<64x128xf32, #tpu.memory_space<vmem>>
      %dma_start3A_1325 = arith.constant 0 : i32
      %dma_start3A_1326 = tpu.memref_slice %arg4[%add3A_1318, %dma_start3A_1325] : memref<204800x128xf32, #tpu.memory_space<hbm>> -> memref<64x128xf32, #tpu.memory_space<hbm>>
      %dma_start3A_1327 = tpu.memref_slice %arg8[%dma_start3A_1320] : memref<10x!tpu.dma_semaphore, #tpu.memory_space<semaphore_mem>> -> memref<1x!tpu.dma_semaphore, #tpu.memory_space<semaphore_mem>>
      %dma_start3A_1328 = tpu.memref_squeeze %dma_start3A_1327 : memref<1x!tpu.dma_semaphore, #tpu.memory_space<semaphore_mem>> -> memref<!tpu.dma_semaphore, #tpu.memory_space<semaphore_mem>>
      %dma_start3A_1329 = arith.constant 0 : i32
      %dma_start3A_1330 = tpu.memref_slice %arg4[%add3A_1318, %dma_start3A_1329] : memref<204800x128xf32, #tpu.memory_space<hbm>> -> memref<64x128xf32, #tpu.memory_space<hbm>>
      %dma_start3A_1331 = arith.constant 0 : i32
      %dma_start3A_1332 = arith.constant 0 : i32
      %dma_start3A_1333 = tpu.memref_slice %arg6[%dma_start3A_1319, %dma_start3A_1331, %dma_start3A_1332] : memref<10x64x128xf32, #tpu.memory_space<vmem>> -> memref<1x64x128xf32, #tpu.memory_space<vmem>>
      %dma_start3A_1334 = tpu.memref_squeeze %dma_start3A_1333 : memref<1x64x128xf32, #tpu.memory_space<vmem>> -> memref<64x128xf32, #tpu.memory_space<vmem>>
      tpu.enqueue_dma source(%dma_start3A_1334 : memref<64x128xf32, #tpu.memory_space<vmem>>) target(%dma_start3A_1330 : memref<64x128xf32, #tpu.memory_space<hbm>>) target_semaphore(%dma_start3A_1328 : memref<!tpu.dma_semaphore, #tpu.memory_space<semaphore_mem>>)
      %mul3A_1335 = arith.constant 10 : i32
      %mul3A_1336 = arith.muli %add3A_669, %mul3A_1335 : i32
      %add3A_1337 = arith.constant 9 : i32
      %add3A_1338 = arith.addi %mul3A_1336, %add3A_1337 : i32
      %sub3A_1339 = arith.constant 10 : i32
      %sub3A_1340 = arith.subi %add3A_1338, %sub3A_1339 : i32
      %mul3A_1341 = arith.constant 64 : i32
      %mul3A_1342 = arith.muli %sub3A_1340, %mul3A_1341 : i32
      %add3A_1343 = arith.addi %mul3A_2, %mul3A_1342 : i32
      %dma_wait3A_1344 = arith.constant 9 : i32
      %dma_wait3A_1345 = arith.constant 9 : i32
      %dma_wait3A_1346 = arith.constant 0 : i32
      %dma_wait3A_1347 = arith.constant 0 : i32
      %dma_wait3A_1348 = tpu.memref_slice %arg6[%dma_wait3A_1344, %dma_wait3A_1346, %dma_wait3A_1347] : memref<10x64x128xf32, #tpu.memory_space<vmem>> -> memref<1x64x128xf32, #tpu.memory_space<vmem>>
      %dma_wait3A_1349 = tpu.memref_squeeze %dma_wait3A_1348 : memref<1x64x128xf32, #tpu.memory_space<vmem>> -> memref<64x128xf32, #tpu.memory_space<vmem>>
      %dma_wait3A_1350 = arith.constant 0 : i32
      %dma_wait3A_1351 = tpu.memref_slice %arg4[%add3A_1343, %dma_wait3A_1350] : memref<204800x128xf32, #tpu.memory_space<hbm>> -> memref<64x128xf32, #tpu.memory_space<hbm>>
      %dma_wait3A_1352 = tpu.memref_slice %arg8[%dma_wait3A_1345] : memref<10x!tpu.dma_semaphore, #tpu.memory_space<semaphore_mem>> -> memref<1x!tpu.dma_semaphore, #tpu.memory_space<semaphore_mem>>
      %dma_wait3A_1353 = tpu.memref_squeeze %dma_wait3A_1352 : memref<1x!tpu.dma_semaphore, #tpu.memory_space<semaphore_mem>> -> memref<!tpu.dma_semaphore, #tpu.memory_space<semaphore_mem>>
      %dma_wait3A_1354 = arith.constant 0 : i32
      %dma_wait3A_1355 = tpu.memref_slice %arg4[%add3A_1343, %dma_wait3A_1354] : memref<204800x128xf32, #tpu.memory_space<hbm>> -> memref<64x128xf32, #tpu.memory_space<hbm>>
      %dma_wait3A_1356 = arith.constant 0 : i32
      %dma_wait3A_1357 = arith.constant 0 : i32
      %dma_wait3A_1358 = tpu.memref_slice %arg6[%dma_wait3A_1344, %dma_wait3A_1356, %dma_wait3A_1357] : memref<10x64x128xf32, #tpu.memory_space<vmem>> -> memref<1x64x128xf32, #tpu.memory_space<vmem>>
      %dma_wait3A_1359 = tpu.memref_squeeze %dma_wait3A_1358 : memref<1x64x128xf32, #tpu.memory_space<vmem>> -> memref<64x128xf32, #tpu.memory_space<vmem>>
      tpu.wait_dma2 semaphore(%dma_wait3A_1353 : memref<!tpu.dma_semaphore, #tpu.memory_space<semaphore_mem>>) src(%dma_wait3A_1359 : memref<64x128xf32, #tpu.memory_space<vmem>>) dst(%dma_wait3A_1355 : memref<64x128xf32, #tpu.memory_space<hbm>>)
      %dma_start3A_1360 = arith.constant 9 : i32
      %dma_start3A_1361 = arith.constant 9 : i32
      %dma_start3A_1362 = arith.constant 0 : i32
      %dma_start3A_1363 = arith.constant 0 : i32
      %dma_start3A_1364 = tpu.memref_slice %arg6[%dma_start3A_1360, %dma_start3A_1362, %dma_start3A_1363] : memref<10x64x128xf32, #tpu.memory_space<vmem>> -> memref<1x64x128xf32, #tpu.memory_space<vmem>>
      %dma_start3A_1365 = tpu.memref_squeeze %dma_start3A_1364 : memref<1x64x128xf32, #tpu.memory_space<vmem>> -> memref<64x128xf32, #tpu.memory_space<vmem>>
      %dma_start3A_1366 = arith.constant 0 : i32
      %dma_start3A_1367 = tpu.memref_slice %arg5[%add3A_1338, %dma_start3A_1366] : memref<100x64xi32, #tpu.memory_space<vmem>> -> memref<1x64xi32, #tpu.memory_space<vmem>>
      %dma_start3A_1368 = tpu.memref_squeeze %dma_start3A_1367 : memref<1x64xi32, #tpu.memory_space<vmem>> -> memref<64xi32, #tpu.memory_space<vmem>>
      %dma_start3A_1369 = arith.constant 0 : i32
      %dma_start3A_1370 = arith.constant 0 : i32
      %dma_start3A_1371 = tpu.memref_slice %arg3[%dma_start3A_1369, %dma_start3A_1370] : memref<1000000x128xf32, #tpu.memory_space<hbm>> -> memref<1000000x128xf32, #tpu.memory_space<hbm>>
      %dma_start3A_1372 = tpu.memref_slice %arg7[%dma_start3A_1361] : memref<10x!tpu.dma_semaphore, #tpu.memory_space<semaphore_mem>> -> memref<1x!tpu.dma_semaphore, #tpu.memory_space<semaphore_mem>>
      %dma_start3A_1373 = tpu.memref_squeeze %dma_start3A_1372 : memref<1x!tpu.dma_semaphore, #tpu.memory_space<semaphore_mem>> -> memref<!tpu.dma_semaphore, #tpu.memory_space<semaphore_mem>>
      tpu.enqueue_indirect_dma source(%dma_start3A_1371 : memref<1000000x128xf32, #tpu.memory_space<hbm>>) target(%dma_start3A_1365 : memref<64x128xf32, #tpu.memory_space<vmem>>) offsets(%dma_start3A_1368 : memref<64xi32, #tpu.memory_space<vmem>>) semaphore(%dma_start3A_1373 : memref<!tpu.dma_semaphore, #tpu.memory_space<semaphore_mem>>)
      %sub3A_1374 = arith.constant 5 : i32
      %sub3A_1375 = arith.subi %add3A_1338, %sub3A_1374 : i32
      %dma_wait3A_1376 = arith.constant 4 : i32
      %dma_wait3A_1377 = arith.constant 4 : i32
      %dma_wait3A_1378 = arith.constant 0 : i32
      %dma_wait3A_1379 = arith.constant 0 : i32
      %dma_wait3A_1380 = tpu.memref_slice %arg6[%dma_wait3A_1376, %dma_wait3A_1378, %dma_wait3A_1379] : memref<10x64x128xf32, #tpu.memory_space<vmem>> -> memref<1x64x128xf32, #tpu.memory_space<vmem>>
      %dma_wait3A_1381 = tpu.memref_squeeze %dma_wait3A_1380 : memref<1x64x128xf32, #tpu.memory_space<vmem>> -> memref<64x128xf32, #tpu.memory_space<vmem>>
      %dma_wait3A_1382 = arith.constant 0 : i32
      %dma_wait3A_1383 = tpu.memref_slice %arg5[%sub3A_1375, %dma_wait3A_1382] : memref<100x64xi32, #tpu.memory_space<vmem>> -> memref<1x64xi32, #tpu.memory_space<vmem>>
      %dma_wait3A_1384 = tpu.memref_squeeze %dma_wait3A_1383 : memref<1x64xi32, #tpu.memory_space<vmem>> -> memref<64xi32, #tpu.memory_space<vmem>>
      %dma_wait3A_1385 = arith.constant 0 : i32
      %dma_wait3A_1386 = arith.constant 0 : i32
      %dma_wait3A_1387 = tpu.memref_slice %arg3[%dma_wait3A_1385, %dma_wait3A_1386] : memref<1000000x128xf32, #tpu.memory_space<hbm>> -> memref<1000000x128xf32, #tpu.memory_space<hbm>>
      %dma_wait3A_1388 = tpu.memref_slice %arg7[%dma_wait3A_1377] : memref<10x!tpu.dma_semaphore, #tpu.memory_space<semaphore_mem>> -> memref<1x!tpu.dma_semaphore, #tpu.memory_space<semaphore_mem>>
      %dma_wait3A_1389 = tpu.memref_squeeze %dma_wait3A_1388 : memref<1x!tpu.dma_semaphore, #tpu.memory_space<semaphore_mem>> -> memref<!tpu.dma_semaphore, #tpu.memory_space<semaphore_mem>>
      tpu.wait_indirect_dma semaphore(%dma_wait3A_1389 : memref<!tpu.dma_semaphore, #tpu.memory_space<semaphore_mem>>) src(%dma_wait3A_1387 : memref<1000000x128xf32, #tpu.memory_space<hbm>>) dst(%dma_wait3A_1381 : memref<64x128xf32, #tpu.memory_space<vmem>>)
      %mul3A_1390 = arith.constant 64 : i32
      %mul3A_1391 = arith.muli %sub3A_1375, %mul3A_1390 : i32
      %add3A_1392 = arith.addi %mul3A_2, %mul3A_1391 : i32
      %dma_start3A_1393 = arith.constant 4 : i32
      %dma_start3A_1394 = arith.constant 4 : i32
      %dma_start3A_1395 = arith.constant 0 : i32
      %dma_start3A_1396 = arith.constant 0 : i32
      %dma_start3A_1397 = tpu.memref_slice %arg6[%dma_start3A_1393, %dma_start3A_1395, %dma_start3A_1396] : memref<10x64x128xf32, #tpu.memory_space<vmem>> -> memref<1x64x128xf32, #tpu.memory_space<vmem>>
      %dma_start3A_1398 = tpu.memref_squeeze %dma_start3A_1397 : memref<1x64x128xf32, #tpu.memory_space<vmem>> -> memref<64x128xf32, #tpu.memory_space<vmem>>
      %dma_start3A_1399 = arith.constant 0 : i32
      %dma_start3A_1400 = tpu.memref_slice %arg4[%add3A_1392, %dma_start3A_1399] : memref<204800x128xf32, #tpu.memory_space<hbm>> -> memref<64x128xf32, #tpu.memory_space<hbm>>
      %dma_start3A_1401 = tpu.memref_slice %arg8[%dma_start3A_1394] : memref<10x!tpu.dma_semaphore, #tpu.memory_space<semaphore_mem>> -> memref<1x!tpu.dma_semaphore, #tpu.memory_space<semaphore_mem>>
      %dma_start3A_1402 = tpu.memref_squeeze %dma_start3A_1401 : memref<1x!tpu.dma_semaphore, #tpu.memory_space<semaphore_mem>> -> memref<!tpu.dma_semaphore, #tpu.memory_space<semaphore_mem>>
      %dma_start3A_1403 = arith.constant 0 : i32
      %dma_start3A_1404 = tpu.memref_slice %arg4[%add3A_1392, %dma_start3A_1403] : memref<204800x128xf32, #tpu.memory_space<hbm>> -> memref<64x128xf32, #tpu.memory_space<hbm>>
      %dma_start3A_1405 = arith.constant 0 : i32
      %dma_start3A_1406 = arith.constant 0 : i32
      %dma_start3A_1407 = tpu.memref_slice %arg6[%dma_start3A_1393, %dma_start3A_1405, %dma_start3A_1406] : memref<10x64x128xf32, #tpu.memory_space<vmem>> -> memref<1x64x128xf32, #tpu.memory_space<vmem>>
      %dma_start3A_1408 = tpu.memref_squeeze %dma_start3A_1407 : memref<1x64x128xf32, #tpu.memory_space<vmem>> -> memref<64x128xf32, #tpu.memory_space<vmem>>
      tpu.enqueue_dma source(%dma_start3A_1408 : memref<64x128xf32, #tpu.memory_space<vmem>>) target(%dma_start3A_1404 : memref<64x128xf32, #tpu.memory_space<hbm>>) target_semaphore(%dma_start3A_1402 : memref<!tpu.dma_semaphore, #tpu.memory_space<semaphore_mem>>)
    }
    %scan3A_319 = arith.constant 9 : i32
    %dma_wait3A_320 = arith.constant 95 : i32
    %dma_wait3A_321 = arith.constant 5 : i32
    %dma_wait3A_322 = arith.constant 5 : i32
    %dma_wait3A_323 = arith.constant 0 : i32
    %dma_wait3A_324 = arith.constant 0 : i32
    %dma_wait3A_325 = tpu.memref_slice %arg6[%dma_wait3A_321, %dma_wait3A_323, %dma_wait3A_324] : memref<10x64x128xf32, #tpu.memory_space<vmem>> -> memref<1x64x128xf32, #tpu.memory_space<vmem>>
    %dma_wait3A_326 = tpu.memref_squeeze %dma_wait3A_325 : memref<1x64x128xf32, #tpu.memory_space<vmem>> -> memref<64x128xf32, #tpu.memory_space<vmem>>
    %dma_wait3A_327 = arith.constant 0 : i32
    %dma_wait3A_328 = tpu.memref_slice %arg5[%dma_wait3A_320, %dma_wait3A_327] : memref<100x64xi32, #tpu.memory_space<vmem>> -> memref<1x64xi32, #tpu.memory_space<vmem>>
    %dma_wait3A_329 = tpu.memref_squeeze %dma_wait3A_328 : memref<1x64xi32, #tpu.memory_space<vmem>> -> memref<64xi32, #tpu.memory_space<vmem>>
    %dma_wait3A_330 = arith.constant 0 : i32
    %dma_wait3A_331 = arith.constant 0 : i32
    %dma_wait3A_332 = tpu.memref_slice %arg3[%dma_wait3A_330, %dma_wait3A_331] : memref<1000000x128xf32, #tpu.memory_space<hbm>> -> memref<1000000x128xf32, #tpu.memory_space<hbm>>
    %dma_wait3A_333 = tpu.memref_slice %arg7[%dma_wait3A_322] : memref<10x!tpu.dma_semaphore, #tpu.memory_space<semaphore_mem>> -> memref<1x!tpu.dma_semaphore, #tpu.memory_space<semaphore_mem>>
    %dma_wait3A_334 = tpu.memref_squeeze %dma_wait3A_333 : memref<1x!tpu.dma_semaphore, #tpu.memory_space<semaphore_mem>> -> memref<!tpu.dma_semaphore, #tpu.memory_space<semaphore_mem>>
    tpu.wait_indirect_dma semaphore(%dma_wait3A_334 : memref<!tpu.dma_semaphore, #tpu.memory_space<semaphore_mem>>) src(%dma_wait3A_332 : memref<1000000x128xf32, #tpu.memory_space<hbm>>) dst(%dma_wait3A_326 : memref<64x128xf32, #tpu.memory_space<vmem>>)
    %add3A_335 = arith.constant 6080 : i32
    %add3A_336 = arith.addi %mul3A_2, %add3A_335 : i32
    %dma_start3A_337 = arith.constant 5 : i32
    %dma_start3A_338 = arith.constant 5 : i32
    %dma_start3A_339 = arith.constant 0 : i32
    %dma_start3A_340 = arith.constant 0 : i32
    %dma_start3A_341 = tpu.memref_slice %arg6[%dma_start3A_337, %dma_start3A_339, %dma_start3A_340] : memref<10x64x128xf32, #tpu.memory_space<vmem>> -> memref<1x64x128xf32, #tpu.memory_space<vmem>>
    %dma_start3A_342 = tpu.memref_squeeze %dma_start3A_341 : memref<1x64x128xf32, #tpu.memory_space<vmem>> -> memref<64x128xf32, #tpu.memory_space<vmem>>
    %dma_start3A_343 = arith.constant 0 : i32
    %dma_start3A_344 = tpu.memref_slice %arg4[%add3A_336, %dma_start3A_343] : memref<204800x128xf32, #tpu.memory_space<hbm>> -> memref<64x128xf32, #tpu.memory_space<hbm>>
    %dma_start3A_345 = tpu.memref_slice %arg8[%dma_start3A_338] : memref<10x!tpu.dma_semaphore, #tpu.memory_space<semaphore_mem>> -> memref<1x!tpu.dma_semaphore, #tpu.memory_space<semaphore_mem>>
    %dma_start3A_346 = tpu.memref_squeeze %dma_start3A_345 : memref<1x!tpu.dma_semaphore, #tpu.memory_space<semaphore_mem>> -> memref<!tpu.dma_semaphore, #tpu.memory_space<semaphore_mem>>
    %dma_start3A_347 = arith.constant 0 : i32
    %dma_start3A_348 = tpu.memref_slice %arg4[%add3A_336, %dma_start3A_347] : memref<204800x128xf32, #tpu.memory_space<hbm>> -> memref<64x128xf32, #tpu.memory_space<hbm>>
    %dma_start3A_349 = arith.constant 0 : i32
    %dma_start3A_350 = arith.constant 0 : i32
    %dma_start3A_351 = tpu.memref_slice %arg6[%dma_start3A_337, %dma_start3A_349, %dma_start3A_350] : memref<10x64x128xf32, #tpu.memory_space<vmem>> -> memref<1x64x128xf32, #tpu.memory_space<vmem>>
    %dma_start3A_352 = tpu.memref_squeeze %dma_start3A_351 : memref<1x64x128xf32, #tpu.memory_space<vmem>> -> memref<64x128xf32, #tpu.memory_space<vmem>>
    tpu.enqueue_dma source(%dma_start3A_352 : memref<64x128xf32, #tpu.memory_space<vmem>>) target(%dma_start3A_348 : memref<64x128xf32, #tpu.memory_space<hbm>>) target_semaphore(%dma_start3A_346 : memref<!tpu.dma_semaphore, #tpu.memory_space<semaphore_mem>>)
    %dma_wait3A_353 = arith.constant 96 : i32
    %dma_wait3A_354 = arith.constant 6 : i32
    %dma_wait3A_355 = arith.constant 6 : i32
    %dma_wait3A_356 = arith.constant 0 : i32
    %dma_wait3A_357 = arith.constant 0 : i32
    %dma_wait3A_358 = tpu.memref_slice %arg6[%dma_wait3A_354, %dma_wait3A_356, %dma_wait3A_357] : memref<10x64x128xf32, #tpu.memory_space<vmem>> -> memref<1x64x128xf32, #tpu.memory_space<vmem>>
    %dma_wait3A_359 = tpu.memref_squeeze %dma_wait3A_358 : memref<1x64x128xf32, #tpu.memory_space<vmem>> -> memref<64x128xf32, #tpu.memory_space<vmem>>
    %dma_wait3A_360 = arith.constant 0 : i32
    %dma_wait3A_361 = tpu.memref_slice %arg5[%dma_wait3A_353, %dma_wait3A_360] : memref<100x64xi32, #tpu.memory_space<vmem>> -> memref<1x64xi32, #tpu.memory_space<vmem>>
    %dma_wait3A_362 = tpu.memref_squeeze %dma_wait3A_361 : memref<1x64xi32, #tpu.memory_space<vmem>> -> memref<64xi32, #tpu.memory_space<vmem>>
    %dma_wait3A_363 = arith.constant 0 : i32
    %dma_wait3A_364 = arith.constant 0 : i32
    %dma_wait3A_365 = tpu.memref_slice %arg3[%dma_wait3A_363, %dma_wait3A_364] : memref<1000000x128xf32, #tpu.memory_space<hbm>> -> memref<1000000x128xf32, #tpu.memory_space<hbm>>
    %dma_wait3A_366 = tpu.memref_slice %arg7[%dma_wait3A_355] : memref<10x!tpu.dma_semaphore, #tpu.memory_space<semaphore_mem>> -> memref<1x!tpu.dma_semaphore, #tpu.memory_space<semaphore_mem>>
    %dma_wait3A_367 = tpu.memref_squeeze %dma_wait3A_366 : memref<1x!tpu.dma_semaphore, #tpu.memory_space<semaphore_mem>> -> memref<!tpu.dma_semaphore, #tpu.memory_space<semaphore_mem>>
    tpu.wait_indirect_dma semaphore(%dma_wait3A_367 : memref<!tpu.dma_semaphore, #tpu.memory_space<semaphore_mem>>) src(%dma_wait3A_365 : memref<1000000x128xf32, #tpu.memory_space<hbm>>) dst(%dma_wait3A_359 : memref<64x128xf32, #tpu.memory_space<vmem>>)
    %add3A_368 = arith.constant 6144 : i32
    %add3A_369 = arith.addi %mul3A_2, %add3A_368 : i32
    %dma_start3A_370 = arith.constant 6 : i32
    %dma_start3A_371 = arith.constant 6 : i32
    %dma_start3A_372 = arith.constant 0 : i32
    %dma_start3A_373 = arith.constant 0 : i32
    %dma_start3A_374 = tpu.memref_slice %arg6[%dma_start3A_370, %dma_start3A_372, %dma_start3A_373] : memref<10x64x128xf32, #tpu.memory_space<vmem>> -> memref<1x64x128xf32, #tpu.memory_space<vmem>>
    %dma_start3A_375 = tpu.memref_squeeze %dma_start3A_374 : memref<1x64x128xf32, #tpu.memory_space<vmem>> -> memref<64x128xf32, #tpu.memory_space<vmem>>
    %dma_start3A_376 = arith.constant 0 : i32
    %dma_start3A_377 = tpu.memref_slice %arg4[%add3A_369, %dma_start3A_376] : memref<204800x128xf32, #tpu.memory_space<hbm>> -> memref<64x128xf32, #tpu.memory_space<hbm>>
    %dma_start3A_378 = tpu.memref_slice %arg8[%dma_start3A_371] : memref<10x!tpu.dma_semaphore, #tpu.memory_space<semaphore_mem>> -> memref<1x!tpu.dma_semaphore, #tpu.memory_space<semaphore_mem>>
    %dma_start3A_379 = tpu.memref_squeeze %dma_start3A_378 : memref<1x!tpu.dma_semaphore, #tpu.memory_space<semaphore_mem>> -> memref<!tpu.dma_semaphore, #tpu.memory_space<semaphore_mem>>
    %dma_start3A_380 = arith.constant 0 : i32
    %dma_start3A_381 = tpu.memref_slice %arg4[%add3A_369, %dma_start3A_380] : memref<204800x128xf32, #tpu.memory_space<hbm>> -> memref<64x128xf32, #tpu.memory_space<hbm>>
    %dma_start3A_382 = arith.constant 0 : i32
    %dma_start3A_383 = arith.constant 0 : i32
    %dma_start3A_384 = tpu.memref_slice %arg6[%dma_start3A_370, %dma_start3A_382, %dma_start3A_383] : memref<10x64x128xf32, #tpu.memory_space<vmem>> -> memref<1x64x128xf32, #tpu.memory_space<vmem>>
    %dma_start3A_385 = tpu.memref_squeeze %dma_start3A_384 : memref<1x64x128xf32, #tpu.memory_space<vmem>> -> memref<64x128xf32, #tpu.memory_space<vmem>>
    tpu.enqueue_dma source(%dma_start3A_385 : memref<64x128xf32, #tpu.memory_space<vmem>>) target(%dma_start3A_381 : memref<64x128xf32, #tpu.memory_space<hbm>>) target_semaphore(%dma_start3A_379 : memref<!tpu.dma_semaphore, #tpu.memory_space<semaphore_mem>>)
    %dma_wait3A_386 = arith.constant 97 : i32
    %dma_wait3A_387 = arith.constant 7 : i32
    %dma_wait3A_388 = arith.constant 7 : i32
    %dma_wait3A_389 = arith.constant 0 : i32
    %dma_wait3A_390 = arith.constant 0 : i32
    %dma_wait3A_391 = tpu.memref_slice %arg6[%dma_wait3A_387, %dma_wait3A_389, %dma_wait3A_390] : memref<10x64x128xf32, #tpu.memory_space<vmem>> -> memref<1x64x128xf32, #tpu.memory_space<vmem>>
    %dma_wait3A_392 = tpu.memref_squeeze %dma_wait3A_391 : memref<1x64x128xf32, #tpu.memory_space<vmem>> -> memref<64x128xf32, #tpu.memory_space<vmem>>
    %dma_wait3A_393 = arith.constant 0 : i32
    %dma_wait3A_394 = tpu.memref_slice %arg5[%dma_wait3A_386, %dma_wait3A_393] : memref<100x64xi32, #tpu.memory_space<vmem>> -> memref<1x64xi32, #tpu.memory_space<vmem>>
    %dma_wait3A_395 = tpu.memref_squeeze %dma_wait3A_394 : memref<1x64xi32, #tpu.memory_space<vmem>> -> memref<64xi32, #tpu.memory_space<vmem>>
    %dma_wait3A_396 = arith.constant 0 : i32
    %dma_wait3A_397 = arith.constant 0 : i32
    %dma_wait3A_398 = tpu.memref_slice %arg3[%dma_wait3A_396, %dma_wait3A_397] : memref<1000000x128xf32, #tpu.memory_space<hbm>> -> memref<1000000x128xf32, #tpu.memory_space<hbm>>
    %dma_wait3A_399 = tpu.memref_slice %arg7[%dma_wait3A_388] : memref<10x!tpu.dma_semaphore, #tpu.memory_space<semaphore_mem>> -> memref<1x!tpu.dma_semaphore, #tpu.memory_space<semaphore_mem>>
    %dma_wait3A_400 = tpu.memref_squeeze %dma_wait3A_399 : memref<1x!tpu.dma_semaphore, #tpu.memory_space<semaphore_mem>> -> memref<!tpu.dma_semaphore, #tpu.memory_space<semaphore_mem>>
    tpu.wait_indirect_dma semaphore(%dma_wait3A_400 : memref<!tpu.dma_semaphore, #tpu.memory_space<semaphore_mem>>) src(%dma_wait3A_398 : memref<1000000x128xf32, #tpu.memory_space<hbm>>) dst(%dma_wait3A_392 : memref<64x128xf32, #tpu.memory_space<vmem>>)
    %add3A_401 = arith.constant 6208 : i32
    %add3A_402 = arith.addi %mul3A_2, %add3A_401 : i32
    %dma_start3A_403 = arith.constant 7 : i32
    %dma_start3A_404 = arith.constant 7 : i32
    %dma_start3A_405 = arith.constant 0 : i32
    %dma_start3A_406 = arith.constant 0 : i32
    %dma_start3A_407 = tpu.memref_slice %arg6[%dma_start3A_403, %dma_start3A_405, %dma_start3A_406] : memref<10x64x128xf32, #tpu.memory_space<vmem>> -> memref<1x64x128xf32, #tpu.memory_space<vmem>>
    %dma_start3A_408 = tpu.memref_squeeze %dma_start3A_407 : memref<1x64x128xf32, #tpu.memory_space<vmem>> -> memref<64x128xf32, #tpu.memory_space<vmem>>
    %dma_start3A_409 = arith.constant 0 : i32
    %dma_start3A_410 = tpu.memref_slice %arg4[%add3A_402, %dma_start3A_409] : memref<204800x128xf32, #tpu.memory_space<hbm>> -> memref<64x128xf32, #tpu.memory_space<hbm>>
    %dma_start3A_411 = tpu.memref_slice %arg8[%dma_start3A_404] : memref<10x!tpu.dma_semaphore, #tpu.memory_space<semaphore_mem>> -> memref<1x!tpu.dma_semaphore, #tpu.memory_space<semaphore_mem>>
    %dma_start3A_412 = tpu.memref_squeeze %dma_start3A_411 : memref<1x!tpu.dma_semaphore, #tpu.memory_space<semaphore_mem>> -> memref<!tpu.dma_semaphore, #tpu.memory_space<semaphore_mem>>
    %dma_start3A_413 = arith.constant 0 : i32
    %dma_start3A_414 = tpu.memref_slice %arg4[%add3A_402, %dma_start3A_413] : memref<204800x128xf32, #tpu.memory_space<hbm>> -> memref<64x128xf32, #tpu.memory_space<hbm>>
    %dma_start3A_415 = arith.constant 0 : i32
    %dma_start3A_416 = arith.constant 0 : i32
    %dma_start3A_417 = tpu.memref_slice %arg6[%dma_start3A_403, %dma_start3A_415, %dma_start3A_416] : memref<10x64x128xf32, #tpu.memory_space<vmem>> -> memref<1x64x128xf32, #tpu.memory_space<vmem>>
    %dma_start3A_418 = tpu.memref_squeeze %dma_start3A_417 : memref<1x64x128xf32, #tpu.memory_space<vmem>> -> memref<64x128xf32, #tpu.memory_space<vmem>>
    tpu.enqueue_dma source(%dma_start3A_418 : memref<64x128xf32, #tpu.memory_space<vmem>>) target(%dma_start3A_414 : memref<64x128xf32, #tpu.memory_space<hbm>>) target_semaphore(%dma_start3A_412 : memref<!tpu.dma_semaphore, #tpu.memory_space<semaphore_mem>>)
    %dma_wait3A_419 = arith.constant 98 : i32
    %dma_wait3A_420 = arith.constant 8 : i32
    %dma_wait3A_421 = arith.constant 8 : i32
    %dma_wait3A_422 = arith.constant 0 : i32
    %dma_wait3A_423 = arith.constant 0 : i32
    %dma_wait3A_424 = tpu.memref_slice %arg6[%dma_wait3A_420, %dma_wait3A_422, %dma_wait3A_423] : memref<10x64x128xf32, #tpu.memory_space<vmem>> -> memref<1x64x128xf32, #tpu.memory_space<vmem>>
    %dma_wait3A_425 = tpu.memref_squeeze %dma_wait3A_424 : memref<1x64x128xf32, #tpu.memory_space<vmem>> -> memref<64x128xf32, #tpu.memory_space<vmem>>
    %dma_wait3A_426 = arith.constant 0 : i32
    %dma_wait3A_427 = tpu.memref_slice %arg5[%dma_wait3A_419, %dma_wait3A_426] : memref<100x64xi32, #tpu.memory_space<vmem>> -> memref<1x64xi32, #tpu.memory_space<vmem>>
    %dma_wait3A_428 = tpu.memref_squeeze %dma_wait3A_427 : memref<1x64xi32, #tpu.memory_space<vmem>> -> memref<64xi32, #tpu.memory_space<vmem>>
    %dma_wait3A_429 = arith.constant 0 : i32
    %dma_wait3A_430 = arith.constant 0 : i32
    %dma_wait3A_431 = tpu.memref_slice %arg3[%dma_wait3A_429, %dma_wait3A_430] : memref<1000000x128xf32, #tpu.memory_space<hbm>> -> memref<1000000x128xf32, #tpu.memory_space<hbm>>
    %dma_wait3A_432 = tpu.memref_slice %arg7[%dma_wait3A_421] : memref<10x!tpu.dma_semaphore, #tpu.memory_space<semaphore_mem>> -> memref<1x!tpu.dma_semaphore, #tpu.memory_space<semaphore_mem>>
    %dma_wait3A_433 = tpu.memref_squeeze %dma_wait3A_432 : memref<1x!tpu.dma_semaphore, #tpu.memory_space<semaphore_mem>> -> memref<!tpu.dma_semaphore, #tpu.memory_space<semaphore_mem>>
    tpu.wait_indirect_dma semaphore(%dma_wait3A_433 : memref<!tpu.dma_semaphore, #tpu.memory_space<semaphore_mem>>) src(%dma_wait3A_431 : memref<1000000x128xf32, #tpu.memory_space<hbm>>) dst(%dma_wait3A_425 : memref<64x128xf32, #tpu.memory_space<vmem>>)
    %add3A_434 = arith.constant 6272 : i32
    %add3A_435 = arith.addi %mul3A_2, %add3A_434 : i32
    %dma_start3A_436 = arith.constant 8 : i32
    %dma_start3A_437 = arith.constant 8 : i32
    %dma_start3A_438 = arith.constant 0 : i32
    %dma_start3A_439 = arith.constant 0 : i32
    %dma_start3A_440 = tpu.memref_slice %arg6[%dma_start3A_436, %dma_start3A_438, %dma_start3A_439] : memref<10x64x128xf32, #tpu.memory_space<vmem>> -> memref<1x64x128xf32, #tpu.memory_space<vmem>>
    %dma_start3A_441 = tpu.memref_squeeze %dma_start3A_440 : memref<1x64x128xf32, #tpu.memory_space<vmem>> -> memref<64x128xf32, #tpu.memory_space<vmem>>
    %dma_start3A_442 = arith.constant 0 : i32
    %dma_start3A_443 = tpu.memref_slice %arg4[%add3A_435, %dma_start3A_442] : memref<204800x128xf32, #tpu.memory_space<hbm>> -> memref<64x128xf32, #tpu.memory_space<hbm>>
    %dma_start3A_444 = tpu.memref_slice %arg8[%dma_start3A_437] : memref<10x!tpu.dma_semaphore, #tpu.memory_space<semaphore_mem>> -> memref<1x!tpu.dma_semaphore, #tpu.memory_space<semaphore_mem>>
    %dma_start3A_445 = tpu.memref_squeeze %dma_start3A_444 : memref<1x!tpu.dma_semaphore, #tpu.memory_space<semaphore_mem>> -> memref<!tpu.dma_semaphore, #tpu.memory_space<semaphore_mem>>
    %dma_start3A_446 = arith.constant 0 : i32
    %dma_start3A_447 = tpu.memref_slice %arg4[%add3A_435, %dma_start3A_446] : memref<204800x128xf32, #tpu.memory_space<hbm>> -> memref<64x128xf32, #tpu.memory_space<hbm>>
    %dma_start3A_448 = arith.constant 0 : i32
    %dma_start3A_449 = arith.constant 0 : i32
    %dma_start3A_450 = tpu.memref_slice %arg6[%dma_start3A_436, %dma_start3A_448, %dma_start3A_449] : memref<10x64x128xf32, #tpu.memory_space<vmem>> -> memref<1x64x128xf32, #tpu.memory_space<vmem>>
    %dma_start3A_451 = tpu.memref_squeeze %dma_start3A_450 : memref<1x64x128xf32, #tpu.memory_space<vmem>> -> memref<64x128xf32, #tpu.memory_space<vmem>>
    tpu.enqueue_dma source(%dma_start3A_451 : memref<64x128xf32, #tpu.memory_space<vmem>>) target(%dma_start3A_447 : memref<64x128xf32, #tpu.memory_space<hbm>>) target_semaphore(%dma_start3A_445 : memref<!tpu.dma_semaphore, #tpu.memory_space<semaphore_mem>>)
    %dma_wait3A_452 = arith.constant 99 : i32
    %dma_wait3A_453 = arith.constant 9 : i32
    %dma_wait3A_454 = arith.constant 9 : i32
    %dma_wait3A_455 = arith.constant 0 : i32
    %dma_wait3A_456 = arith.constant 0 : i32
    %dma_wait3A_457 = tpu.memref_slice %arg6[%dma_wait3A_453, %dma_wait3A_455, %dma_wait3A_456] : memref<10x64x128xf32, #tpu.memory_space<vmem>> -> memref<1x64x128xf32, #tpu.memory_space<vmem>>
    %dma_wait3A_458 = tpu.memref_squeeze %dma_wait3A_457 : memref<1x64x128xf32, #tpu.memory_space<vmem>> -> memref<64x128xf32, #tpu.memory_space<vmem>>
    %dma_wait3A_459 = arith.constant 0 : i32
    %dma_wait3A_460 = tpu.memref_slice %arg5[%dma_wait3A_452, %dma_wait3A_459] : memref<100x64xi32, #tpu.memory_space<vmem>> -> memref<1x64xi32, #tpu.memory_space<vmem>>
    %dma_wait3A_461 = tpu.memref_squeeze %dma_wait3A_460 : memref<1x64xi32, #tpu.memory_space<vmem>> -> memref<64xi32, #tpu.memory_space<vmem>>
    %dma_wait3A_462 = arith.constant 0 : i32
    %dma_wait3A_463 = arith.constant 0 : i32
    %dma_wait3A_464 = tpu.memref_slice %arg3[%dma_wait3A_462, %dma_wait3A_463] : memref<1000000x128xf32, #tpu.memory_space<hbm>> -> memref<1000000x128xf32, #tpu.memory_space<hbm>>
    %dma_wait3A_465 = tpu.memref_slice %arg7[%dma_wait3A_454] : memref<10x!tpu.dma_semaphore, #tpu.memory_space<semaphore_mem>> -> memref<1x!tpu.dma_semaphore, #tpu.memory_space<semaphore_mem>>
    %dma_wait3A_466 = tpu.memref_squeeze %dma_wait3A_465 : memref<1x!tpu.dma_semaphore, #tpu.memory_space<semaphore_mem>> -> memref<!tpu.dma_semaphore, #tpu.memory_space<semaphore_mem>>
    tpu.wait_indirect_dma semaphore(%dma_wait3A_466 : memref<!tpu.dma_semaphore, #tpu.memory_space<semaphore_mem>>) src(%dma_wait3A_464 : memref<1000000x128xf32, #tpu.memory_space<hbm>>) dst(%dma_wait3A_458 : memref<64x128xf32, #tpu.memory_space<vmem>>)
    %add3A_467 = arith.constant 6336 : i32
    %add3A_468 = arith.addi %mul3A_2, %add3A_467 : i32
    %dma_start3A_469 = arith.constant 9 : i32
    %dma_start3A_470 = arith.constant 9 : i32
    %dma_start3A_471 = arith.constant 0 : i32
    %dma_start3A_472 = arith.constant 0 : i32
    %dma_start3A_473 = tpu.memref_slice %arg6[%dma_start3A_469, %dma_start3A_471, %dma_start3A_472] : memref<10x64x128xf32, #tpu.memory_space<vmem>> -> memref<1x64x128xf32, #tpu.memory_space<vmem>>
    %dma_start3A_474 = tpu.memref_squeeze %dma_start3A_473 : memref<1x64x128xf32, #tpu.memory_space<vmem>> -> memref<64x128xf32, #tpu.memory_space<vmem>>
    %dma_start3A_475 = arith.constant 0 : i32
    %dma_start3A_476 = tpu.memref_slice %arg4[%add3A_468, %dma_start3A_475] : memref<204800x128xf32, #tpu.memory_space<hbm>> -> memref<64x128xf32, #tpu.memory_space<hbm>>
    %dma_start3A_477 = tpu.memref_slice %arg8[%dma_start3A_470] : memref<10x!tpu.dma_semaphore, #tpu.memory_space<semaphore_mem>> -> memref<1x!tpu.dma_semaphore, #tpu.memory_space<semaphore_mem>>
    %dma_start3A_478 = tpu.memref_squeeze %dma_start3A_477 : memref<1x!tpu.dma_semaphore, #tpu.memory_space<semaphore_mem>> -> memref<!tpu.dma_semaphore, #tpu.memory_space<semaphore_mem>>
    %dma_start3A_479 = arith.constant 0 : i32
    %dma_start3A_480 = tpu.memref_slice %arg4[%add3A_468, %dma_start3A_479] : memref<204800x128xf32, #tpu.memory_space<hbm>> -> memref<64x128xf32, #tpu.memory_space<hbm>>
    %dma_start3A_481 = arith.constant 0 : i32
    %dma_start3A_482 = arith.constant 0 : i32
    %dma_start3A_483 = tpu.memref_slice %arg6[%dma_start3A_469, %dma_start3A_481, %dma_start3A_482] : memref<10x64x128xf32, #tpu.memory_space<vmem>> -> memref<1x64x128xf32, #tpu.memory_space<vmem>>
    %dma_start3A_484 = tpu.memref_squeeze %dma_start3A_483 : memref<1x64x128xf32, #tpu.memory_space<vmem>> -> memref<64x128xf32, #tpu.memory_space<vmem>>
    tpu.enqueue_dma source(%dma_start3A_484 : memref<64x128xf32, #tpu.memory_space<vmem>>) target(%dma_start3A_480 : memref<64x128xf32, #tpu.memory_space<hbm>>) target_semaphore(%dma_start3A_478 : memref<!tpu.dma_semaphore, #tpu.memory_space<semaphore_mem>>)
    %add3A_485 = arith.constant 5760 : i32
    %add3A_486 = arith.addi %mul3A_2, %add3A_485 : i32
    %dma_wait3A_487 = arith.constant 0 : i32
    %dma_wait3A_488 = arith.constant 0 : i32
    %dma_wait3A_489 = arith.constant 0 : i32
    %dma_wait3A_490 = arith.constant 0 : i32
    %dma_wait3A_491 = tpu.memref_slice %arg6[%dma_wait3A_487, %dma_wait3A_489, %dma_wait3A_490] : memref<10x64x128xf32, #tpu.memory_space<vmem>> -> memref<1x64x128xf32, #tpu.memory_space<vmem>>
    %dma_wait3A_492 = tpu.memref_squeeze %dma_wait3A_491 : memref<1x64x128xf32, #tpu.memory_space<vmem>> -> memref<64x128xf32, #tpu.memory_space<vmem>>
    %dma_wait3A_493 = arith.constant 0 : i32
    %dma_wait3A_494 = tpu.memref_slice %arg4[%add3A_486, %dma_wait3A_493] : memref<204800x128xf32, #tpu.memory_space<hbm>> -> memref<64x128xf32, #tpu.memory_space<hbm>>
    %dma_wait3A_495 = tpu.memref_slice %arg8[%dma_wait3A_488] : memref<10x!tpu.dma_semaphore, #tpu.memory_space<semaphore_mem>> -> memref<1x!tpu.dma_semaphore, #tpu.memory_space<semaphore_mem>>
    %dma_wait3A_496 = tpu.memref_squeeze %dma_wait3A_495 : memref<1x!tpu.dma_semaphore, #tpu.memory_space<semaphore_mem>> -> memref<!tpu.dma_semaphore, #tpu.memory_space<semaphore_mem>>
    %dma_wait3A_497 = arith.constant 0 : i32
    %dma_wait3A_498 = tpu.memref_slice %arg4[%add3A_486, %dma_wait3A_497] : memref<204800x128xf32, #tpu.memory_space<hbm>> -> memref<64x128xf32, #tpu.memory_space<hbm>>
    %dma_wait3A_499 = arith.constant 0 : i32
    %dma_wait3A_500 = arith.constant 0 : i32
    %dma_wait3A_501 = tpu.memref_slice %arg6[%dma_wait3A_487, %dma_wait3A_499, %dma_wait3A_500] : memref<10x64x128xf32, #tpu.memory_space<vmem>> -> memref<1x64x128xf32, #tpu.memory_space<vmem>>
    %dma_wait3A_502 = tpu.memref_squeeze %dma_wait3A_501 : memref<1x64x128xf32, #tpu.memory_space<vmem>> -> memref<64x128xf32, #tpu.memory_space<vmem>>
    tpu.wait_dma2 semaphore(%dma_wait3A_496 : memref<!tpu.dma_semaphore, #tpu.memory_space<semaphore_mem>>) src(%dma_wait3A_502 : memref<64x128xf32, #tpu.memory_space<vmem>>) dst(%dma_wait3A_498 : memref<64x128xf32, #tpu.memory_space<hbm>>)
    %add3A_503 = arith.constant 5824 : i32
    %add3A_504 = arith.addi %mul3A_2, %add3A_503 : i32
    %dma_wait3A_505 = arith.constant 1 : i32
    %dma_wait3A_506 = arith.constant 1 : i32
    %dma_wait3A_507 = arith.constant 0 : i32
    %dma_wait3A_508 = arith.constant 0 : i32
    %dma_wait3A_509 = tpu.memref_slice %arg6[%dma_wait3A_505, %dma_wait3A_507, %dma_wait3A_508] : memref<10x64x128xf32, #tpu.memory_space<vmem>> -> memref<1x64x128xf32, #tpu.memory_space<vmem>>
    %dma_wait3A_510 = tpu.memref_squeeze %dma_wait3A_509 : memref<1x64x128xf32, #tpu.memory_space<vmem>> -> memref<64x128xf32, #tpu.memory_space<vmem>>
    %dma_wait3A_511 = arith.constant 0 : i32
    %dma_wait3A_512 = tpu.memref_slice %arg4[%add3A_504, %dma_wait3A_511] : memref<204800x128xf32, #tpu.memory_space<hbm>> -> memref<64x128xf32, #tpu.memory_space<hbm>>
    %dma_wait3A_513 = tpu.memref_slice %arg8[%dma_wait3A_506] : memref<10x!tpu.dma_semaphore, #tpu.memory_space<semaphore_mem>> -> memref<1x!tpu.dma_semaphore, #tpu.memory_space<semaphore_mem>>
    %dma_wait3A_514 = tpu.memref_squeeze %dma_wait3A_513 : memref<1x!tpu.dma_semaphore, #tpu.memory_space<semaphore_mem>> -> memref<!tpu.dma_semaphore, #tpu.memory_space<semaphore_mem>>
    %dma_wait3A_515 = arith.constant 0 : i32
    %dma_wait3A_516 = tpu.memref_slice %arg4[%add3A_504, %dma_wait3A_515] : memref<204800x128xf32, #tpu.memory_space<hbm>> -> memref<64x128xf32, #tpu.memory_space<hbm>>
    %dma_wait3A_517 = arith.constant 0 : i32
    %dma_wait3A_518 = arith.constant 0 : i32
    %dma_wait3A_519 = tpu.memref_slice %arg6[%dma_wait3A_505, %dma_wait3A_517, %dma_wait3A_518] : memref<10x64x128xf32, #tpu.memory_space<vmem>> -> memref<1x64x128xf32, #tpu.memory_space<vmem>>
    %dma_wait3A_520 = tpu.memref_squeeze %dma_wait3A_519 : memref<1x64x128xf32, #tpu.memory_space<vmem>> -> memref<64x128xf32, #tpu.memory_space<vmem>>
    tpu.wait_dma2 semaphore(%dma_wait3A_514 : memref<!tpu.dma_semaphore, #tpu.memory_space<semaphore_mem>>) src(%dma_wait3A_520 : memref<64x128xf32, #tpu.memory_space<vmem>>) dst(%dma_wait3A_516 : memref<64x128xf32, #tpu.memory_space<hbm>>)
    %add3A_521 = arith.constant 5888 : i32
    %add3A_522 = arith.addi %mul3A_2, %add3A_521 : i32
    %dma_wait3A_523 = arith.constant 2 : i32
    %dma_wait3A_524 = arith.constant 2 : i32
    %dma_wait3A_525 = arith.constant 0 : i32
    %dma_wait3A_526 = arith.constant 0 : i32
    %dma_wait3A_527 = tpu.memref_slice %arg6[%dma_wait3A_523, %dma_wait3A_525, %dma_wait3A_526] : memref<10x64x128xf32, #tpu.memory_space<vmem>> -> memref<1x64x128xf32, #tpu.memory_space<vmem>>
    %dma_wait3A_528 = tpu.memref_squeeze %dma_wait3A_527 : memref<1x64x128xf32, #tpu.memory_space<vmem>> -> memref<64x128xf32, #tpu.memory_space<vmem>>
    %dma_wait3A_529 = arith.constant 0 : i32
    %dma_wait3A_530 = tpu.memref_slice %arg4[%add3A_522, %dma_wait3A_529] : memref<204800x128xf32, #tpu.memory_space<hbm>> -> memref<64x128xf32, #tpu.memory_space<hbm>>
    %dma_wait3A_531 = tpu.memref_slice %arg8[%dma_wait3A_524] : memref<10x!tpu.dma_semaphore, #tpu.memory_space<semaphore_mem>> -> memref<1x!tpu.dma_semaphore, #tpu.memory_space<semaphore_mem>>
    %dma_wait3A_532 = tpu.memref_squeeze %dma_wait3A_531 : memref<1x!tpu.dma_semaphore, #tpu.memory_space<semaphore_mem>> -> memref<!tpu.dma_semaphore, #tpu.memory_space<semaphore_mem>>
    %dma_wait3A_533 = arith.constant 0 : i32
    %dma_wait3A_534 = tpu.memref_slice %arg4[%add3A_522, %dma_wait3A_533] : memref<204800x128xf32, #tpu.memory_space<hbm>> -> memref<64x128xf32, #tpu.memory_space<hbm>>
    %dma_wait3A_535 = arith.constant 0 : i32
    %dma_wait3A_536 = arith.constant 0 : i32
    %dma_wait3A_537 = tpu.memref_slice %arg6[%dma_wait3A_523, %dma_wait3A_535, %dma_wait3A_536] : memref<10x64x128xf32, #tpu.memory_space<vmem>> -> memref<1x64x128xf32, #tpu.memory_space<vmem>>
    %dma_wait3A_538 = tpu.memref_squeeze %dma_wait3A_537 : memref<1x64x128xf32, #tpu.memory_space<vmem>> -> memref<64x128xf32, #tpu.memory_space<vmem>>
    tpu.wait_dma2 semaphore(%dma_wait3A_532 : memref<!tpu.dma_semaphore, #tpu.memory_space<semaphore_mem>>) src(%dma_wait3A_538 : memref<64x128xf32, #tpu.memory_space<vmem>>) dst(%dma_wait3A_534 : memref<64x128xf32, #tpu.memory_space<hbm>>)
    %add3A_539 = arith.constant 5952 : i32
    %add3A_540 = arith.addi %mul3A_2, %add3A_539 : i32
    %dma_wait3A_541 = arith.constant 3 : i32
    %dma_wait3A_542 = arith.constant 3 : i32
    %dma_wait3A_543 = arith.constant 0 : i32
    %dma_wait3A_544 = arith.constant 0 : i32
    %dma_wait3A_545 = tpu.memref_slice %arg6[%dma_wait3A_541, %dma_wait3A_543, %dma_wait3A_544] : memref<10x64x128xf32, #tpu.memory_space<vmem>> -> memref<1x64x128xf32, #tpu.memory_space<vmem>>
    %dma_wait3A_546 = tpu.memref_squeeze %dma_wait3A_545 : memref<1x64x128xf32, #tpu.memory_space<vmem>> -> memref<64x128xf32, #tpu.memory_space<vmem>>
    %dma_wait3A_547 = arith.constant 0 : i32
    %dma_wait3A_548 = tpu.memref_slice %arg4[%add3A_540, %dma_wait3A_547] : memref<204800x128xf32, #tpu.memory_space<hbm>> -> memref<64x128xf32, #tpu.memory_space<hbm>>
    %dma_wait3A_549 = tpu.memref_slice %arg8[%dma_wait3A_542] : memref<10x!tpu.dma_semaphore, #tpu.memory_space<semaphore_mem>> -> memref<1x!tpu.dma_semaphore, #tpu.memory_space<semaphore_mem>>
    %dma_wait3A_550 = tpu.memref_squeeze %dma_wait3A_549 : memref<1x!tpu.dma_semaphore, #tpu.memory_space<semaphore_mem>> -> memref<!tpu.dma_semaphore, #tpu.memory_space<semaphore_mem>>
    %dma_wait3A_551 = arith.constant 0 : i32
    %dma_wait3A_552 = tpu.memref_slice %arg4[%add3A_540, %dma_wait3A_551] : memref<204800x128xf32, #tpu.memory_space<hbm>> -> memref<64x128xf32, #tpu.memory_space<hbm>>
    %dma_wait3A_553 = arith.constant 0 : i32
    %dma_wait3A_554 = arith.constant 0 : i32
    %dma_wait3A_555 = tpu.memref_slice %arg6[%dma_wait3A_541, %dma_wait3A_553, %dma_wait3A_554] : memref<10x64x128xf32, #tpu.memory_space<vmem>> -> memref<1x64x128xf32, #tpu.memory_space<vmem>>
    %dma_wait3A_556 = tpu.memref_squeeze %dma_wait3A_555 : memref<1x64x128xf32, #tpu.memory_space<vmem>> -> memref<64x128xf32, #tpu.memory_space<vmem>>
    tpu.wait_dma2 semaphore(%dma_wait3A_550 : memref<!tpu.dma_semaphore, #tpu.memory_space<semaphore_mem>>) src(%dma_wait3A_556 : memref<64x128xf32, #tpu.memory_space<vmem>>) dst(%dma_wait3A_552 : memref<64x128xf32, #tpu.memory_space<hbm>>)
    %add3A_557 = arith.constant 6016 : i32
    %add3A_558 = arith.addi %mul3A_2, %add3A_557 : i32
    %dma_wait3A_559 = arith.constant 4 : i32
    %dma_wait3A_560 = arith.constant 4 : i32
    %dma_wait3A_561 = arith.constant 0 : i32
    %dma_wait3A_562 = arith.constant 0 : i32
    %dma_wait3A_563 = tpu.memref_slice %arg6[%dma_wait3A_559, %dma_wait3A_561, %dma_wait3A_562] : memref<10x64x128xf32, #tpu.memory_space<vmem>> -> memref<1x64x128xf32, #tpu.memory_space<vmem>>
    %dma_wait3A_564 = tpu.memref_squeeze %dma_wait3A_563 : memref<1x64x128xf32, #tpu.memory_space<vmem>> -> memref<64x128xf32, #tpu.memory_space<vmem>>
    %dma_wait3A_565 = arith.constant 0 : i32
    %dma_wait3A_566 = tpu.memref_slice %arg4[%add3A_558, %dma_wait3A_565] : memref<204800x128xf32, #tpu.memory_space<hbm>> -> memref<64x128xf32, #tpu.memory_space<hbm>>
    %dma_wait3A_567 = tpu.memref_slice %arg8[%dma_wait3A_560] : memref<10x!tpu.dma_semaphore, #tpu.memory_space<semaphore_mem>> -> memref<1x!tpu.dma_semaphore, #tpu.memory_space<semaphore_mem>>
    %dma_wait3A_568 = tpu.memref_squeeze %dma_wait3A_567 : memref<1x!tpu.dma_semaphore, #tpu.memory_space<semaphore_mem>> -> memref<!tpu.dma_semaphore, #tpu.memory_space<semaphore_mem>>
    %dma_wait3A_569 = arith.constant 0 : i32
    %dma_wait3A_570 = tpu.memref_slice %arg4[%add3A_558, %dma_wait3A_569] : memref<204800x128xf32, #tpu.memory_space<hbm>> -> memref<64x128xf32, #tpu.memory_space<hbm>>
    %dma_wait3A_571 = arith.constant 0 : i32
    %dma_wait3A_572 = arith.constant 0 : i32
    %dma_wait3A_573 = tpu.memref_slice %arg6[%dma_wait3A_559, %dma_wait3A_571, %dma_wait3A_572] : memref<10x64x128xf32, #tpu.memory_space<vmem>> -> memref<1x64x128xf32, #tpu.memory_space<vmem>>
    %dma_wait3A_574 = tpu.memref_squeeze %dma_wait3A_573 : memref<1x64x128xf32, #tpu.memory_space<vmem>> -> memref<64x128xf32, #tpu.memory_space<vmem>>
    tpu.wait_dma2 semaphore(%dma_wait3A_568 : memref<!tpu.dma_semaphore, #tpu.memory_space<semaphore_mem>>) src(%dma_wait3A_574 : memref<64x128xf32, #tpu.memory_space<vmem>>) dst(%dma_wait3A_570 : memref<64x128xf32, #tpu.memory_space<hbm>>)
    %add3A_575 = arith.constant 6080 : i32
    %add3A_576 = arith.addi %mul3A_2, %add3A_575 : i32
    %dma_wait3A_577 = arith.constant 5 : i32
    %dma_wait3A_578 = arith.constant 5 : i32
    %dma_wait3A_579 = arith.constant 0 : i32
    %dma_wait3A_580 = arith.constant 0 : i32
    %dma_wait3A_581 = tpu.memref_slice %arg6[%dma_wait3A_577, %dma_wait3A_579, %dma_wait3A_580] : memref<10x64x128xf32, #tpu.memory_space<vmem>> -> memref<1x64x128xf32, #tpu.memory_space<vmem>>
    %dma_wait3A_582 = tpu.memref_squeeze %dma_wait3A_581 : memref<1x64x128xf32, #tpu.memory_space<vmem>> -> memref<64x128xf32, #tpu.memory_space<vmem>>
    %dma_wait3A_583 = arith.constant 0 : i32
    %dma_wait3A_584 = tpu.memref_slice %arg4[%add3A_576, %dma_wait3A_583] : memref<204800x128xf32, #tpu.memory_space<hbm>> -> memref<64x128xf32, #tpu.memory_space<hbm>>
    %dma_wait3A_585 = tpu.memref_slice %arg8[%dma_wait3A_578] : memref<10x!tpu.dma_semaphore, #tpu.memory_space<semaphore_mem>> -> memref<1x!tpu.dma_semaphore, #tpu.memory_space<semaphore_mem>>
    %dma_wait3A_586 = tpu.memref_squeeze %dma_wait3A_585 : memref<1x!tpu.dma_semaphore, #tpu.memory_space<semaphore_mem>> -> memref<!tpu.dma_semaphore, #tpu.memory_space<semaphore_mem>>
    %dma_wait3A_587 = arith.constant 0 : i32
    %dma_wait3A_588 = tpu.memref_slice %arg4[%add3A_576, %dma_wait3A_587] : memref<204800x128xf32, #tpu.memory_space<hbm>> -> memref<64x128xf32, #tpu.memory_space<hbm>>
    %dma_wait3A_589 = arith.constant 0 : i32
    %dma_wait3A_590 = arith.constant 0 : i32
    %dma_wait3A_591 = tpu.memref_slice %arg6[%dma_wait3A_577, %dma_wait3A_589, %dma_wait3A_590] : memref<10x64x128xf32, #tpu.memory_space<vmem>> -> memref<1x64x128xf32, #tpu.memory_space<vmem>>
    %dma_wait3A_592 = tpu.memref_squeeze %dma_wait3A_591 : memref<1x64x128xf32, #tpu.memory_space<vmem>> -> memref<64x128xf32, #tpu.memory_space<vmem>>
    tpu.wait_dma2 semaphore(%dma_wait3A_586 : memref<!tpu.dma_semaphore, #tpu.memory_space<semaphore_mem>>) src(%dma_wait3A_592 : memref<64x128xf32, #tpu.memory_space<vmem>>) dst(%dma_wait3A_588 : memref<64x128xf32, #tpu.memory_space<hbm>>)
    %add3A_593 = arith.constant 6144 : i32
    %add3A_594 = arith.addi %mul3A_2, %add3A_593 : i32
    %dma_wait3A_595 = arith.constant 6 : i32
    %dma_wait3A_596 = arith.constant 6 : i32
    %dma_wait3A_597 = arith.constant 0 : i32
    %dma_wait3A_598 = arith.constant 0 : i32
    %dma_wait3A_599 = tpu.memref_slice %arg6[%dma_wait3A_595, %dma_wait3A_597, %dma_wait3A_598] : memref<10x64x128xf32, #tpu.memory_space<vmem>> -> memref<1x64x128xf32, #tpu.memory_space<vmem>>
    %dma_wait3A_600 = tpu.memref_squeeze %dma_wait3A_599 : memref<1x64x128xf32, #tpu.memory_space<vmem>> -> memref<64x128xf32, #tpu.memory_space<vmem>>
    %dma_wait3A_601 = arith.constant 0 : i32
    %dma_wait3A_602 = tpu.memref_slice %arg4[%add3A_594, %dma_wait3A_601] : memref<204800x128xf32, #tpu.memory_space<hbm>> -> memref<64x128xf32, #tpu.memory_space<hbm>>
    %dma_wait3A_603 = tpu.memref_slice %arg8[%dma_wait3A_596] : memref<10x!tpu.dma_semaphore, #tpu.memory_space<semaphore_mem>> -> memref<1x!tpu.dma_semaphore, #tpu.memory_space<semaphore_mem>>
    %dma_wait3A_604 = tpu.memref_squeeze %dma_wait3A_603 : memref<1x!tpu.dma_semaphore, #tpu.memory_space<semaphore_mem>> -> memref<!tpu.dma_semaphore, #tpu.memory_space<semaphore_mem>>
    %dma_wait3A_605 = arith.constant 0 : i32
    %dma_wait3A_606 = tpu.memref_slice %arg4[%add3A_594, %dma_wait3A_605] : memref<204800x128xf32, #tpu.memory_space<hbm>> -> memref<64x128xf32, #tpu.memory_space<hbm>>
    %dma_wait3A_607 = arith.constant 0 : i32
    %dma_wait3A_608 = arith.constant 0 : i32
    %dma_wait3A_609 = tpu.memref_slice %arg6[%dma_wait3A_595, %dma_wait3A_607, %dma_wait3A_608] : memref<10x64x128xf32, #tpu.memory_space<vmem>> -> memref<1x64x128xf32, #tpu.memory_space<vmem>>
    %dma_wait3A_610 = tpu.memref_squeeze %dma_wait3A_609 : memref<1x64x128xf32, #tpu.memory_space<vmem>> -> memref<64x128xf32, #tpu.memory_space<vmem>>
    tpu.wait_dma2 semaphore(%dma_wait3A_604 : memref<!tpu.dma_semaphore, #tpu.memory_space<semaphore_mem>>) src(%dma_wait3A_610 : memref<64x128xf32, #tpu.memory_space<vmem>>) dst(%dma_wait3A_606 : memref<64x128xf32, #tpu.memory_space<hbm>>)
    %add3A_611 = arith.constant 6208 : i32
    %add3A_612 = arith.addi %mul3A_2, %add3A_611 : i32
    %dma_wait3A_613 = arith.constant 7 : i32
    %dma_wait3A_614 = arith.constant 7 : i32
    %dma_wait3A_615 = arith.constant 0 : i32
    %dma_wait3A_616 = arith.constant 0 : i32
    %dma_wait3A_617 = tpu.memref_slice %arg6[%dma_wait3A_613, %dma_wait3A_615, %dma_wait3A_616] : memref<10x64x128xf32, #tpu.memory_space<vmem>> -> memref<1x64x128xf32, #tpu.memory_space<vmem>>
    %dma_wait3A_618 = tpu.memref_squeeze %dma_wait3A_617 : memref<1x64x128xf32, #tpu.memory_space<vmem>> -> memref<64x128xf32, #tpu.memory_space<vmem>>
    %dma_wait3A_619 = arith.constant 0 : i32
    %dma_wait3A_620 = tpu.memref_slice %arg4[%add3A_612, %dma_wait3A_619] : memref<204800x128xf32, #tpu.memory_space<hbm>> -> memref<64x128xf32, #tpu.memory_space<hbm>>
    %dma_wait3A_621 = tpu.memref_slice %arg8[%dma_wait3A_614] : memref<10x!tpu.dma_semaphore, #tpu.memory_space<semaphore_mem>> -> memref<1x!tpu.dma_semaphore, #tpu.memory_space<semaphore_mem>>
    %dma_wait3A_622 = tpu.memref_squeeze %dma_wait3A_621 : memref<1x!tpu.dma_semaphore, #tpu.memory_space<semaphore_mem>> -> memref<!tpu.dma_semaphore, #tpu.memory_space<semaphore_mem>>
    %dma_wait3A_623 = arith.constant 0 : i32
    %dma_wait3A_624 = tpu.memref_slice %arg4[%add3A_612, %dma_wait3A_623] : memref<204800x128xf32, #tpu.memory_space<hbm>> -> memref<64x128xf32, #tpu.memory_space<hbm>>
    %dma_wait3A_625 = arith.constant 0 : i32
    %dma_wait3A_626 = arith.constant 0 : i32
    %dma_wait3A_627 = tpu.memref_slice %arg6[%dma_wait3A_613, %dma_wait3A_625, %dma_wait3A_626] : memref<10x64x128xf32, #tpu.memory_space<vmem>> -> memref<1x64x128xf32, #tpu.memory_space<vmem>>
    %dma_wait3A_628 = tpu.memref_squeeze %dma_wait3A_627 : memref<1x64x128xf32, #tpu.memory_space<vmem>> -> memref<64x128xf32, #tpu.memory_space<vmem>>
    tpu.wait_dma2 semaphore(%dma_wait3A_622 : memref<!tpu.dma_semaphore, #tpu.memory_space<semaphore_mem>>) src(%dma_wait3A_628 : memref<64x128xf32, #tpu.memory_space<vmem>>) dst(%dma_wait3A_624 : memref<64x128xf32, #tpu.memory_space<hbm>>)
    %add3A_629 = arith.constant 6272 : i32
    %add3A_630 = arith.addi %mul3A_2, %add3A_629 : i32
    %dma_wait3A_631 = arith.constant 8 : i32
    %dma_wait3A_632 = arith.constant 8 : i32
    %dma_wait3A_633 = arith.constant 0 : i32
    %dma_wait3A_634 = arith.constant 0 : i32
    %dma_wait3A_635 = tpu.memref_slice %arg6[%dma_wait3A_631, %dma_wait3A_633, %dma_wait3A_634] : memref<10x64x128xf32, #tpu.memory_space<vmem>> -> memref<1x64x128xf32, #tpu.memory_space<vmem>>
    %dma_wait3A_636 = tpu.memref_squeeze %dma_wait3A_635 : memref<1x64x128xf32, #tpu.memory_space<vmem>> -> memref<64x128xf32, #tpu.memory_space<vmem>>
    %dma_wait3A_637 = arith.constant 0 : i32
    %dma_wait3A_638 = tpu.memref_slice %arg4[%add3A_630, %dma_wait3A_637] : memref<204800x128xf32, #tpu.memory_space<hbm>> -> memref<64x128xf32, #tpu.memory_space<hbm>>
    %dma_wait3A_639 = tpu.memref_slice %arg8[%dma_wait3A_632] : memref<10x!tpu.dma_semaphore, #tpu.memory_space<semaphore_mem>> -> memref<1x!tpu.dma_semaphore, #tpu.memory_space<semaphore_mem>>
    %dma_wait3A_640 = tpu.memref_squeeze %dma_wait3A_639 : memref<1x!tpu.dma_semaphore, #tpu.memory_space<semaphore_mem>> -> memref<!tpu.dma_semaphore, #tpu.memory_space<semaphore_mem>>
    %dma_wait3A_641 = arith.constant 0 : i32
    %dma_wait3A_642 = tpu.memref_slice %arg4[%add3A_630, %dma_wait3A_641] : memref<204800x128xf32, #tpu.memory_space<hbm>> -> memref<64x128xf32, #tpu.memory_space<hbm>>
    %dma_wait3A_643 = arith.constant 0 : i32
    %dma_wait3A_644 = arith.constant 0 : i32
    %dma_wait3A_645 = tpu.memref_slice %arg6[%dma_wait3A_631, %dma_wait3A_643, %dma_wait3A_644] : memref<10x64x128xf32, #tpu.memory_space<vmem>> -> memref<1x64x128xf32, #tpu.memory_space<vmem>>
    %dma_wait3A_646 = tpu.memref_squeeze %dma_wait3A_645 : memref<1x64x128xf32, #tpu.memory_space<vmem>> -> memref<64x128xf32, #tpu.memory_space<vmem>>
    tpu.wait_dma2 semaphore(%dma_wait3A_640 : memref<!tpu.dma_semaphore, #tpu.memory_space<semaphore_mem>>) src(%dma_wait3A_646 : memref<64x128xf32, #tpu.memory_space<vmem>>) dst(%dma_wait3A_642 : memref<64x128xf32, #tpu.memory_space<hbm>>)
    %add3A_647 = arith.constant 6336 : i32
    %add3A_648 = arith.addi %mul3A_2, %add3A_647 : i32
    %dma_wait3A_649 = arith.constant 9 : i32
    %dma_wait3A_650 = arith.constant 9 : i32
    %dma_wait3A_651 = arith.constant 0 : i32
    %dma_wait3A_652 = arith.constant 0 : i32
    %dma_wait3A_653 = tpu.memref_slice %arg6[%dma_wait3A_649, %dma_wait3A_651, %dma_wait3A_652] : memref<10x64x128xf32, #tpu.memory_space<vmem>> -> memref<1x64x128xf32, #tpu.memory_space<vmem>>
    %dma_wait3A_654 = tpu.memref_squeeze %dma_wait3A_653 : memref<1x64x128xf32, #tpu.memory_space<vmem>> -> memref<64x128xf32, #tpu.memory_space<vmem>>
    %dma_wait3A_655 = arith.constant 0 : i32
    %dma_wait3A_656 = tpu.memref_slice %arg4[%add3A_648, %dma_wait3A_655] : memref<204800x128xf32, #tpu.memory_space<hbm>> -> memref<64x128xf32, #tpu.memory_space<hbm>>
    %dma_wait3A_657 = tpu.memref_slice %arg8[%dma_wait3A_650] : memref<10x!tpu.dma_semaphore, #tpu.memory_space<semaphore_mem>> -> memref<1x!tpu.dma_semaphore, #tpu.memory_space<semaphore_mem>>
    %dma_wait3A_658 = tpu.memref_squeeze %dma_wait3A_657 : memref<1x!tpu.dma_semaphore, #tpu.memory_space<semaphore_mem>> -> memref<!tpu.dma_semaphore, #tpu.memory_space<semaphore_mem>>
    %dma_wait3A_659 = arith.constant 0 : i32
    %dma_wait3A_660 = tpu.memref_slice %arg4[%add3A_648, %dma_wait3A_659] : memref<204800x128xf32, #tpu.memory_space<hbm>> -> memref<64x128xf32, #tpu.memory_space<hbm>>
    %dma_wait3A_661 = arith.constant 0 : i32
    %dma_wait3A_662 = arith.constant 0 : i32
    %dma_wait3A_663 = tpu.memref_slice %arg6[%dma_wait3A_649, %dma_wait3A_661, %dma_wait3A_662] : memref<10x64x128xf32, #tpu.memory_space<vmem>> -> memref<1x64x128xf32, #tpu.memory_space<vmem>>
    %dma_wait3A_664 = tpu.memref_squeeze %dma_wait3A_663 : memref<1x64x128xf32, #tpu.memory_space<vmem>> -> memref<64x128xf32, #tpu.memory_space<vmem>>
    tpu.wait_dma2 semaphore(%dma_wait3A_658 : memref<!tpu.dma_semaphore, #tpu.memory_space<semaphore_mem>>) src(%dma_wait3A_664 : memref<64x128xf32, #tpu.memory_space<vmem>>) dst(%dma_wait3A_660 : memref<64x128xf32, #tpu.memory_space<hbm>>)
    return
  }
}

</mosaic_0001>

<sc_bundles>
// kernel: _gather.3.cloned.1.call-start
scs
__scs_entry_jumppad:
0x0: {  	(pc) =	sbr.rel $0x88, $3  }
0x1: {  	(tag) =	ssettag $0x0;
	lr =	simm.s32 $0x1  }
0x2: {  	[smem:$0x3F9F] =	sst lr;
	_ =	strace $0xD0000000  }
0x3: {  	_ = 	snop  }
0x4: {  	_ = 	snop  }
0x5: {  	_ = 	snop  }
0x6: {  	_ = 	snop  }
0x7: {  	_ = 	snop  }
__scs_overlays_trampoline_lowered:
0x8: {  	[smem:$0x3FAE] =	sst s0  }
0x9: {  	[smem:$0x3FAF] =	sst s1  }
0xa: {  	[smem:$0x3FB0] =	sst s2  }
0xb: {  	[smem:$0x3FB1] =	sst s3  }
0xc: {  	[smem:$0x3FB2] =	sst s4  }
0xd: {  	[smem:$0x3FB3] =	sst s5  }
0xe: {  	[smem:$0x3FB4] =	sst s6  }
0xf: {  	[smem:$0x3FB5] =	sst s7  }
0x10: {  	[smem:$0x3FB6] =	sst s8  }
0x11: {  	[smem:$0x3FB7] =	sst s9;
	s0 =	simm.s32 @!p0 $0x0  }
0x12: {  	s1 =	sld [smem:$0x3F9D];
	s0 =	simm.s32 @p0 $0x1  }
0x13: {  	[smem:$0x3FB8] =	sst s0;
	s0 =	simm.s32 @!p1 $0x0  }
0x14: {  	s2 =	sld [smem:$0x3F9C];
	s0 =	simm.s32 @p1 $0x1  }
0x15: {  	[smem:$0x3FB9] =	sst s0;
	s0 =	simm.s32 @!p2 $0x0  }
0x16: {  	s3 =	sld [smem:$0x3FDB];
	s0 =	simm.s32 @p2 $0x1  }
0x17: {  	s4 =	simm.s32 $0x1BF5;
	[smem:$0x3FBB] =	sst s0  }
0x18: {  	s0 =	sld [smem:$0x3F9E];
	_ =	swait.ge [sflag:s4], $0x0  }
0x19: {  	s7 =	sld [smem:$0x3F9F]  }
0x1a: {  	s8 =	sadd.s32 $0xFFFFE003, lr  }
0x1b: {  	s9 =	sadd.s32 $0xFFFFFEF7, lr;
	s5 =	simm.s32 $0xFFFFFFFF;
	p2 =	slt.u32 s8, $0xFFFFF086  }
0x1c: {  	p1 =	slt.u32 s9, $0xF7A;
	s5 =	simm.s32 @!p2 $0x0  }
0x1d: {  	s5 =	simm.s32 @p1 $0x1;
	p0 =	seq.s32 s7, s2  }
0x1e: {  	s7 =	smul.u32 @!p0 $0xF7A, s2;
	p2 =	seq.s32 @!p0 s5, $0x0  }
0x1f: {  	s9 =	smul.u32 $0xF7A, s1;
	s8 =	simm.s32 @!p0 $0x1BF5;
	p2 =	por !p2, p0  }
0x20: {  	[sflag:s8] =	ssyncset.s32 @!p0 $0xFFFFF086;
	s6 =	sadd.s32 @!p0 s3, s7;
	s7 =	simm.s32 @!p0 $0x108  }
0x21: {  	s3 =	sadd.s32 s3, s9;
	s6 =	sadd.s32 @!p0 $0x88, s6;
	s7 =	simm.s32 @p2 $0x1082  }
0x22: {  	[simem:s7], [sflag:s8] =	dma.local @!p0 [hbm:s6], $0xF7A  }
0x23: {  	s9 =	sor.u32 $0xD0000000, s2;
	s6 =	simm.s32 $0x108;
	_ =	swait.ge @!p0 [sflag:s8], $0x0  }
0x24: {  	s3 =	sadd.s32 $0x88, s3;
	s6 =	simm.s32 @!p1 $0x1082;
	[sflag:s4] =	ssyncset.s32 $0xFFFFF086  }
0x25: {  	[simem:s6], [sflag:s4] =	dma.local [hbm:s3], $0xF7A  }
0x26: {  	[smem:$0x3F9F] =	sst s1;
	(tag) =	ssettag s2;
	_ =	strace s9  }
0x27: {  	s1 =	sld [smem:$0x3FAF]  }
0x28: {  	s2 =	sld [smem:$0x3FB0]  }
0x29: {  	s4 =	sld [smem:$0x3FB2]  }
0x2a: {  	p0 =	seq.s32 s5, $0x0;
	s5 =	sld [smem:$0x3FB3]  }
0x2b: {  	s6 =	sld [smem:$0x3FB4]  }
0x2c: {  	s7 =	sld [smem:$0x3FB5]  }
0x2d: {  	s3 =	simm.s32 $0x108;
	s8 =	sld [smem:$0x3FB6]  }
0x2e: {  	s3 =	simm.s32 @!p0 $0x1082;
	s9 =	sld [smem:$0x3FB7]  }
0x2f: {  	lr =	sadd.s32 s0, s3;
	s0 =	sld [smem:$0x3FAE]  }
0x30: {  	s3 =	sld [smem:$0x3FB1]  }
0x31: {  	[smem:$0x3FBA] =	sst s10  }
0x32: {  	s10 =	sld [smem:$0x3FB8];
	_ =	sdelay $0x3  }
0x33: {  	p0 =	seq.s32 s10, $0x1;
	s10 =	sld [smem:$0x3FBA];
	_ =	sdelay $0x3  }
0x34: {  	[smem:$0x3FBA] =	sst s10  }
0x35: {  	s10 =	sld [smem:$0x3FB9];
	_ =	sdelay $0x3  }
0x36: {  	p1 =	seq.s32 s10, $0x1;
	s10 =	sld [smem:$0x3FBA];
	_ =	sdelay $0x3  }
0x37: {  	[smem:$0x3FBA] =	sst s10  }
0x38: {  	s10 =	sld [smem:$0x3FBB]  }
0x39: {  	_ = 	snop;
	(pc) =	sbr.ind lr, $3  }
0x3a: {  	_ = 	snop  }
0x3b: {  	_ = 	snop  }
0x3c: {  	p2 =	seq.s32 s10, $0x1;
	s10 =	sld [smem:$0x3FBA]  }
0x3d: {  	_ =	shalt  }
0x3e: {  	_ =	shalt  }
0x3f: {  	_ =	shalt  }
0x40: {  	_ =	shalt  }
0x41: {  	_ =	shalt  }
0x42: {  	_ =	shalt  }
0x43: {  	_ =	shalt  }
0x44: {  	_ =	shalt  }
0x45: {  	_ =	shalt  }
0x46: {  	_ =	shalt  }
0x47: {  	_ =	shalt  }
0x48: {  	_ =	shalt  }
0x49: {  	_ =	shalt  }
0x4a: {  	_ =	shalt  }
0x4b: {  	_ =	shalt  }
0x4c: {  	_ =	shalt  }
0x4d: {  	_ =	shalt  }
0x4e: {  	_ =	shalt  }
0x4f: {  	_ =	shalt  }
0x50: {  	_ =	shalt  }
0x51: {  	_ =	shalt  }
0x52: {  	_ =	shalt  }
0x53: {  	_ =	shalt  }
0x54: {  	_ =	shalt  }
0x55: {  	_ =	shalt  }
0x56: {  	_ =	shalt  }
0x57: {  	_ =	shalt  }
0x58: {  	_ =	shalt  }
0x59: {  	_ =	shalt  }
0x5a: {  	_ =	shalt  }
0x5b: {  	_ =	shalt  }
0x5c: {  	_ =	shalt  }
0x5d: {  	_ =	shalt  }
0x5e: {  	_ =	shalt  }
0x5f: {  	_ =	shalt  }
0x60: {  	_ =	shalt  }
0x61: {  	_ =	shalt  }
0x62: {  	_ =	shalt  }
0x63: {  	_ =	shalt  }
0x64: {  	_ =	shalt  }
0x65: {  	_ =	shalt  }
0x66: {  	_ =	shalt  }
0x67: {  	_ =	shalt  }
0x68: {  	_ =	shalt  }
0x69: {  	_ =	shalt  }
0x6a: {  	_ =	shalt  }
0x6b: {  	_ =	shalt  }
0x6c: {  	_ =	shalt  }
0x6d: {  	_ =	shalt  }
0x6e: {  	_ =	shalt  }
0x6f: {  	_ =	shalt  }
0x70: {  	_ =	shalt  }
0x71: {  	_ =	shalt  }
0x72: {  	_ =	shalt  }
0x73: {  	_ =	shalt  }
0x74: {  	_ =	shalt  }
0x75: {  	_ =	shalt  }
0x76: {  	_ =	shalt  }
0x77: {  	_ =	shalt  }
0x78: {  	_ =	shalt  }
0x79: {  	_ =	shalt  }
0x7a: {  	_ =	shalt  }
0x7b: {  	_ =	shalt  }
0x7c: {  	_ =	shalt  }
0x7d: {  	_ =	shalt  }
0x7e: {  	_ =	shalt  }
0x7f: {  	_ =	shalt  }
0x80: {  	_ =	shalt  }
0x81: {  	_ =	shalt  }
0x82: {  	_ =	shalt  }
0x83: {  	_ =	shalt  }
0x84: {  	_ =	shalt  }
0x85: {  	_ =	shalt  }
0x86: {  	_ =	shalt  }
0x87: {  	_ =	shalt  }
.Lfunc_end0:
.L_simem_size_0:
called_computation_lowered:
.L_overlay_start_0:
0x88: {  	s2 =	sld [smem:$0x3FD9]  }
0x89: {  	s3 =	sld [smem:$0x3FFE];
	_ =	sdelay $0x1  }
0x8a: {  	s1 =	srdreg.scid  }
0x8b: {  	s0 =	sand.u32 $0x1, s1  }
0x8c: {  	s17 =	sshll.u32 s0, $0xA;
	s2 =	sadd.s32 s3, s2  }
0x8d: {  	s2 =	sadd.s32 s2, s17  }
0x8e: {  	[smem:$0x3FC6] =	sst s2  }
0x8f: {  	_ = 	snop  }
0x90: {  	s2 =	sld [smem:$0x3FC8]  }
0x91: {  	s18 =	sld [smem:$0x3FD0];
	(tm) =	ssettm $0x1  }
0x92: {  	s4 =	sld [smem:$0x3FFB];
	_ =	sdelay $0x3  }
0x93: {  	_ =	strace s4  }
0x94: {  	s4 =	sld [smem:$0x3FFC];
	_ =	sdelay $0x3  }
0x95: {  	_ =	strace s4  }
0x96: {  	s4 =	sld [smem:$0x3FFD];
	_ =	sdelay $0x3  }
0x97: {  	_ =	strace s4  }
0x98: {  	_ =	strace $0x8FFFFFFF  }
0x99: {  	s19 =	sld [smem:$0x3FDB];
	_ =	sdelay $0x1  }
0x9a: {  	s5 =	simm.s32 $_scs_section_size  }
0x9b: {  	s6 =	simm.s32 $_size__tile_overlayer_lowered;
	s7 =	simm.s32 $_tile_overlayer_lowered  }
0x9c: {  	s22 =	simm.s32 $0x1BFF;
	s21 =	sshll.u32 s7, $0x1;
	s4 =	sadd.s32 s5, s19  }
0x9d: {  	s8 =	simm.s32 $0x0;
	s20 =	sshll.u32 s6, $0x1;
	s6 =	sadd.s32 s21, s4  }
0x9e: {  	[timem:s8], [sflag:s22] =	dma.local [hbm:s6], s20  }
0x9f: {  	_ =	swait.ge [sflag:s22], s20  }
0xa0: {  	s5 =	ssub.s32 $0x0, s20;
	[sflag:s22] =	ssyncset.done $0x0  }
0xa1: {  	[sflag:s22] =	ssyncadd.s32 s5;
	_ =	sdelay $0x1  }
0xa2: {  	s23 =	simm.s32 $0x1B8B  }
0xa3: {  	_ =	swait.ge [sflag:s23], $0x1  }
0xa4: {  	[sflag:s23] =	ssyncset.done $0x0  }
0xa5: {  	s25 =	simm.s32 $0x1B8E;
	s24 =	sld [smem:$0x3FFE];
	[sflag:s23] =	ssyncadd.s32 $0xFFFFFFFF  }
0xa6: {  	s26 =	simm.s32 $execute0_lowered;
	[smem:$0x3FD2] =	sst s25  }
0xa7: {  	s6 =	sshll.u32 s26, $0x1;
	_ =	strace $0x80000046;
	[dreg:$0x1] =	wrdreg $0xFFFFFFFF  }
0xa8: {  	s28 =	simm.s32 $_size_execute0_lowered;
	s4 =	sadd.s32 s4, s6;
	[dreg:$0x0] =	wrdreg $0x0  }
0xa9: {  	s6 =	sshll.u32 s28, $0x1;
	[dreg:$0x2] =	wrdreg s4  }
0xaa: {  	[dreg:$0x3] =	wrdreg s6  }
0xab: {  	[dreg:$0x4] =	wrdreg $0xC0  }
0xac: {  	_ =	task [dreg:s8], $0x5FFFF  }
0xad: {  	[dreg:$0x1] =	wrdreg $0xFFFFFFFF  }
0xae: {  	[dreg:$0x0] =	wrdreg $0x60  }
0xaf: {  	[dreg:$0x2] =	wrdreg s24  }
0xb0: {  	[dreg:$0x3] =	wrdreg s2  }
0xb1: {  	[dreg:$0x4] =	wrdreg s18  }
0xb2: {  	[dreg:$0x5] =	wrdreg $0x9  }
0xb3: {  	_ =	task.clear_ibuf [dreg:s8], $0x6FFFF;
	_ =	strace $0x90000046  }
0xb4: {  	s29 =	simm.s32 $0x9;
	_ =	strace $0x80000048  }
0xb5: {  	_ =	swait.ge [sflag:s29], $0x1  }
0xb6: {  	[sflag:s29] =	ssyncadd.s32 $0xFFFFFFFF  }
0xb7: {  	_ =	strace $0x90000048  }
0xb8: {  	_ =	sfence  }
0xb9: {  	s30 =	sld [smem:$0x0];
	_ =	sdelay $0x2  }
0xba: {  	s31 =	sshll.u32 s1, $0xD;
	s1 =	sshrl.u32 s1, $0x2  }
0xbb: {  	s3 =	sand.u32 $0x4000, s31;
	s1 =	sadd.s32 s1, s30  }
0xbc: {  	s0 =	sor.u32 s3, s0;
	s1 =	sshll.u32 s1, $0x11  }
0xbd: {  	s0 =	sor.u32 s1, s0  }
0xbe: {  	s0 =	sadd.s32 $0x8F2B, s0  }
0xbf: {  	[sflag:s0] =	ssyncadd.remote.s32 $0x1  }
0xc0: {  	_ =	sfence.sel $0xFFFF  }
0xc1: {  	[dreg:$0x0] =	wrdreg $0xFFFFFFFF;
	(pc) =	sbr.abs _section_cstart, $3  }
0xc2: {  	[dreg:$0x1] =	wrdreg $0xFFFFFFFF  }
0xc3: {  	_ =	task.clear_ibuf [dreg:s8], $0x2FFFF;
	_ =	strace $0x9FFFFFFF  }
0xc4: {  	(tm) =	ssettm $0x7FFFFFFF  }
0xc5: {  	_ =	shalt  }
tec
execute0_lowered:
.L_overlay_start_1:
0x0: {  	(tag) =	ssettag $0x1  }
0x1: {  	s0 =	rddreg [dreg:$0x0]  }
0x2: {  	s2 =	rddreg [dreg:$0x1];
	s1 =	srdreg.scid  }
0x3: {  	s9 =	stileid.u32;
	s4 =	rddreg [dreg:$0x2]  }
0x4: {  	s3 =	simm.s32 $0x0;
	s28 =	simm.s32 $0x9400;
	s10 =	smul.u32 $0x190000, s9  }
0x5: {  	s31 =	simm.s32 $0x1;
	s1 =	sand.u32 $0x1, s1;
	s14 =	smul.u32 $0x32000, s9  }
0x6: {  	s5 =	sshll.u32 s9, $0x1;
	[smem:$0x7FF] =	sst s3;
	s12 =	smul.u32 $0xC8000, s1  }
0x7: {  	s5 =	sor.u32 s1, s5;
	s7 =	ssub.s32 $0x2, s1;
	s1 =	smul.u32 $0x19000, s1  }
0x8: {  	s9 =	simm.s32 $0x5;
	_ =	strace $0x80000047;
	s6 =	smul.u32 $0x680, s5  }
0x9: {  	s8 =	smul.u32 $0x19000, s5;
	s29 =	sshrl.u32 s7, $0x1;
	s17 =	sadd.s32 s14, s4  }
0xa: {  	s5 =	smul.u32 $0xC8000, s5;
	s14 =	simm.s32 $0xA;
	s1 =	sadd.s32 s1, s17  }
0xb: {  	s0 =	sadd.s32 s6, s0;
	s8 =	sadd.s32 s4, s8;
	[dreg:$0x4] =	wrdreg s1  }
0xc: {  	s17 =	simm.s32 $0x40;
	s0 =	sadd.s32 $0x400, s0;
	[dreg:$0xa] =	wrdreg s8  }
0xd: {  	s6 =	ssub.s32 s7, s29;
	s30 =	sadd.s32 $0x400, s8;
	[dreg:$0x9] =	wrdreg s0  }
0xe: {  	s5 =	sshrl.u32 s5, $0x3;
	s11 =	sadd.s32 $0x800, s8;
	[dreg:$0xb] =	wrdreg s30  }
0xf: {  	s8 =	sadd.s32 $0xC00, s8;
	[dreg:$0xc] =	wrdreg s11;
	s0 =	sadd.s32 s4, s5  }
0x10: {  	[dreg:$0xd] =	wrdreg s8;
	s5 =	sadd.s32 s12, s10;
	s30 =	smax.u32 s6, $0x1  }
0x11: {  	s11 =	simm.s32 $0xE;
	s12 =	simm.s32 $0x9;
	s10 =	simm.s32 $0x15400  }
0x12: {  	s13 =	sadd.s32 $0x1000, s0;
	s15 =	sadd.s32 $0x17C00, s0;
	[dreg:$0x14] =	wrdreg s30  }
0x13: {  	s16 =	sadd.s32 $0x18000, s0;
	s18 =	sadd.s32 $0x16000, s5;
	[dreg:$0xe] =	wrdreg s13  }
0x14: {  	s19 =	sadd.s32 $0x18400, s0;
	s22 =	sadd.s32 $0x1C000, s5;
	[dreg:$0xf] =	wrdreg s15  }
0x15: {  	s24 =	sadd.s32 $0x1A000, s5;
	s5 =	sadd.s32 $0x18000, s5;
	[dreg:$0x10] =	wrdreg s16  }
0x16: {  	s26 =	sadd.s32 $0x18800, s0;
	s0 =	sadd.s32 $0x18C00, s0;
	[dreg:$0x11] =	wrdreg s19  }
0x17: {  	s20 =	sshrl.u32 s18, $0x3;
	s23 =	sshrl.u32 s22, $0x3;
	[dreg:$0x12] =	wrdreg s26  }
0x18: {  	s7 =	sshrl.u32 s24, $0x3;
	s5 =	sshrl.u32 s5, $0x3;
	[dreg:$0x13] =	wrdreg s0  }
0x19: {  	s26 =	simm.s32 $0x5400;
	s19 =	simm.s32 $0x2;
	s13 =	simm.s32 $0xF  }
0x1a: {  	s15 =	simm.s32 $0x10;
	s16 =	simm.s32 $0x12;
	s18 =	simm.s32 $0x13  }
0x1b: {  	s0 =	simm.s32 $0x0;
	s21 =	sadd.s32 s20, s4;
	s1 =	sadd.s32 s23, s4  }
0x1c: {  	s25 =	sadd.s32 s7, s4;
	s29 =	sadd.s32 s5, s4;
	[dreg:$0x5] =	wrdreg s21  }
0x1d: {  	s4 =	simm.s32 $0x3;
	s7 =	simm.s32 $0x4;
	[dreg:$0x6] =	wrdreg s1  }
0x1e: {  	s5 =	simm.s32 $0x11;
	s20 =	simm.s32 $0x14;
	[dreg:$0x7] =	wrdreg s25  }
0x1f: {  	[dreg:$0x8] =	wrdreg s29;
	s21 =	simm.s32 $0x3400;
	s25 =	simm.s32 $0x7400  }
.LBB2_1:
0x20: {  	[dreg:$0x15] =	wrdreg s0  }
0x21: {  	s1 =	rddreg [dreg:$0x9];
	s23 =	simm.s32 $0x15  }
0x22: {  	[tilespmem:s3], [sflag:$0x15] =	stream.linear.gather [hbm4b:s1+s3], $0x3200, $0x38;
	[tilespmem:$0x17400] =	vst v63  }
0x23: {  	_ =	swait.ge [sflag:s23], $0x3200  }
0x24: {  	[sflag:s23] =	ssyncset.done $0x0  }
0x25: {  	[sflag:s23] =	ssyncadd.s32 $0xFFFFCE00  }
0x26: {  	[tilespmem:s21], [sflag:$0x1] =	stream.indirect.gather [hbm4b:s2+s17], $0x80, s3, s17, $0xb8;
	[tilespmem:$0x17400] =	vst v63  }
0x27: {  	s24 =	simm.s32 $0x80  }
0x28: {  	[tilespmem:s26], [sflag:$0x2] =	stream.indirect.gather [hbm4b:s2+s17], $0x80, s24, s17, $0xb8;
	[tilespmem:$0x17400] =	vst v63  }
0x29: {  	s29 =	simm.s32 $0x100  }
0x2a: {  	[tilespmem:s25], [sflag:$0x3] =	stream.indirect.gather [hbm4b:s2+s17], $0x80, s29, s17, $0xb8;
	[tilespmem:$0x17400] =	vst v63  }
0x2b: {  	s0 =	simm.s32 $0x180  }
0x2c: {  	[tilespmem:s28], [sflag:$0x4] =	stream.indirect.gather [hbm4b:s2+s17], $0x80, s0, s17, $0xb8;
	[tilespmem:$0x17400] =	vst v63  }
0x2d: {  	s6 =	simm.s32 $0x200;
	s0 =	simm.s32 $0xB400  }
0x2e: {  	[tilespmem:s0], [sflag:$0x5] =	stream.indirect.gather [hbm4b:s2+s17], $0x80, s6, s17, $0xb8;
	[tilespmem:$0x17400] =	vst v63  }
0x2f: {  	s8 =	simm.s32 $0x280;
	s23 =	simm.s32 $0xD400  }
0x30: {  	[tilespmem:s23], [sflag:$0x6] =	stream.indirect.gather [hbm4b:s2+s17], $0x80, s8, s17, $0xb8;
	[tilespmem:$0x17400] =	vst v63  }
0x31: {  	_ =	swait.ge [sflag:s31], $0x2000  }
0x32: {  	[sflag:s31] =	ssyncset.done $0x0  }
0x33: {  	s22 =	rddreg [dreg:$0xa];
	[sflag:s31] =	ssyncadd.s32 $0xFFFFE000  }
0x34: {  	[hbm4b:s22+s3] =	stream.linear.scatter [tilespmem:s21], [sflag:$0xB], $0x2000, $0x38;
	[tilespmem:$0x17400] =	vst v63  }
0x35: {  	s24 =	simm.s32 $0x300;
	s29 =	simm.s32 $0xF400  }
0x36: {  	[tilespmem:s29], [sflag:$0x7] =	stream.indirect.gather [hbm4b:s2+s17], $0x80, s24, s17, $0xb8;
	[tilespmem:$0x17400] =	vst v63  }
0x37: {  	_ =	swait.ge [sflag:s19], $0x2000  }
0x38: {  	[sflag:s19] =	ssyncset.done $0x0  }
0x39: {  	s6 =	rddreg [dreg:$0xb];
	[sflag:s19] =	ssyncadd.s32 $0xFFFFE000  }
0x3a: {  	[hbm4b:s6+s3] =	stream.linear.scatter [tilespmem:s26], [sflag:$0xC], $0x2000, $0x38;
	[tilespmem:$0x17400] =	vst v63  }
0x3b: {  	s30 =	simm.s32 $0x11400;
	s8 =	simm.s32 $0x380  }
0x3c: {  	[tilespmem:s30], [sflag:$0x8] =	stream.indirect.gather [hbm4b:s2+s17], $0x80, s8, s17, $0xb8;
	[tilespmem:$0x17400] =	vst v63  }
0x3d: {  	_ =	swait.ge [sflag:s4], $0x2000  }
0x3e: {  	[sflag:s4] =	ssyncset.done $0x0  }
0x3f: {  	s22 =	rddreg [dreg:$0xc];
	[sflag:s4] =	ssyncadd.s32 $0xFFFFE000  }
0x40: {  	[hbm4b:s22+s3] =	stream.linear.scatter [tilespmem:s25], [sflag:$0xD], $0x2000, $0x38;
	[tilespmem:$0x17400] =	vst v63  }
0x41: {  	s24 =	simm.s32 $0x400;
	s6 =	simm.s32 $0x13400  }
0x42: {  	[tilespmem:s6], [sflag:$0x9] =	stream.indirect.gather [hbm4b:s2+s17], $0x80, s24, s17, $0xb8;
	[tilespmem:$0x17400] =	vst v63  }
0x43: {  	_ =	swait.ge [sflag:s7], $0x2000  }
0x44: {  	[sflag:s7] =	ssyncset.done $0x0  }
0x45: {  	s8 =	rddreg [dreg:$0xd];
	[sflag:s7] =	ssyncadd.s32 $0xFFFFE000  }
0x46: {  	[hbm4b:s8+s3] =	stream.linear.scatter [tilespmem:s28], [sflag:$0xE], $0x2000, $0x38;
	[tilespmem:$0x17400] =	vst v63  }
0x47: {  	s22 =	simm.s32 $0x480;
	s8 =	simm.s32 $0x15400  }
0x48: {  	[tilespmem:s8], [sflag:$0xA] =	stream.indirect.gather [hbm4b:s2+s17], $0x80, s22, s17, $0xb8;
	[tilespmem:$0x17400] =	vst v63  }
0x49: {  	_ =	swait.ge [sflag:s9], $0x2000  }
0x4a: {  	[sflag:s9] =	ssyncset.done $0x0  }
0x4b: {  	s22 =	simm.s32 $0xB;
	s24 =	rddreg [dreg:$0xe];
	[sflag:s9] =	ssyncadd.s32 $0xFFFFE000  }
0x4c: {  	[hbm4b:s24+s3] =	stream.linear.scatter [tilespmem:s0], [sflag:$0xF], $0x2000, $0x38;
	[tilespmem:$0x17400] =	vst v63  }
0x4d: {  	_ =	swait.ge [sflag:s22], $0x2000  }
0x4e: {  	[sflag:s22] =	ssyncset.done $0x0  }
0x4f: {  	s1 =	simm.s32 $0x6;
	[sflag:s22] =	ssyncadd.s32 $0xFFFFE000;
	s22 =	simm.s32 $0x500  }
0x50: {  	[tilespmem:s21], [sflag:$0x1] =	stream.indirect.gather [hbm4b:s2+s17], $0x80, s22, s17, $0xb8;
	[tilespmem:$0x17400] =	vst v63  }
0x51: {  	_ =	swait.ge [sflag:s1], $0x2000  }
0x52: {  	s24 =	rddreg [dreg:$0x4]  }
0x53: {  	[sflag:s1] =	ssyncset.done $0x0;
	s22 =	sadd.s32 $0x0, s24  }
0x54: {  	[sflag:s1] =	ssyncadd.s32 $0xFFFFE000;
	s24 =	sadd.s32 $0x1400, s22  }
0x55: {  	[hbm4b:s24+s3] =	stream.linear.scatter [tilespmem:s23], [sflag:$0x10], $0x2000, $0x38;
	[tilespmem:$0x17400] =	vst v63  }
0x56: {  	s24 =	simm.s32 $0xC  }
0x57: {  	_ =	swait.ge [sflag:s24], $0x2000  }
0x58: {  	[sflag:s24] =	ssyncset.done $0x0  }
0x59: {  	s1 =	simm.s32 $0x580;
	[sflag:s24] =	ssyncadd.s32 $0xFFFFE000;
	s24 =	simm.s32 $0x7  }
0x5a: {  	[tilespmem:s26], [sflag:$0x2] =	stream.indirect.gather [hbm4b:s2+s17], $0x80, s1, s17, $0xb8;
	[tilespmem:$0x17400] =	vst v63  }
0x5b: {  	_ =	swait.ge [sflag:s24], $0x2000  }
0x5c: {  	[sflag:s24] =	ssyncset.done $0x0  }
0x5d: {  	s1 =	sadd.s32 $0x1800, s22;
	[sflag:s24] =	ssyncadd.s32 $0xFFFFE000;
	s24 =	simm.s32 $0xD  }
0x5e: {  	[hbm4b:s1+s3] =	stream.linear.scatter [tilespmem:s29], [sflag:$0x11], $0x2000, $0x38;
	[tilespmem:$0x17400] =	vst v63  }
0x5f: {  	_ =	swait.ge [sflag:s24], $0x2000  }
0x60: {  	[sflag:s24] =	ssyncset.done $0x0  }
0x61: {  	s1 =	simm.s32 $0x600;
	[sflag:s24] =	ssyncadd.s32 $0xFFFFE000;
	s24 =	simm.s32 $0x8  }
0x62: {  	[tilespmem:s25], [sflag:$0x3] =	stream.indirect.gather [hbm4b:s2+s17], $0x80, s1, s17, $0xb8;
	[tilespmem:$0x17400] =	vst v63  }
0x63: {  	_ =	swait.ge [sflag:s24], $0x2000  }
0x64: {  	[sflag:s24] =	ssyncset.done $0x0  }
0x65: {  	s1 =	sadd.s32 $0x1C00, s22;
	[sflag:s24] =	ssyncadd.s32 $0xFFFFE000  }
0x66: {  	[hbm4b:s1+s3] =	stream.linear.scatter [tilespmem:s30], [sflag:$0x12], $0x2000, $0x38;
	[tilespmem:$0x17400] =	vst v63  }
0x67: {  	_ =	swait.ge [sflag:s11], $0x2000  }
0x68: {  	[sflag:s11] =	ssyncset.done $0x0  }
0x69: {  	s1 =	simm.s32 $0x680;
	[sflag:s11] =	ssyncadd.s32 $0xFFFFE000  }
0x6a: {  	[tilespmem:s28], [sflag:$0x4] =	stream.indirect.gather [hbm4b:s2+s17], $0x80, s1, s17, $0xb8;
	[tilespmem:$0x17400] =	vst v63  }
0x6b: {  	_ =	swait.ge [sflag:s12], $0x2000  }
0x6c: {  	[sflag:s12] =	ssyncset.done $0x0  }
0x6d: {  	s1 =	sadd.s32 $0x2000, s22;
	[sflag:s12] =	ssyncadd.s32 $0xFFFFE000  }
0x6e: {  	[hbm4b:s1+s3] =	stream.linear.scatter [tilespmem:s6], [sflag:$0x13], $0x2000, $0x38;
	[tilespmem:$0x17400] =	vst v63  }
0x6f: {  	_ =	swait.ge [sflag:s13], $0x2000  }
0x70: {  	[sflag:s13] =	ssyncset.done $0x0  }
0x71: {  	s1 =	simm.s32 $0x700;
	[sflag:s13] =	ssyncadd.s32 $0xFFFFE000  }
0x72: {  	[tilespmem:s0], [sflag:$0x5] =	stream.indirect.gather [hbm4b:s2+s17], $0x80, s1, s17, $0xb8;
	[tilespmem:$0x17400] =	vst v63  }
0x73: {  	_ =	swait.ge [sflag:s14], $0x2000  }
0x74: {  	[sflag:s14] =	ssyncset.done $0x0  }
0x75: {  	s1 =	sadd.s32 $0x2400, s22;
	[sflag:s14] =	ssyncadd.s32 $0xFFFFE000  }
0x76: {  	[hbm4b:s1+s3] =	stream.linear.scatter [tilespmem:s8], [sflag:$0x14], $0x2000, $0x38;
	[tilespmem:$0x17400] =	vst v63  }
0x77: {  	_ =	swait.ge [sflag:s15], $0x2000  }
0x78: {  	[sflag:s15] =	ssyncset.done $0x0  }
0x79: {  	s0 =	simm.s32 $0x780;
	[sflag:s15] =	ssyncadd.s32 $0xFFFFE000  }
0x7a: {  	[tilespmem:s23], [sflag:$0x6] =	stream.indirect.gather [hbm4b:s2+s17], $0x80, s0, s17, $0xb8;
	[tilespmem:$0x17400] =	vst v63  }
0x7b: {  	_ =	swait.ge [sflag:s31], $0x2000  }
0x7c: {  	[sflag:s31] =	ssyncset.done $0x0  }
0x7d: {  	s22 =	sadd.s32 $0x2800, s22;
	[sflag:s31] =	ssyncadd.s32 $0xFFFFE000  }
0x7e: {  	[hbm4b:s22+s3] =	stream.linear.scatter [tilespmem:s21], [sflag:$0xB], $0x2000, $0x38;
	[tilespmem:$0x17400] =	vst v63  }
0x7f: {  	_ =	swait.ge [sflag:s5], $0x2000  }
0x80: {  	[sflag:s5] =	ssyncset.done $0x0  }
0x81: {  	s1 =	simm.s32 $0x800;
	[sflag:s5] =	ssyncadd.s32 $0xFFFFE000  }
0x82: {  	[tilespmem:s29], [sflag:$0x7] =	stream.indirect.gather [hbm4b:s2+s17], $0x80, s1, s17, $0xb8;
	[tilespmem:$0x17400] =	vst v63  }
0x83: {  	_ =	swait.ge [sflag:s19], $0x2000  }
0x84: {  	s21 =	rddreg [dreg:$0x5];
	[sflag:s19] =	ssyncset.done $0x0  }
0x85: {  	[sflag:s19] =	ssyncadd.s32 $0xFFFFE000;
	s22 =	sadd.s32 $0x0, s21  }
0x86: {  	[hbm4b:s22+s3] =	stream.linear.scatter [tilespmem:s26], [sflag:$0xC], $0x2000, $0x38;
	[tilespmem:$0x17400] =	vst v63  }
0x87: {  	_ =	swait.ge [sflag:s16], $0x2000  }
0x88: {  	[sflag:s16] =	ssyncset.done $0x0  }
0x89: {  	s23 =	simm.s32 $0x880;
	[sflag:s16] =	ssyncadd.s32 $0xFFFFE000  }
0x8a: {  	[tilespmem:s30], [sflag:$0x8] =	stream.indirect.gather [hbm4b:s2+s17], $0x80, s23, s17, $0xb8;
	[tilespmem:$0x17400] =	vst v63  }
0x8b: {  	_ =	swait.ge [sflag:s4], $0x2000  }
0x8c: {  	s24 =	rddreg [dreg:$0x8];
	[sflag:s4] =	ssyncset.done $0x0  }
0x8d: {  	[sflag:s4] =	ssyncadd.s32 $0xFFFFE000;
	s22 =	sadd.s32 $0x0, s24  }
0x8e: {  	[hbm4b:s22+s3] =	stream.linear.scatter [tilespmem:s25], [sflag:$0xD], $0x2000, $0x38;
	[tilespmem:$0x17400] =	vst v63  }
0x8f: {  	_ =	swait.ge [sflag:s18], $0x2000  }
0x90: {  	[sflag:s18] =	ssyncset.done $0x0  }
0x91: {  	s25 =	simm.s32 $0x900;
	[sflag:s18] =	ssyncadd.s32 $0xFFFFE000  }
0x92: {  	[tilespmem:s6], [sflag:$0x9] =	stream.indirect.gather [hbm4b:s2+s17], $0x80, s25, s17, $0xb8;
	[tilespmem:$0x17400] =	vst v63  }
0x93: {  	_ =	swait.ge [sflag:s7], $0x2000  }
0x94: {  	s26 =	rddreg [dreg:$0x7];
	[sflag:s7] =	ssyncset.done $0x0  }
0x95: {  	[sflag:s7] =	ssyncadd.s32 $0xFFFFE000;
	s22 =	sadd.s32 $0x0, s26  }
0x96: {  	[hbm4b:s22+s3] =	stream.linear.scatter [tilespmem:s28], [sflag:$0xE], $0x2000, $0x38;
	[tilespmem:$0x17400] =	vst v63  }
0x97: {  	_ =	swait.ge [sflag:s20], $0x2000  }
0x98: {  	s29 =	simm.s32 $0x980;
	[sflag:s20] =	ssyncset.done $0x0  }
0x99: {  	s21 =	simm.s32 $0x3400;
	s30 =	simm.s32 $0x9400;
	[sflag:s20] =	ssyncadd.s32 $0xFFFFE000  }
0x9a: {  	[tilespmem:s8], [sflag:$0xA] =	stream.indirect.gather [hbm4b:s2+s17], $0x80, s29, s17, $0xb8;
	[tilespmem:$0x17400] =	vst v63  }
0x9b: {  	s24 =	simm.s32 $0xE80;
	s25 =	simm.s32 $0x7400;
	_ =	swait.ge [sflag:s9], $0x2000  }
0x9c: {  	s22 =	simm.s32 $0x2800;
	s31 =	rddreg [dreg:$0x6];
	[sflag:s9] =	ssyncset.done $0x0  }
0x9d: {  	s28 =	simm.s32 $0x5400;
	[sflag:s9] =	ssyncadd.s32 $0xFFFFE000;
	s26 =	sadd.s32 $0x0, s31  }
.LBB2_2:
0x9e: {  	s23 =	simm.s32 $0xB400;
	s0 =	simm.s32 $0xB  }
0x9f: {  	[hbm4b:s26+s3] =	stream.linear.scatter [tilespmem:s23], [sflag:$0xF], $0x2000, $0x38;
	[tilespmem:$0x17400] =	vst v63  }
0xa0: {  	_ =	swait.ge [sflag:s0], $0x2000  }
0xa1: {  	[sflag:s0] =	ssyncset.done $0x0  }
0xa2: {  	s29 =	sadd.s32 $0xFFFFFB80, s24;
	s1 =	simm.s32 $0x6;
	[sflag:s0] =	ssyncadd.s32 $0xFFFFE000  }
0xa3: {  	[tilespmem:s21], [sflag:$0x1] =	stream.indirect.gather [hbm4b:s2+s17], $0x80, s29, s17, $0xb8;
	[tilespmem:$0x17400] =	vst v63  }
0xa4: {  	_ =	swait.ge [sflag:s1], $0x2000  }
0xa5: {  	s26 =	smov.u32 s22;
	s29 =	rddreg [dreg:$0x4]  }
0xa6: {  	s31 =	simm.s32 $0xD400;
	[sflag:s1] =	ssyncset.done $0x0;
	s29 =	sadd.s32 s26, s29  }
0xa7: {  	s4 =	simm.s32 $0xC;
	[sflag:s1] =	ssyncadd.s32 $0xFFFFE000;
	s1 =	sadd.s32 $0x1400, s29  }
0xa8: {  	[hbm4b:s1+s3] =	stream.linear.scatter [tilespmem:s31], [sflag:$0x10], $0x2000, $0x38;
	[tilespmem:$0x17400] =	vst v63  }
0xa9: {  	_ =	swait.ge [sflag:s4], $0x2000  }
0xaa: {  	[sflag:s4] =	ssyncset.done $0x0  }
0xab: {  	s6 =	sadd.s32 $0xFFFFFC00, s24;
	s7 =	simm.s32 $0x7;
	[sflag:s4] =	ssyncadd.s32 $0xFFFFE000  }
0xac: {  	[tilespmem:s28], [sflag:$0x2] =	stream.indirect.gather [hbm4b:s2+s17], $0x80, s6, s17, $0xb8;
	[tilespmem:$0x17400] =	vst v63  }
0xad: {  	_ =	swait.ge [sflag:s7], $0x2000  }
0xae: {  	s19 =	simm.s32 $0xF400;
	[sflag:s7] =	ssyncset.done $0x0  }
0xaf: {  	s9 =	simm.s32 $0xD;
	s8 =	sadd.s32 $0x1800, s29;
	[sflag:s7] =	ssyncadd.s32 $0xFFFFE000  }
0xb0: {  	[hbm4b:s8+s3] =	stream.linear.scatter [tilespmem:s19], [sflag:$0x11], $0x2000, $0x38;
	[tilespmem:$0x17400] =	vst v63  }
0xb1: {  	_ =	swait.ge [sflag:s9], $0x2000  }
0xb2: {  	[sflag:s9] =	ssyncset.done $0x0  }
0xb3: {  	s0 =	sadd.s32 $0xFFFFFC80, s24;
	s4 =	simm.s32 $0x8;
	[sflag:s9] =	ssyncadd.s32 $0xFFFFE000  }
0xb4: {  	[tilespmem:s25], [sflag:$0x3] =	stream.indirect.gather [hbm4b:s2+s17], $0x80, s0, s17, $0xb8;
	[tilespmem:$0x17400] =	vst v63  }
0xb5: {  	_ =	swait.ge [sflag:s4], $0x2000  }
0xb6: {  	[sflag:s4] =	ssyncset.done $0x0  }
0xb7: {  	s6 =	sadd.s32 $0x1C00, s29;
	[sflag:s4] =	ssyncadd.s32 $0xFFFFE000;
	s4 =	simm.s32 $0x11400  }
0xb8: {  	[hbm4b:s6+s3] =	stream.linear.scatter [tilespmem:s4], [sflag:$0x12], $0x2000, $0x38;
	[tilespmem:$0x17400] =	vst v63  }
0xb9: {  	_ =	swait.ge [sflag:s11], $0x2000  }
0xba: {  	[sflag:s11] =	ssyncset.done $0x0  }
0xbb: {  	s7 =	sadd.s32 $0xFFFFFD00, s24;
	[sflag:s11] =	ssyncadd.s32 $0xFFFFE000  }
0xbc: {  	[tilespmem:s30], [sflag:$0x4] =	stream.indirect.gather [hbm4b:s2+s17], $0x80, s7, s17, $0xb8;
	[tilespmem:$0x17400] =	vst v63  }
0xbd: {  	_ =	swait.ge [sflag:s12], $0x2000  }
0xbe: {  	[sflag:s12] =	ssyncset.done $0x0  }
0xbf: {  	s8 =	sadd.s32 $0x2000, s29;
	s7 =	simm.s32 $0x13400;
	[sflag:s12] =	ssyncadd.s32 $0xFFFFE000  }
0xc0: {  	[hbm4b:s8+s3] =	stream.linear.scatter [tilespmem:s7], [sflag:$0x13], $0x2000, $0x38;
	[tilespmem:$0x17400] =	vst v63  }
0xc1: {  	_ =	swait.ge [sflag:s13], $0x2000  }
0xc2: {  	[sflag:s13] =	ssyncset.done $0x0  }
0xc3: {  	s9 =	sadd.s32 $0xFFFFFD80, s24;
	[sflag:s13] =	ssyncadd.s32 $0xFFFFE000  }
0xc4: {  	[tilespmem:s23], [sflag:$0x5] =	stream.indirect.gather [hbm4b:s2+s17], $0x80, s9, s17, $0xb8;
	[tilespmem:$0x17400] =	vst v63  }
0xc5: {  	_ =	swait.ge [sflag:s14], $0x2000  }
0xc6: {  	[sflag:s14] =	ssyncset.done $0x0  }
0xc7: {  	s6 =	sadd.s32 $0x2400, s29;
	s9 =	simm.s32 $0x15400;
	[sflag:s14] =	ssyncadd.s32 $0xFFFFE000  }
0xc8: {  	[hbm4b:s6+s3] =	stream.linear.scatter [tilespmem:s9], [sflag:$0x14], $0x2000, $0x38;
	[tilespmem:$0x17400] =	vst v63  }
0xc9: {  	_ =	swait.ge [sflag:s15], $0x2000  }
0xca: {  	[sflag:s15] =	ssyncset.done $0x0  }
0xcb: {  	s8 =	sadd.s32 $0xFFFFFE00, s24;
	[sflag:s15] =	ssyncadd.s32 $0xFFFFE000  }
0xcc: {  	[tilespmem:s31], [sflag:$0x6] =	stream.indirect.gather [hbm4b:s2+s17], $0x80, s8, s17, $0xb8;
	[tilespmem:$0x17400] =	vst v63  }
0xcd: {  	s31 =	simm.s32 $0x1  }
0xce: {  	_ =	swait.ge [sflag:s31], $0x2000  }
0xcf: {  	[sflag:s31] =	ssyncset.done $0x0  }
0xd0: {  	s6 =	sadd.s32 $0x2800, s29;
	[sflag:s31] =	ssyncadd.s32 $0xFFFFE000  }
0xd1: {  	[hbm4b:s6+s3] =	stream.linear.scatter [tilespmem:s21], [sflag:$0xB], $0x2000, $0x38;
	[tilespmem:$0x17400] =	vst v63  }
0xd2: {  	_ =	swait.ge [sflag:s5], $0x2000  }
0xd3: {  	[sflag:s5] =	ssyncset.done $0x0  }
0xd4: {  	s8 =	sadd.s32 $0xFFFFFE80, s24;
	[sflag:s5] =	ssyncadd.s32 $0xFFFFE000  }
0xd5: {  	[tilespmem:s19], [sflag:$0x7] =	stream.indirect.gather [hbm4b:s2+s17], $0x80, s8, s17, $0xb8;
	[tilespmem:$0x17400] =	vst v63  }
0xd6: {  	s19 =	simm.s32 $0x2  }
0xd7: {  	_ =	swait.ge [sflag:s19], $0x2000  }
0xd8: {  	s6 =	rddreg [dreg:$0x5];
	[sflag:s19] =	ssyncset.done $0x0  }
0xd9: {  	[sflag:s19] =	ssyncadd.s32 $0xFFFFE000;
	s1 =	sadd.s32 s26, s6  }
0xda: {  	[hbm4b:s1+s3] =	stream.linear.scatter [tilespmem:s28], [sflag:$0xC], $0x2000, $0x38;
	[tilespmem:$0x17400] =	vst v63  }
0xdb: {  	_ =	swait.ge [sflag:s16], $0x2000  }
0xdc: {  	[sflag:s16] =	ssyncset.done $0x0  }
0xdd: {  	s8 =	sadd.s32 $0xFFFFFF00, s24;
	[sflag:s16] =	ssyncadd.s32 $0xFFFFE000  }
0xde: {  	[tilespmem:s4], [sflag:$0x8] =	stream.indirect.gather [hbm4b:s2+s17], $0x80, s8, s17, $0xb8;
	[tilespmem:$0x17400] =	vst v63  }
0xdf: {  	s4 =	simm.s32 $0x3  }
0xe0: {  	_ =	swait.ge [sflag:s4], $0x2000  }
0xe1: {  	s8 =	rddreg [dreg:$0x8];
	[sflag:s4] =	ssyncset.done $0x0  }
0xe2: {  	[sflag:s4] =	ssyncadd.s32 $0xFFFFE000;
	s1 =	sadd.s32 s26, s8  }
0xe3: {  	[hbm4b:s1+s3] =	stream.linear.scatter [tilespmem:s25], [sflag:$0xD], $0x2000, $0x38;
	[tilespmem:$0x17400] =	vst v63  }
0xe4: {  	_ =	swait.ge [sflag:s18], $0x2000  }
0xe5: {  	[sflag:s18] =	ssyncset.done $0x0  }
0xe6: {  	s1 =	sadd.s32 $0xFFFFFF80, s24;
	[sflag:s18] =	ssyncadd.s32 $0xFFFFE000  }
0xe7: {  	[tilespmem:s7], [sflag:$0x9] =	stream.indirect.gather [hbm4b:s2+s17], $0x80, s1, s17, $0xb8;
	[tilespmem:$0x17400] =	vst v63  }
0xe8: {  	s7 =	simm.s32 $0x4  }
0xe9: {  	_ =	swait.ge [sflag:s7], $0x2000  }
0xea: {  	s1 =	rddreg [dreg:$0x7];
	[sflag:s7] =	ssyncset.done $0x0  }
0xeb: {  	[sflag:s7] =	ssyncadd.s32 $0xFFFFE000;
	s1 =	sadd.s32 s26, s1  }
0xec: {  	[hbm4b:s1+s3] =	stream.linear.scatter [tilespmem:s30], [sflag:$0xE], $0x2000, $0x38;
	[tilespmem:$0x17400] =	vst v63  }
0xed: {  	_ =	swait.ge [sflag:s20], $0x2000  }
0xee: {  	[sflag:s20] =	ssyncset.done $0x0  }
0xef: {  	p0 =	sne.s32 s22, $0x14000;
	[sflag:s20] =	ssyncadd.s32 $0xFFFFE000  }
0xf0: {  	[tilespmem:s9], [sflag:$0xA] =	stream.indirect.gather [hbm4b:s2+s17], $0x80, s24, s17, $0xb8;
	[tilespmem:$0x17400] =	vst v63  }
.Ltmp0:
0xf1: {  	s22 =	sadd.s32 $0x2800, s22;
	(pc) =	sbr.rel @p0 .LBB2_2-.Ltmp0, $4  }
0xf2: {  	s0 =	simm.s32 $0xB400;
	s23 =	simm.s32 $0xD400;
	s9 =	simm.s32 $0x5  }
0xf3: {  	s29 =	simm.s32 $0xF400;
	s6 =	simm.s32 $0x11400;
	_ =	swait.ge [sflag:s9], $0x2000  }
0xf4: {  	s8 =	simm.s32 $0x13400;
	[sflag:s9] =	ssyncset.done $0x0;
	s1 =	rddreg [dreg:$0x6]  }
0xf5: {  	s24 =	sadd.s32 $0x500, s24;
	[sflag:s9] =	ssyncadd.s32 $0xFFFFE000;
	s26 =	sadd.s32 s26, s1  }
0xf6: {  	[hbm4b:s26+s3] =	stream.linear.scatter [tilespmem:s0], [sflag:$0xF], $0x2000, $0x38;
	[tilespmem:$0x17400] =	vst v63  }
0xf7: {  	s26 =	simm.s32 $0x6  }
0xf8: {  	_ =	swait.ge [sflag:s26], $0x2000  }
0xf9: {  	[sflag:s26] =	ssyncset.done $0x0  }
0xfa: {  	s30 =	simm.s32 $0x7;
	s1 =	rddreg [dreg:$0xf];
	[sflag:s26] =	ssyncadd.s32 $0xFFFFE000  }
0xfb: {  	[hbm4b:s1+s3] =	stream.linear.scatter [tilespmem:s23], [sflag:$0x10], $0x2000, $0x38;
	[tilespmem:$0x17400] =	vst v63  }
0xfc: {  	_ =	swait.ge [sflag:s30], $0x2000  }
0xfd: {  	[sflag:s30] =	ssyncset.done $0x0  }
0xfe: {  	s1 =	simm.s32 $0x8;
	s0 =	rddreg [dreg:$0x10];
	[sflag:s30] =	ssyncadd.s32 $0xFFFFE000  }
0xff: {  	[hbm4b:s0+s3] =	stream.linear.scatter [tilespmem:s29], [sflag:$0x11], $0x2000, $0x38;
	[tilespmem:$0x17400] =	vst v63  }
0x100: {  	_ =	swait.ge [sflag:s1], $0x2000  }
0x101: {  	[sflag:s1] =	ssyncset.done $0x0  }
0x102: {  	s21 =	rddreg [dreg:$0x11];
	[sflag:s1] =	ssyncadd.s32 $0xFFFFE000  }
0x103: {  	[hbm4b:s21+s3] =	stream.linear.scatter [tilespmem:s6], [sflag:$0x12], $0x2000, $0x38;
	[tilespmem:$0x17400] =	vst v63  }
0x104: {  	_ =	swait.ge [sflag:s12], $0x2000  }
0x105: {  	[sflag:s12] =	ssyncset.done $0x0  }
0x106: {  	s22 =	rddreg [dreg:$0x12];
	[sflag:s12] =	ssyncadd.s32 $0xFFFFE000  }
0x107: {  	[hbm4b:s22+s3] =	stream.linear.scatter [tilespmem:s8], [sflag:$0x13], $0x2000, $0x38;
	[tilespmem:$0x17400] =	vst v63  }
0x108: {  	_ =	swait.ge [sflag:s14], $0x2000  }
0x109: {  	[sflag:s14] =	ssyncset.done $0x0  }
0x10a: {  	s24 =	simm.s32 $0xB;
	s23 =	rddreg [dreg:$0x13];
	[sflag:s14] =	ssyncadd.s32 $0xFFFFE000  }
0x10b: {  	[hbm4b:s23+s3] =	stream.linear.scatter [tilespmem:s10], [sflag:$0x14], $0x2000, $0x38;
	[tilespmem:$0x17400] =	vst v63  }
0x10c: {  	_ =	swait.ge [sflag:s24], $0x2000  }
0x10d: {  	[sflag:s24] =	ssyncset.done $0x0  }
0x10e: {  	s25 =	simm.s32 $0xC;
	[sflag:s24] =	ssyncadd.s32 $0xFFFFE000  }
0x10f: {  	_ =	swait.ge [sflag:s25], $0x2000  }
0x110: {  	[sflag:s25] =	ssyncset.done $0x0  }
0x111: {  	s26 =	simm.s32 $0xD;
	[sflag:s25] =	ssyncadd.s32 $0xFFFFE000  }
0x112: {  	_ =	swait.ge [sflag:s26], $0x2000  }
0x113: {  	[sflag:s26] =	ssyncset.done $0x0  }
0x114: {  	[sflag:s26] =	ssyncadd.s32 $0xFFFFE000  }
0x115: {  	_ =	swait.ge [sflag:s11], $0x2000  }
0x116: {  	[sflag:s11] =	ssyncset.done $0x0  }
0x117: {  	[sflag:s11] =	ssyncadd.s32 $0xFFFFE000  }
0x118: {  	_ =	swait.ge [sflag:s13], $0x2000  }
0x119: {  	[sflag:s13] =	ssyncset.done $0x0  }
0x11a: {  	[sflag:s13] =	ssyncadd.s32 $0xFFFFE000  }
0x11b: {  	_ =	swait.ge [sflag:s15], $0x2000  }
0x11c: {  	[sflag:s15] =	ssyncset.done $0x0  }
0x11d: {  	[sflag:s15] =	ssyncadd.s32 $0xFFFFE000  }
0x11e: {  	_ =	swait.ge [sflag:s5], $0x2000  }
0x11f: {  	[sflag:s5] =	ssyncset.done $0x0  }
0x120: {  	[sflag:s5] =	ssyncadd.s32 $0xFFFFE000  }
0x121: {  	_ =	swait.ge [sflag:s16], $0x2000  }
0x122: {  	[sflag:s16] =	ssyncset.done $0x0  }
0x123: {  	[sflag:s16] =	ssyncadd.s32 $0xFFFFE000  }
0x124: {  	_ =	swait.ge [sflag:s18], $0x2000  }
0x125: {  	[sflag:s18] =	ssyncset.done $0x0  }
0x126: {  	[sflag:s18] =	ssyncadd.s32 $0xFFFFE000  }
0x127: {  	_ =	swait.ge [sflag:s20], $0x2000  }
0x128: {  	s29 =	rddreg [dreg:$0x15]  }
0x129: {  	s30 =	rddreg [dreg:$0x14];
	s0 =	sadd.s32 $0x1, s29  }
0x12a: {  	p0 =	sne.s32 s0, s30  }
.Ltmp1:
0x12b: {  	_ = 	snop;
	(pc) =	sbr.rel @p0 .LBB2_1-.Ltmp1, $3  }
0x12c: {  	_ =	sdelay $0x1  }
0x12d: {  	s28 =	simm.s32 $0x9400;
	s21 =	simm.s32 $0x3400;
	[sflag:s20] =	ssyncset.done $0x0  }
0x12e: {  	s25 =	simm.s32 $0x7400;
	s26 =	simm.s32 $0x5400;
	[sflag:s20] =	ssyncadd.s32 $0xFFFFE000  }
0x12f: {  	_ =	sfence.sel $0x180000  }
0x130: {  	[bflag:$0x0] =	sbarrier.arrive $0xFFFF  }
0x131: {  	_ =	strace $0x90000047  }
0x132: {  	s0 =	stileid.u32;
	[bflag:$0x2] =	sbarrier.arrive $0xFFFF  }
0x133: {  	p0 =	sne.s32 s0, $0x0;
	s0 =	rddreg [dreg:$0x3]  }
0x134: {  	s0 =	sadd.s32 @!p0 $0x100000, s0  }
0x135: {  	[sflag:s0] =	ssyncadd.tile.s32 @!p0 $0x1;
	_ =	shalt  }
.Lfunc_end2:
_tile_overlayer_lowered:
.L_overlay_start_2:
0x136: {  	(tag) =	ssettag $0x2  }
0x137: {  	s0 =	rddreg [dreg:$0x0];
	s2 =	stileid.u32  }
0x138: {  	s1 =	rddreg [dreg:$0x1];
	p0 =	sne.s32 s2, $0x0  }
0x139: {  	s3 =	rddreg [dreg:$0x2];
	[bflag:$0x3] =	sbarrier.arrive $0xFFFF;
	s2 =	simm.s32 @!p0 $0x1C15  }
0x13a: {  	[timem:s3], [sflag:s2] =	dma.local @!p0 [hbm:s0], s1  }
0x13b: {  	s0 =	simm.s32 @!p0 $0x15  }
0x13c: {  	_ =	swait.ge @!p0 [sflag:s0], s1  }
0x13d: {  	s1 =	ssub.s32 @!p0 $0x0, s1;
	[sflag:s0] =	ssyncset.done @!p0 $0x0  }
0x13e: {  	[sflag:s0] =	ssyncadd.s32 @!p0 s1  }
0x13f: {  	[bflag:$0x3] =	sbarrier.arrive $0xFFFF  }
0x140: {  	_ =	shalt  }

</sc_bundles>
